<compile_context>
chip_gen: v7x
topology: tpu7x:2x2x1
jax: 0.10.2.dev20260603
libtpu: 0.0.44.dev20260713+nightly
codegen_flags: <defaults>
</compile_context>

<pallas_src>
import functools

import jax
import jax.numpy as jnp
from jax import lax
from jax.experimental import pallas as pl
from jax.experimental.pallas import tpu as pltpu
from jax.experimental.pallas import tpu_sc as plsc

N = 10000
E = 320000
IN_DIM = 128
H1 = 128
H2 = 128
OUT = 64

NC = 2
NS = 16
NW = NC * NS
K = 64
NBUF = 4
EP = 327680
TCH = EP // K
DCH = TCH // NW
NACC = 10240
RPT = NACC // NS
DEG_D = 16
RB = 1024
GRID = NACC // RB

_mesh = lambda: plsc.VectorSubcoreMesh(
    core_axis_name="c", subcore_axis_name="s", num_cores=NC)


def _make_sc_agg(D, KA, PHA, nbuf=NBUF):
    tch = EP // KA
    ch = tch // NW
    nph = ch // PHA
    assert ch * NW == tch and nph * PHA == ch and PHA % nbuf == 0

    @functools.partial(
        pl.kernel,
        out_type=jax.ShapeDtypeStruct((NC, NACC, D), jnp.float32),
        mesh=_mesh(),
        scratch_types=[
            pltpu.VMEM((PHA, KA), jnp.int32),
            pltpu.VMEM((PHA, KA), jnp.int32),
            [pltpu.VMEM((KA, D), jnp.float32) for _ in range(nbuf)],
            pltpu.VMEM_SHARED((NACC, D), jnp.float32),
            [pltpu.SemaphoreType.DMA for _ in range(nbuf)],
        ],
        compiler_params=pltpu.CompilerParams(use_tc_tiling_on_sc=False),
    )
    def agg(h_hbm, src_hbm, dst_hbm, zeros_hbm, out_hbm,
            sidx, didx, rows, acc, gsems):
        c = lax.axis_index("c")
        s = lax.axis_index("s")
        r0 = s * RPT
        start = (c * NS + s) * ch
        pltpu.sync_copy(zeros_hbm, acc.at[pl.ds(r0, RPT)])
        plsc.subcore_barrier()

        def one(ci, b):
            pltpu.make_async_copy(h_hbm.at[sidx.at[ci]], rows[b],
                                  gsems[b]).wait()
            pltpu.sync_copy(rows[b], acc.at[didx.at[ci]], add=True)

            @pl.when(ci + nbuf < PHA)
            def _():
                pltpu.async_copy(h_hbm.at[sidx.at[ci + nbuf]], rows[b],
                                 gsems[b])

        def group(tt, carry):
            for b in range(nbuf):
                one(nbuf * tt + b, b)
            return carry

        for ph in range(nph):
            pbase = start + ph * PHA
            pltpu.sync_copy(src_hbm.at[pl.ds(pbase, PHA)], sidx)
            pltpu.sync_copy(dst_hbm.at[pl.ds(pbase, PHA)], didx)
            for b in range(nbuf):
                pltpu.async_copy(h_hbm.at[sidx.at[b]], rows[b], gsems[b])
            lax.fori_loop(0, PHA // nbuf, group, 0)

        plsc.subcore_barrier()
        pltpu.sync_copy(acc.at[pl.ds(r0, RPT)], out_hbm.at[c, pl.ds(r0, RPT)])

    return agg


K128 = 64
K64 = 128
_sc_agg128 = _make_sc_agg(128, K128, 80)
_sc_agg64 = _make_sc_agg(OUT, K64, 80)


@functools.partial(
    pl.kernel,
    out_type=jax.ShapeDtypeStruct((NC, NACC, DEG_D), jnp.float32),
    mesh=_mesh(),
    scratch_types=[
        pltpu.VMEM((DCH, K), jnp.int32),
        pltpu.VMEM((K, DEG_D), jnp.float32),
        pltpu.VMEM_SHARED((NACC, DEG_D), jnp.float32),
    ],
    compiler_params=pltpu.CompilerParams(use_tc_tiling_on_sc=False),
)
def _sc_deg(dst_hbm, ones_hbm, zeros_hbm, out_hbm, didx, ones_v, acc):
    c = lax.axis_index("c")
    s = lax.axis_index("s")
    r0 = s * RPT
    wid = c * NS + s
    pltpu.sync_copy(dst_hbm.at[pl.ds(wid * DCH, DCH)], didx)
    pltpu.sync_copy(ones_hbm, ones_v)
    pltpu.sync_copy(zeros_hbm, acc.at[pl.ds(r0, RPT)])
    plsc.subcore_barrier()

    def chunk(i, carry):
        pltpu.sync_copy(ones_v, acc.at[didx.at[i]], add=True)
        return carry

    lax.fori_loop(0, DCH, chunk, 0)
    plsc.subcore_barrier()
    pltpu.sync_copy(acc.at[pl.ds(r0, RPT)], out_hbm.at[c, pl.ds(r0, RPT)])


def _tc_matmul(x_p, W1):

    def body(x_ref, w_ref, o_ref):
        o_ref[...] = jnp.dot(x_ref[...], w_ref[...],
                             preferred_element_type=jnp.float32)

    return pl.pallas_call(
        body,
        grid=(GRID,),
        in_specs=[
            pl.BlockSpec((RB, IN_DIM), lambda i: (i, 0)),
            pl.BlockSpec((IN_DIM, H1), lambda i: (0, 0)),
        ],
        out_specs=pl.BlockSpec((RB, H1), lambda i: (i, 0)),
        out_shape=jax.ShapeDtypeStruct((NACC, H1), jnp.float32),
    )(x_p, W1)


def _tc_scale(t1, p0, p1):

    def body(t_ref, p0_ref, p1_ref, g_ref, dv_ref):
        deg = p0_ref[...] + p1_ref[...] + 1.0
        dv = lax.rsqrt(deg)
        dv_ref[...] = dv
        g_ref[...] = t_ref[...] * dv[:, 0:1]

    return pl.pallas_call(
        body,
        grid=(GRID,),
        in_specs=[
            pl.BlockSpec((RB, H1), lambda i: (i, 0)),
            pl.BlockSpec((RB, DEG_D), lambda i: (i, 0)),
            pl.BlockSpec((RB, DEG_D), lambda i: (i, 0)),
        ],
        out_specs=[
            pl.BlockSpec((RB, H1), lambda i: (i, 0)),
            pl.BlockSpec((RB, DEG_D), lambda i: (i, 0)),
        ],
        out_shape=[
            jax.ShapeDtypeStruct((NACC, H1), jnp.float32),
            jax.ShapeDtypeStruct((NACC, DEG_D), jnp.float32),
        ],
    )(t1, p0, p1)


def _tc_mid(sa, sb, g, dv, b, W, d_in, d_out):

    def body(sa_ref, sb_ref, g_ref, dv_ref, b_ref, w_ref, o_ref):
        dvc = dv_ref[...][:, 0:1]
        z = jnp.maximum(
            dvc * (sa_ref[...] + sb_ref[...] + g_ref[...]) + b_ref[...], 0.0)
        o_ref[...] = jnp.dot(z, w_ref[...],
                             preferred_element_type=jnp.float32) * dvc

    return pl.pallas_call(
        body,
        grid=(GRID,),
        in_specs=[
            pl.BlockSpec((RB, d_in), lambda i: (i, 0)),
            pl.BlockSpec((RB, d_in), lambda i: (i, 0)),
            pl.BlockSpec((RB, d_in), lambda i: (i, 0)),
            pl.BlockSpec((RB, DEG_D), lambda i: (i, 0)),
            pl.BlockSpec((1, d_in), lambda i: (0, 0)),
            pl.BlockSpec((d_in, d_out), lambda i: (0, 0)),
        ],
        out_specs=pl.BlockSpec((RB, d_out), lambda i: (i, 0)),
        out_shape=jax.ShapeDtypeStruct((NACC, d_out), jnp.float32),
    )(sa, sb, g, dv, b, W)


def _tc_final(sa, sb, g, dv, b):

    def body(sa_ref, sb_ref, g_ref, dv_ref, b_ref, o_ref):
        dvc = dv_ref[...][:, 0:1]
        z = dvc * (sa_ref[...] + sb_ref[...] + g_ref[...]) + b_ref[...]
        m = jnp.max(z, axis=1, keepdims=True)
        e = jnp.exp(z - m)
        o_ref[...] = z - m - jnp.log(jnp.sum(e, axis=1, keepdims=True))

    return pl.pallas_call(
        body,
        grid=(GRID,),
        in_specs=[
            pl.BlockSpec((RB, OUT), lambda i: (i, 0)),
            pl.BlockSpec((RB, OUT), lambda i: (i, 0)),
            pl.BlockSpec((RB, OUT), lambda i: (i, 0)),
            pl.BlockSpec((RB, DEG_D), lambda i: (i, 0)),
            pl.BlockSpec((1, OUT), lambda i: (0, 0)),
        ],
        out_specs=pl.BlockSpec((RB, OUT), lambda i: (i, 0)),
        out_shape=jax.ShapeDtypeStruct((NACC, OUT), jnp.float32),
    )(sa, sb, g, dv, b)


def kernel(x, edge_index, W1, b1, W2, b2, W3, b3):
    src = edge_index[0]
    dst = edge_index[1]
    pad = EP - E
    pad_idx = (jnp.arange(pad, dtype=jnp.int32) % (NACC - N - 16)) + N + 16
    src_f = jnp.concatenate([src, pad_idx])
    dst_f = jnp.concatenate([dst, pad_idx])
    src_p = src_f.reshape(TCH, K)
    dst_p = dst_f.reshape(TCH, K)
    src_w = src_f.reshape(EP // K64, K64)
    dst_w = dst_f.reshape(EP // K64, K64)
    ones16 = jnp.ones((K, DEG_D), jnp.float32)
    z16 = jnp.zeros((RPT, DEG_D), jnp.float32)
    z128 = jnp.zeros((RPT, 128), jnp.float32)
    z64 = jnp.zeros((RPT, OUT), jnp.float32)
    x_p = jnp.pad(x, ((0, NACC - N), (0, 0)))

    degP = _sc_deg(dst_p, ones16, z16)
    t1 = _tc_matmul(x_p, W1)
    g1, dv = _tc_scale(t1, degP[0], degP[1])
    S1 = _sc_agg128(g1, src_p, dst_p, z128)
    g2 = _tc_mid(S1[0], S1[1], g1, dv, b1.reshape(1, -1), W2, H1, H2)
    S2 = _sc_agg128(g2, src_p, dst_p, z128)
    g3 = _tc_mid(S2[0], S2[1], g2, dv, b2.reshape(1, -1), W3, H2, OUT)
    S3 = _sc_agg64(g3, src_w, dst_w, z64)
    out = _tc_final(S3[0], S3[1], g3, dv, b3.reshape(1, -1))
    return out[:N]

# --- scband reference (transcript-rebuilt; emitter-appended) ---
"""Pipeline reference for scband-spectral-gcn-out-layer-6004364280508 (READ-ONLY COPY).

The authoritative reference and input builder live on the scoring server;
editing this copy changes nothing except your own understanding.
"""

import jax, jax.numpy as jnp
import numpy as np

N = 10000
E = 320000
IN_DIM = 128
H1 = 128
H2 = 128
OUT = 64


def gcn_conv(x, src, dst, W, b, num_nodes):
    # PyG GCNConv: add self-loops, symmetric normalization, linear transform, scatter-add aggregation
    h = x @ W
    deg = jnp.zeros((num_nodes,), dtype=h.dtype).at[dst].add(1.0)
    dinv = jnp.where(deg > 0, 1.0 / jnp.sqrt(deg), 0.0)
    norm = dinv[src] * dinv[dst]
    msg = h[src] * norm[:, None]
    out = jnp.zeros((num_nodes, h.shape[1]), dtype=h.dtype).at[dst].add(msg)
    return out + b


def setup_inputs(seed: int = 0):
    key = jax.random.key(seed)
    ks = jax.random.split(key, 8)
    x = jax.random.normal(ks[0], (N, IN_DIM), dtype=jnp.float32)
    edge_index = jax.random.randint(ks[1], (2, E), 0, N, dtype=jnp.int32)
    W1 = jax.random.normal(ks[2], (IN_DIM, H1), dtype=jnp.float32) * (1.0 / np.sqrt(IN_DIM))
    b1 = jnp.zeros((H1,), dtype=jnp.float32)
    W2 = jax.random.normal(ks[3], (H1, H2), dtype=jnp.float32) * (1.0 / np.sqrt(H1))
    b2 = jnp.zeros((H2,), dtype=jnp.float32)
    W3 = jax.random.normal(ks[4], (H2, OUT), dtype=jnp.float32) * (1.0 / np.sqrt(H2))
    b3 = jnp.zeros((OUT,), dtype=jnp.float32)
    return {"x": x, "edge_index": edge_index, "W1": W1, "b1": b1, "W2": W2, "b2": b2, "W3": W3, "b3": b3}


def reference(x, edge_index, W1, b1, W2, b2, W3, b3):
    loop = jnp.arange(N, dtype=edge_index.dtype)
    src = jnp.concatenate([edge_index[0], loop])
    dst = jnp.concatenate([edge_index[1], loop])
    h = gcn_conv(x, src, dst, W1, b1, N)
    h = jax.nn.relu(h)
    # dropout is identity in eval mode
    h = gcn_conv(h, src, dst, W2, b2, N)
    h = jax.nn.relu(h)
    # lin=False: spectral branch skipped
    h = gcn_conv(h, src, dst, W3, b3, N)
    return jax.nn.log_softmax(h, axis=1)

if __name__ == "__main__":
    import jax
    _d = setup_inputs()
    print(jax.jit(kernel)(*tuple(_d.values())))

</pallas_src>

<mosaic_0001>
#map = affine_map<(d0, d1) -> (0, 0)>
#map1 = affine_map<(d0, d1) -> (0, 0, 0)>
module attributes {stable_mosaic.version = 14 : i64} {
  func.func @agg(%arg0: i32, %arg1: i32, %arg2: memref<10240x128xf32, #tpu.memory_space<hbm>>, %arg3: memref<5120x64xi32, #tpu.memory_space<hbm>>, %arg4: memref<5120x64xi32, #tpu.memory_space<hbm>>, %arg5: memref<640x128xf32, #tpu.memory_space<hbm>>, %arg6: memref<2x10240x128xf32, #tpu.memory_space<hbm>>, %arg7: memref<80x64xi32, #tpu.memory_space<vmem>>, %arg8: memref<80x64xi32, #tpu.memory_space<vmem>>, %arg9: memref<64x128xf32, #tpu.memory_space<vmem>>, %arg10: memref<64x128xf32, #tpu.memory_space<vmem>>, %arg11: memref<64x128xf32, #tpu.memory_space<vmem>>, %arg12: memref<64x128xf32, #tpu.memory_space<vmem>>, %arg13: memref<10240x128xf32, #tpu.memory_space<vmem_shared>>, %arg14: memref<!tpu.dma_semaphore, #tpu.memory_space<semaphore_mem>>, %arg15: memref<!tpu.dma_semaphore, #tpu.memory_space<semaphore_mem>>, %arg16: memref<!tpu.dma_semaphore, #tpu.memory_space<semaphore_mem>>, %arg17: memref<!tpu.dma_semaphore, #tpu.memory_space<semaphore_mem>>) attributes {dimension_semantics = [#tpu.dimension_semantics<core_parallel>, #tpu.dimension_semantics<subcore_parallel>], iteration_bounds = array<i64: 2, 16>, scalar_prefetch = 0 : i64, scratch_operands = 11 : i64, tpu.core_type = #tpu.core_type<sc_vector_subcore>, window_params = [{transform_indices = #map}, {transform_indices = #map}, {transform_indices = #map}, {transform_indices = #map}, {transform_indices = #map1}]} {
    %mul3A = arith.constant 640 : i32
    %mul3A_0 = arith.muli %arg1, %mul3A : i32
    %mul3A_1 = arith.constant 16 : i32
    %mul3A_2 = arith.muli %arg0, %mul3A_1 : i32
    %add3A = arith.addi %mul3A_2, %arg1 : i32
    %mul3A_3 = arith.constant 160 : i32
    %mul3A_4 = arith.muli %add3A, %mul3A_3 : i32
    "tpu.region"() ({
      %run_scoped3A = tpu.sem_alloc : memref<!tpu.dma_semaphore, #tpu.memory_space<semaphore_mem>>
      %dma_start3A_76 = arith.constant 0 : i32
      %dma_start3A_77 = tpu.memref_slice %arg13[%mul3A_0, %dma_start3A_76] : memref<10240x128xf32, #tpu.memory_space<vmem_shared>> -> memref<640x128xf32, #tpu.memory_space<vmem_shared>>
      tpu.enqueue_dma source(%arg5 : memref<640x128xf32, #tpu.memory_space<hbm>>) target(%dma_start3A_77 : memref<640x128xf32, #tpu.memory_space<vmem_shared>>) target_semaphore(%run_scoped3A : memref<!tpu.dma_semaphore, #tpu.memory_space<semaphore_mem>>)
      %dma_wait3A = arith.constant 0 : i32
      %dma_wait3A_78 = tpu.memref_slice %arg13[%mul3A_0, %dma_wait3A] : memref<10240x128xf32, #tpu.memory_space<vmem_shared>> -> memref<640x128xf32, #tpu.memory_space<vmem_shared>>
      tpu.wait_dma2 semaphore(%run_scoped3A : memref<!tpu.dma_semaphore, #tpu.memory_space<semaphore_mem>>) src(%arg5 : memref<640x128xf32, #tpu.memory_space<hbm>>) dst(%dma_wait3A_78 : memref<640x128xf32, #tpu.memory_space<vmem_shared>>)
      tpu.yield
    }) : () -> ()
    %barrier3A = arith.constant 0 : index
    tpu.barrier barrier_id(%barrier3A)
    %add3A_5 = arith.constant 0 : i32
    %add3A_6 = arith.addi %mul3A_4, %add3A_5 : i32
    "tpu.region"() ({
      %run_scoped3A = tpu.sem_alloc : memref<!tpu.dma_semaphore, #tpu.memory_space<semaphore_mem>>
      %dma_start3A_76 = arith.constant 0 : i32
      %dma_start3A_77 = tpu.memref_slice %arg3[%add3A_6, %dma_start3A_76] : memref<5120x64xi32, #tpu.memory_space<hbm>> -> memref<80x64xi32, #tpu.memory_space<hbm>>
      %dma_start3A_78 = arith.constant 0 : i32
      %dma_start3A_79 = tpu.memref_slice %arg3[%add3A_6, %dma_start3A_78] : memref<5120x64xi32, #tpu.memory_space<hbm>> -> memref<80x64xi32, #tpu.memory_space<hbm>>
      tpu.enqueue_dma source(%dma_start3A_79 : memref<80x64xi32, #tpu.memory_space<hbm>>) target(%arg7 : memref<80x64xi32, #tpu.memory_space<vmem>>) target_semaphore(%run_scoped3A : memref<!tpu.dma_semaphore, #tpu.memory_space<semaphore_mem>>)
      %dma_wait3A = arith.constant 0 : i32
      %dma_wait3A_80 = tpu.memref_slice %arg3[%add3A_6, %dma_wait3A] : memref<5120x64xi32, #tpu.memory_space<hbm>> -> memref<80x64xi32, #tpu.memory_space<hbm>>
      %dma_wait3A_81 = arith.constant 0 : i32
      %dma_wait3A_82 = tpu.memref_slice %arg3[%add3A_6, %dma_wait3A_81] : memref<5120x64xi32, #tpu.memory_space<hbm>> -> memref<80x64xi32, #tpu.memory_space<hbm>>
      tpu.wait_dma2 semaphore(%run_scoped3A : memref<!tpu.dma_semaphore, #tpu.memory_space<semaphore_mem>>) src(%dma_wait3A_82 : memref<80x64xi32, #tpu.memory_space<hbm>>) dst(%arg7 : memref<80x64xi32, #tpu.memory_space<vmem>>)
      tpu.yield
    }) : () -> ()
    "tpu.region"() ({
      %run_scoped3A = tpu.sem_alloc : memref<!tpu.dma_semaphore, #tpu.memory_space<semaphore_mem>>
      %dma_start3A_76 = arith.constant 0 : i32
      %dma_start3A_77 = tpu.memref_slice %arg4[%add3A_6, %dma_start3A_76] : memref<5120x64xi32, #tpu.memory_space<hbm>> -> memref<80x64xi32, #tpu.memory_space<hbm>>
      %dma_start3A_78 = arith.constant 0 : i32
      %dma_start3A_79 = tpu.memref_slice %arg4[%add3A_6, %dma_start3A_78] : memref<5120x64xi32, #tpu.memory_space<hbm>> -> memref<80x64xi32, #tpu.memory_space<hbm>>
      tpu.enqueue_dma source(%dma_start3A_79 : memref<80x64xi32, #tpu.memory_space<hbm>>) target(%arg8 : memref<80x64xi32, #tpu.memory_space<vmem>>) target_semaphore(%run_scoped3A : memref<!tpu.dma_semaphore, #tpu.memory_space<semaphore_mem>>)
      %dma_wait3A = arith.constant 0 : i32
      %dma_wait3A_80 = tpu.memref_slice %arg4[%add3A_6, %dma_wait3A] : memref<5120x64xi32, #tpu.memory_space<hbm>> -> memref<80x64xi32, #tpu.memory_space<hbm>>
      %dma_wait3A_81 = arith.constant 0 : i32
      %dma_wait3A_82 = tpu.memref_slice %arg4[%add3A_6, %dma_wait3A_81] : memref<5120x64xi32, #tpu.memory_space<hbm>> -> memref<80x64xi32, #tpu.memory_space<hbm>>
      tpu.wait_dma2 semaphore(%run_scoped3A : memref<!tpu.dma_semaphore, #tpu.memory_space<semaphore_mem>>) src(%dma_wait3A_82 : memref<80x64xi32, #tpu.memory_space<hbm>>) dst(%arg8 : memref<80x64xi32, #tpu.memory_space<vmem>>)
      tpu.yield
    }) : () -> ()
    %dma_start3A = arith.constant 0 : i32
    %dma_start3A_7 = arith.constant 0 : i32
    %dma_start3A_8 = tpu.memref_slice %arg7[%dma_start3A, %dma_start3A_7] : memref<80x64xi32, #tpu.memory_space<vmem>> -> memref<1x64xi32, #tpu.memory_space<vmem>>
    %dma_start3A_9 = tpu.memref_squeeze %dma_start3A_8 : memref<1x64xi32, #tpu.memory_space<vmem>> -> memref<64xi32, #tpu.memory_space<vmem>>
    %dma_start3A_10 = arith.constant 0 : i32
    %dma_start3A_11 = arith.constant 0 : i32
    %dma_start3A_12 = tpu.memref_slice %arg2[%dma_start3A_10, %dma_start3A_11] : memref<10240x128xf32, #tpu.memory_space<hbm>> -> memref<10240x128xf32, #tpu.memory_space<hbm>>
    tpu.enqueue_indirect_dma source(%dma_start3A_12 : memref<10240x128xf32, #tpu.memory_space<hbm>>) target(%arg9 : memref<64x128xf32, #tpu.memory_space<vmem>>) offsets(%dma_start3A_9 : memref<64xi32, #tpu.memory_space<vmem>>) semaphore(%arg14 : memref<!tpu.dma_semaphore, #tpu.memory_space<semaphore_mem>>)
    %dma_start3A_13 = arith.constant 1 : i32
    %dma_start3A_14 = arith.constant 0 : i32
    %dma_start3A_15 = tpu.memref_slice %arg7[%dma_start3A_13, %dma_start3A_14] : memref<80x64xi32, #tpu.memory_space<vmem>> -> memref<1x64xi32, #tpu.memory_space<vmem>>
    %dma_start3A_16 = tpu.memref_squeeze %dma_start3A_15 : memref<1x64xi32, #tpu.memory_space<vmem>> -> memref<64xi32, #tpu.memory_space<vmem>>
    %dma_start3A_17 = arith.constant 0 : i32
    %dma_start3A_18 = arith.constant 0 : i32
    %dma_start3A_19 = tpu.memref_slice %arg2[%dma_start3A_17, %dma_start3A_18] : memref<10240x128xf32, #tpu.memory_space<hbm>> -> memref<10240x128xf32, #tpu.memory_space<hbm>>
    tpu.enqueue_indirect_dma source(%dma_start3A_19 : memref<10240x128xf32, #tpu.memory_space<hbm>>) target(%arg10 : memref<64x128xf32, #tpu.memory_space<vmem>>) offsets(%dma_start3A_16 : memref<64xi32, #tpu.memory_space<vmem>>) semaphore(%arg15 : memref<!tpu.dma_semaphore, #tpu.memory_space<semaphore_mem>>)
    %dma_start3A_20 = arith.constant 2 : i32
    %dma_start3A_21 = arith.constant 0 : i32
    %dma_start3A_22 = tpu.memref_slice %arg7[%dma_start3A_20, %dma_start3A_21] : memref<80x64xi32, #tpu.memory_space<vmem>> -> memref<1x64xi32, #tpu.memory_space<vmem>>
    %dma_start3A_23 = tpu.memref_squeeze %dma_start3A_22 : memref<1x64xi32, #tpu.memory_space<vmem>> -> memref<64xi32, #tpu.memory_space<vmem>>
    %dma_start3A_24 = arith.constant 0 : i32
    %dma_start3A_25 = arith.constant 0 : i32
    %dma_start3A_26 = tpu.memref_slice %arg2[%dma_start3A_24, %dma_start3A_25] : memref<10240x128xf32, #tpu.memory_space<hbm>> -> memref<10240x128xf32, #tpu.memory_space<hbm>>
    tpu.enqueue_indirect_dma source(%dma_start3A_26 : memref<10240x128xf32, #tpu.memory_space<hbm>>) target(%arg11 : memref<64x128xf32, #tpu.memory_space<vmem>>) offsets(%dma_start3A_23 : memref<64xi32, #tpu.memory_space<vmem>>) semaphore(%arg16 : memref<!tpu.dma_semaphore, #tpu.memory_space<semaphore_mem>>)
    %dma_start3A_27 = arith.constant 3 : i32
    %dma_start3A_28 = arith.constant 0 : i32
    %dma_start3A_29 = tpu.memref_slice %arg7[%dma_start3A_27, %dma_start3A_28] : memref<80x64xi32, #tpu.memory_space<vmem>> -> memref<1x64xi32, #tpu.memory_space<vmem>>
    %dma_start3A_30 = tpu.memref_squeeze %dma_start3A_29 : memref<1x64xi32, #tpu.memory_space<vmem>> -> memref<64xi32, #tpu.memory_space<vmem>>
    %dma_start3A_31 = arith.constant 0 : i32
    %dma_start3A_32 = arith.constant 0 : i32
    %dma_start3A_33 = tpu.memref_slice %arg2[%dma_start3A_31, %dma_start3A_32] : memref<10240x128xf32, #tpu.memory_space<hbm>> -> memref<10240x128xf32, #tpu.memory_space<hbm>>
    tpu.enqueue_indirect_dma source(%dma_start3A_33 : memref<10240x128xf32, #tpu.memory_space<hbm>>) target(%arg12 : memref<64x128xf32, #tpu.memory_space<vmem>>) offsets(%dma_start3A_30 : memref<64xi32, #tpu.memory_space<vmem>>) semaphore(%arg17 : memref<!tpu.dma_semaphore, #tpu.memory_space<semaphore_mem>>)
    %scan3A = arith.constant 0 : i32
    %scan3A_34 = arith.constant 0 : i32
    %scan3A_35 = arith.constant 20 : i32
    %scan3A_36 = arith.addi %scan3A_34, %scan3A_35 : i32
    %scan3A_37 = arith.constant 1 : i32
    scf.for %scan3A_76 = %scan3A_34 to %scan3A_36 step %scan3A_37  : i32 {
      %mul3A_77 = arith.constant 4 : i32
      %mul3A_78 = arith.muli %mul3A_77, %scan3A_76 : i32
      %add3A_79 = arith.constant 0 : i32
      %add3A_80 = arith.addi %mul3A_78, %add3A_79 : i32
      %dma_wait3A = arith.constant 0 : i32
      %dma_wait3A_81 = tpu.memref_slice %arg7[%add3A_80, %dma_wait3A] : memref<80x64xi32, #tpu.memory_space<vmem>> -> memref<1x64xi32, #tpu.memory_space<vmem>>
      %dma_wait3A_82 = tpu.memref_squeeze %dma_wait3A_81 : memref<1x64xi32, #tpu.memory_space<vmem>> -> memref<64xi32, #tpu.memory_space<vmem>>
      %dma_wait3A_83 = arith.constant 0 : i32
      %dma_wait3A_84 = arith.constant 0 : i32
      %dma_wait3A_85 = tpu.memref_slice %arg2[%dma_wait3A_83, %dma_wait3A_84] : memref<10240x128xf32, #tpu.memory_space<hbm>> -> memref<10240x128xf32, #tpu.memory_space<hbm>>
      tpu.wait_indirect_dma semaphore(%arg14 : memref<!tpu.dma_semaphore, #tpu.memory_space<semaphore_mem>>) src(%dma_wait3A_85 : memref<10240x128xf32, #tpu.memory_space<hbm>>) dst(%arg9 : memref<64x128xf32, #tpu.memory_space<vmem>>)
      "tpu.region"() ({
        %run_scoped3A = tpu.sem_alloc : memref<!tpu.dma_semaphore, #tpu.memory_space<semaphore_mem>>
        %dma_start3A_141 = arith.constant 0 : i32
        %dma_start3A_142 = tpu.memref_slice %arg8[%add3A_80, %dma_start3A_141] : memref<80x64xi32, #tpu.memory_space<vmem>> -> memref<1x64xi32, #tpu.memory_space<vmem>>
        %dma_start3A_143 = tpu.memref_squeeze %dma_start3A_142 : memref<1x64xi32, #tpu.memory_space<vmem>> -> memref<64xi32, #tpu.memory_space<vmem>>
        %dma_start3A_144 = arith.constant 0 : i32
        %dma_start3A_145 = arith.constant 0 : i32
        %dma_start3A_146 = tpu.memref_slice %arg13[%dma_start3A_144, %dma_start3A_145] : memref<10240x128xf32, #tpu.memory_space<vmem_shared>> -> memref<10240x128xf32, #tpu.memory_space<vmem_shared>>
        tpu.enqueue_indirect_dma source(%arg9 : memref<64x128xf32, #tpu.memory_space<vmem>>) target(%dma_start3A_146 : memref<10240x128xf32, #tpu.memory_space<vmem_shared>>) offsets(%dma_start3A_143 : memref<64xi32, #tpu.memory_space<vmem>>) semaphore(%run_scoped3A : memref<!tpu.dma_semaphore, #tpu.memory_space<semaphore_mem>>) {add = true}
        %dma_wait3A_147 = arith.constant 0 : i32
        %dma_wait3A_148 = tpu.memref_slice %arg8[%add3A_80, %dma_wait3A_147] : memref<80x64xi32, #tpu.memory_space<vmem>> -> memref<1x64xi32, #tpu.memory_space<vmem>>
        %dma_wait3A_149 = tpu.memref_squeeze %dma_wait3A_148 : memref<1x64xi32, #tpu.memory_space<vmem>> -> memref<64xi32, #tpu.memory_space<vmem>>
        %dma_wait3A_150 = arith.constant 0 : i32
        %dma_wait3A_151 = arith.constant 0 : i32
        %dma_wait3A_152 = tpu.memref_slice %arg13[%dma_wait3A_150, %dma_wait3A_151] : memref<10240x128xf32, #tpu.memory_space<vmem_shared>> -> memref<10240x128xf32, #tpu.memory_space<vmem_shared>>
        tpu.wait_indirect_dma semaphore(%run_scoped3A : memref<!tpu.dma_semaphore, #tpu.memory_space<semaphore_mem>>) src(%arg9 : memref<64x128xf32, #tpu.memory_space<vmem>>) dst(%dma_wait3A_152 : memref<10240x128xf32, #tpu.memory_space<vmem_shared>>)
        tpu.yield
      }) : () -> ()
      %add3A_86 = arith.constant 4 : i32
      %add3A_87 = arith.addi %add3A_80, %add3A_86 : i32
      %lt3A = arith.constant 80 : i32
      %lt3A_88 = arith.cmpi slt, %add3A_87, %lt3A : i32
      %convert_element_type3A = arith.extui %lt3A_88 : i1 to i32
      %cond3A = arith.constant 0 : i32
      %cond3A_89 = arith.cmpi ne, %convert_element_type3A, %cond3A : i32
      scf.if %cond3A_89 {
        %add3A_141 = arith.constant 4 : i32
        %add3A_142 = arith.addi %add3A_80, %add3A_141 : i32
        %dma_start3A_143 = arith.constant 0 : i32
        %dma_start3A_144 = tpu.memref_slice %arg7[%add3A_142, %dma_start3A_143] : memref<80x64xi32, #tpu.memory_space<vmem>> -> memref<1x64xi32, #tpu.memory_space<vmem>>
        %dma_start3A_145 = tpu.memref_squeeze %dma_start3A_144 : memref<1x64xi32, #tpu.memory_space<vmem>> -> memref<64xi32, #tpu.memory_space<vmem>>
        %dma_start3A_146 = arith.constant 0 : i32
        %dma_start3A_147 = arith.constant 0 : i32
        %dma_start3A_148 = tpu.memref_slice %arg2[%dma_start3A_146, %dma_start3A_147] : memref<10240x128xf32, #tpu.memory_space<hbm>> -> memref<10240x128xf32, #tpu.memory_space<hbm>>
        tpu.enqueue_indirect_dma source(%dma_start3A_148 : memref<10240x128xf32, #tpu.memory_space<hbm>>) target(%arg9 : memref<64x128xf32, #tpu.memory_space<vmem>>) offsets(%dma_start3A_145 : memref<64xi32, #tpu.memory_space<vmem>>) semaphore(%arg14 : memref<!tpu.dma_semaphore, #tpu.memory_space<semaphore_mem>>)
      } else {
      }
      %mul3A_90 = arith.constant 4 : i32
      %mul3A_91 = arith.muli %mul3A_90, %scan3A_76 : i32
      %add3A_92 = arith.constant 1 : i32
      %add3A_93 = arith.addi %mul3A_91, %add3A_92 : i32
      %dma_wait3A_94 = arith.constant 0 : i32
      %dma_wait3A_95 = tpu.memref_slice %arg7[%add3A_93, %dma_wait3A_94] : memref<80x64xi32, #tpu.memory_space<vmem>> -> memref<1x64xi32, #tpu.memory_space<vmem>>
      %dma_wait3A_96 = tpu.memref_squeeze %dma_wait3A_95 : memref<1x64xi32, #tpu.memory_space<vmem>> -> memref<64xi32, #tpu.memory_space<vmem>>
      %dma_wait3A_97 = arith.constant 0 : i32
      %dma_wait3A_98 = arith.constant 0 : i32
      %dma_wait3A_99 = tpu.memref_slice %arg2[%dma_wait3A_97, %dma_wait3A_98] : memref<10240x128xf32, #tpu.memory_space<hbm>> -> memref<10240x128xf32, #tpu.memory_space<hbm>>
      tpu.wait_indirect_dma semaphore(%arg15 : memref<!tpu.dma_semaphore, #tpu.memory_space<semaphore_mem>>) src(%dma_wait3A_99 : memref<10240x128xf32, #tpu.memory_space<hbm>>) dst(%arg10 : memref<64x128xf32, #tpu.memory_space<vmem>>)
      "tpu.region"() ({
        %run_scoped3A = tpu.sem_alloc : memref<!tpu.dma_semaphore, #tpu.memory_space<semaphore_mem>>
        %dma_start3A_141 = arith.constant 0 : i32
        %dma_start3A_142 = tpu.memref_slice %arg8[%add3A_93, %dma_start3A_141] : memref<80x64xi32, #tpu.memory_space<vmem>> -> memref<1x64xi32, #tpu.memory_space<vmem>>
        %dma_start3A_143 = tpu.memref_squeeze %dma_start3A_142 : memref<1x64xi32, #tpu.memory_space<vmem>> -> memref<64xi32, #tpu.memory_space<vmem>>
        %dma_start3A_144 = arith.constant 0 : i32
        %dma_start3A_145 = arith.constant 0 : i32
        %dma_start3A_146 = tpu.memref_slice %arg13[%dma_start3A_144, %dma_start3A_145] : memref<10240x128xf32, #tpu.memory_space<vmem_shared>> -> memref<10240x128xf32, #tpu.memory_space<vmem_shared>>
        tpu.enqueue_indirect_dma source(%arg10 : memref<64x128xf32, #tpu.memory_space<vmem>>) target(%dma_start3A_146 : memref<10240x128xf32, #tpu.memory_space<vmem_shared>>) offsets(%dma_start3A_143 : memref<64xi32, #tpu.memory_space<vmem>>) semaphore(%run_scoped3A : memref<!tpu.dma_semaphore, #tpu.memory_space<semaphore_mem>>) {add = true}
        %dma_wait3A_147 = arith.constant 0 : i32
        %dma_wait3A_148 = tpu.memref_slice %arg8[%add3A_93, %dma_wait3A_147] : memref<80x64xi32, #tpu.memory_space<vmem>> -> memref<1x64xi32, #tpu.memory_space<vmem>>
        %dma_wait3A_149 = tpu.memref_squeeze %dma_wait3A_148 : memref<1x64xi32, #tpu.memory_space<vmem>> -> memref<64xi32, #tpu.memory_space<vmem>>
        %dma_wait3A_150 = arith.constant 0 : i32
        %dma_wait3A_151 = arith.constant 0 : i32
        %dma_wait3A_152 = tpu.memref_slice %arg13[%dma_wait3A_150, %dma_wait3A_151] : memref<10240x128xf32, #tpu.memory_space<vmem_shared>> -> memref<10240x128xf32, #tpu.memory_space<vmem_shared>>
        tpu.wait_indirect_dma semaphore(%run_scoped3A : memref<!tpu.dma_semaphore, #tpu.memory_space<semaphore_mem>>) src(%arg10 : memref<64x128xf32, #tpu.memory_space<vmem>>) dst(%dma_wait3A_152 : memref<10240x128xf32, #tpu.memory_space<vmem_shared>>)
        tpu.yield
      }) : () -> ()
      %add3A_100 = arith.constant 4 : i32
      %add3A_101 = arith.addi %add3A_93, %add3A_100 : i32
      %lt3A_102 = arith.constant 80 : i32
      %lt3A_103 = arith.cmpi slt, %add3A_101, %lt3A_102 : i32
      %convert_element_type3A_104 = arith.extui %lt3A_103 : i1 to i32
      %cond3A_105 = arith.constant 0 : i32
      %cond3A_106 = arith.cmpi ne, %convert_element_type3A_104, %cond3A_105 : i32
      scf.if %cond3A_106 {
        %add3A_141 = arith.constant 4 : i32
        %add3A_142 = arith.addi %add3A_93, %add3A_141 : i32
        %dma_start3A_143 = arith.constant 0 : i32
        %dma_start3A_144 = tpu.memref_slice %arg7[%add3A_142, %dma_start3A_143] : memref<80x64xi32, #tpu.memory_space<vmem>> -> memref<1x64xi32, #tpu.memory_space<vmem>>
        %dma_start3A_145 = tpu.memref_squeeze %dma_start3A_144 : memref<1x64xi32, #tpu.memory_space<vmem>> -> memref<64xi32, #tpu.memory_space<vmem>>
        %dma_start3A_146 = arith.constant 0 : i32
        %dma_start3A_147 = arith.constant 0 : i32
        %dma_start3A_148 = tpu.memref_slice %arg2[%dma_start3A_146, %dma_start3A_147] : memref<10240x128xf32, #tpu.memory_space<hbm>> -> memref<10240x128xf32, #tpu.memory_space<hbm>>
        tpu.enqueue_indirect_dma source(%dma_start3A_148 : memref<10240x128xf32, #tpu.memory_space<hbm>>) target(%arg10 : memref<64x128xf32, #tpu.memory_space<vmem>>) offsets(%dma_start3A_145 : memref<64xi32, #tpu.memory_space<vmem>>) semaphore(%arg15 : memref<!tpu.dma_semaphore, #tpu.memory_space<semaphore_mem>>)
      } else {
      }
      %mul3A_107 = arith.constant 4 : i32
      %mul3A_108 = arith.muli %mul3A_107, %scan3A_76 : i32
      %add3A_109 = arith.constant 2 : i32
      %add3A_110 = arith.addi %mul3A_108, %add3A_109 : i32
      %dma_wait3A_111 = arith.constant 0 : i32
      %dma_wait3A_112 = tpu.memref_slice %arg7[%add3A_110, %dma_wait3A_111] : memref<80x64xi32, #tpu.memory_space<vmem>> -> memref<1x64xi32, #tpu.memory_space<vmem>>
      %dma_wait3A_113 = tpu.memref_squeeze %dma_wait3A_112 : memref<1x64xi32, #tpu.memory_space<vmem>> -> memref<64xi32, #tpu.memory_space<vmem>>
      %dma_wait3A_114 = arith.constant 0 : i32
      %dma_wait3A_115 = arith.constant 0 : i32
      %dma_wait3A_116 = tpu.memref_slice %arg2[%dma_wait3A_114, %dma_wait3A_115] : memref<10240x128xf32, #tpu.memory_space<hbm>> -> memref<10240x128xf32, #tpu.memory_space<hbm>>
      tpu.wait_indirect_dma semaphore(%arg16 : memref<!tpu.dma_semaphore, #tpu.memory_space<semaphore_mem>>) src(%dma_wait3A_116 : memref<10240x128xf32, #tpu.memory_space<hbm>>) dst(%arg11 : memref<64x128xf32, #tpu.memory_space<vmem>>)
      "tpu.region"() ({
        %run_scoped3A = tpu.sem_alloc : memref<!tpu.dma_semaphore, #tpu.memory_space<semaphore_mem>>
        %dma_start3A_141 = arith.constant 0 : i32
        %dma_start3A_142 = tpu.memref_slice %arg8[%add3A_110, %dma_start3A_141] : memref<80x64xi32, #tpu.memory_space<vmem>> -> memref<1x64xi32, #tpu.memory_space<vmem>>
        %dma_start3A_143 = tpu.memref_squeeze %dma_start3A_142 : memref<1x64xi32, #tpu.memory_space<vmem>> -> memref<64xi32, #tpu.memory_space<vmem>>
        %dma_start3A_144 = arith.constant 0 : i32
        %dma_start3A_145 = arith.constant 0 : i32
        %dma_start3A_146 = tpu.memref_slice %arg13[%dma_start3A_144, %dma_start3A_145] : memref<10240x128xf32, #tpu.memory_space<vmem_shared>> -> memref<10240x128xf32, #tpu.memory_space<vmem_shared>>
        tpu.enqueue_indirect_dma source(%arg11 : memref<64x128xf32, #tpu.memory_space<vmem>>) target(%dma_start3A_146 : memref<10240x128xf32, #tpu.memory_space<vmem_shared>>) offsets(%dma_start3A_143 : memref<64xi32, #tpu.memory_space<vmem>>) semaphore(%run_scoped3A : memref<!tpu.dma_semaphore, #tpu.memory_space<semaphore_mem>>) {add = true}
        %dma_wait3A_147 = arith.constant 0 : i32
        %dma_wait3A_148 = tpu.memref_slice %arg8[%add3A_110, %dma_wait3A_147] : memref<80x64xi32, #tpu.memory_space<vmem>> -> memref<1x64xi32, #tpu.memory_space<vmem>>
        %dma_wait3A_149 = tpu.memref_squeeze %dma_wait3A_148 : memref<1x64xi32, #tpu.memory_space<vmem>> -> memref<64xi32, #tpu.memory_space<vmem>>
        %dma_wait3A_150 = arith.constant 0 : i32
        %dma_wait3A_151 = arith.constant 0 : i32
        %dma_wait3A_152 = tpu.memref_slice %arg13[%dma_wait3A_150, %dma_wait3A_151] : memref<10240x128xf32, #tpu.memory_space<vmem_shared>> -> memref<10240x128xf32, #tpu.memory_space<vmem_shared>>
        tpu.wait_indirect_dma semaphore(%run_scoped3A : memref<!tpu.dma_semaphore, #tpu.memory_space<semaphore_mem>>) src(%arg11 : memref<64x128xf32, #tpu.memory_space<vmem>>) dst(%dma_wait3A_152 : memref<10240x128xf32, #tpu.memory_space<vmem_shared>>)
        tpu.yield
      }) : () -> ()
      %add3A_117 = arith.constant 4 : i32
      %add3A_118 = arith.addi %add3A_110, %add3A_117 : i32
      %lt3A_119 = arith.constant 80 : i32
      %lt3A_120 = arith.cmpi slt, %add3A_118, %lt3A_119 : i32
      %convert_element_type3A_121 = arith.extui %lt3A_120 : i1 to i32
      %cond3A_122 = arith.constant 0 : i32
      %cond3A_123 = arith.cmpi ne, %convert_element_type3A_121, %cond3A_122 : i32
      scf.if %cond3A_123 {
        %add3A_141 = arith.constant 4 : i32
        %add3A_142 = arith.addi %add3A_110, %add3A_141 : i32
        %dma_start3A_143 = arith.constant 0 : i32
        %dma_start3A_144 = tpu.memref_slice %arg7[%add3A_142, %dma_start3A_143] : memref<80x64xi32, #tpu.memory_space<vmem>> -> memref<1x64xi32, #tpu.memory_space<vmem>>
        %dma_start3A_145 = tpu.memref_squeeze %dma_start3A_144 : memref<1x64xi32, #tpu.memory_space<vmem>> -> memref<64xi32, #tpu.memory_space<vmem>>
        %dma_start3A_146 = arith.constant 0 : i32
        %dma_start3A_147 = arith.constant 0 : i32
        %dma_start3A_148 = tpu.memref_slice %arg2[%dma_start3A_146, %dma_start3A_147] : memref<10240x128xf32, #tpu.memory_space<hbm>> -> memref<10240x128xf32, #tpu.memory_space<hbm>>
        tpu.enqueue_indirect_dma source(%dma_start3A_148 : memref<10240x128xf32, #tpu.memory_space<hbm>>) target(%arg11 : memref<64x128xf32, #tpu.memory_space<vmem>>) offsets(%dma_start3A_145 : memref<64xi32, #tpu.memory_space<vmem>>) semaphore(%arg16 : memref<!tpu.dma_semaphore, #tpu.memory_space<semaphore_mem>>)
      } else {
      }
      %mul3A_124 = arith.constant 4 : i32
      %mul3A_125 = arith.muli %mul3A_124, %scan3A_76 : i32
      %add3A_126 = arith.constant 3 : i32
      %add3A_127 = arith.addi %mul3A_125, %add3A_126 : i32
      %dma_wait3A_128 = arith.constant 0 : i32
      %dma_wait3A_129 = tpu.memref_slice %arg7[%add3A_127, %dma_wait3A_128] : memref<80x64xi32, #tpu.memory_space<vmem>> -> memref<1x64xi32, #tpu.memory_space<vmem>>
      %dma_wait3A_130 = tpu.memref_squeeze %dma_wait3A_129 : memref<1x64xi32, #tpu.memory_space<vmem>> -> memref<64xi32, #tpu.memory_space<vmem>>
      %dma_wait3A_131 = arith.constant 0 : i32
      %dma_wait3A_132 = arith.constant 0 : i32
      %dma_wait3A_133 = tpu.memref_slice %arg2[%dma_wait3A_131, %dma_wait3A_132] : memref<10240x128xf32, #tpu.memory_space<hbm>> -> memref<10240x128xf32, #tpu.memory_space<hbm>>
      tpu.wait_indirect_dma semaphore(%arg17 : memref<!tpu.dma_semaphore, #tpu.memory_space<semaphore_mem>>) src(%dma_wait3A_133 : memref<10240x128xf32, #tpu.memory_space<hbm>>) dst(%arg12 : memref<64x128xf32, #tpu.memory_space<vmem>>)
      "tpu.region"() ({
        %run_scoped3A = tpu.sem_alloc : memref<!tpu.dma_semaphore, #tpu.memory_space<semaphore_mem>>
        %dma_start3A_141 = arith.constant 0 : i32
        %dma_start3A_142 = tpu.memref_slice %arg8[%add3A_127, %dma_start3A_141] : memref<80x64xi32, #tpu.memory_space<vmem>> -> memref<1x64xi32, #tpu.memory_space<vmem>>
        %dma_start3A_143 = tpu.memref_squeeze %dma_start3A_142 : memref<1x64xi32, #tpu.memory_space<vmem>> -> memref<64xi32, #tpu.memory_space<vmem>>
        %dma_start3A_144 = arith.constant 0 : i32
        %dma_start3A_145 = arith.constant 0 : i32
        %dma_start3A_146 = tpu.memref_slice %arg13[%dma_start3A_144, %dma_start3A_145] : memref<10240x128xf32, #tpu.memory_space<vmem_shared>> -> memref<10240x128xf32, #tpu.memory_space<vmem_shared>>
        tpu.enqueue_indirect_dma source(%arg12 : memref<64x128xf32, #tpu.memory_space<vmem>>) target(%dma_start3A_146 : memref<10240x128xf32, #tpu.memory_space<vmem_shared>>) offsets(%dma_start3A_143 : memref<64xi32, #tpu.memory_space<vmem>>) semaphore(%run_scoped3A : memref<!tpu.dma_semaphore, #tpu.memory_space<semaphore_mem>>) {add = true}
        %dma_wait3A_147 = arith.constant 0 : i32
        %dma_wait3A_148 = tpu.memref_slice %arg8[%add3A_127, %dma_wait3A_147] : memref<80x64xi32, #tpu.memory_space<vmem>> -> memref<1x64xi32, #tpu.memory_space<vmem>>
        %dma_wait3A_149 = tpu.memref_squeeze %dma_wait3A_148 : memref<1x64xi32, #tpu.memory_space<vmem>> -> memref<64xi32, #tpu.memory_space<vmem>>
        %dma_wait3A_150 = arith.constant 0 : i32
        %dma_wait3A_151 = arith.constant 0 : i32
        %dma_wait3A_152 = tpu.memref_slice %arg13[%dma_wait3A_150, %dma_wait3A_151] : memref<10240x128xf32, #tpu.memory_space<vmem_shared>> -> memref<10240x128xf32, #tpu.memory_space<vmem_shared>>
        tpu.wait_indirect_dma semaphore(%run_scoped3A : memref<!tpu.dma_semaphore, #tpu.memory_space<semaphore_mem>>) src(%arg12 : memref<64x128xf32, #tpu.memory_space<vmem>>) dst(%dma_wait3A_152 : memref<10240x128xf32, #tpu.memory_space<vmem_shared>>)
        tpu.yield
      }) : () -> ()
      %add3A_134 = arith.constant 4 : i32
      %add3A_135 = arith.addi %add3A_127, %add3A_134 : i32
      %lt3A_136 = arith.constant 80 : i32
      %lt3A_137 = arith.cmpi slt, %add3A_135, %lt3A_136 : i32
      %convert_element_type3A_138 = arith.extui %lt3A_137 : i1 to i32
      %cond3A_139 = arith.constant 0 : i32
      %cond3A_140 = arith.cmpi ne, %convert_element_type3A_138, %cond3A_139 : i32
      scf.if %cond3A_140 {
        %add3A_141 = arith.constant 4 : i32
        %add3A_142 = arith.addi %add3A_127, %add3A_141 : i32
        %dma_start3A_143 = arith.constant 0 : i32
        %dma_start3A_144 = tpu.memref_slice %arg7[%add3A_142, %dma_start3A_143] : memref<80x64xi32, #tpu.memory_space<vmem>> -> memref<1x64xi32, #tpu.memory_space<vmem>>
        %dma_start3A_145 = tpu.memref_squeeze %dma_start3A_144 : memref<1x64xi32, #tpu.memory_space<vmem>> -> memref<64xi32, #tpu.memory_space<vmem>>
        %dma_start3A_146 = arith.constant 0 : i32
        %dma_start3A_147 = arith.constant 0 : i32
        %dma_start3A_148 = tpu.memref_slice %arg2[%dma_start3A_146, %dma_start3A_147] : memref<10240x128xf32, #tpu.memory_space<hbm>> -> memref<10240x128xf32, #tpu.memory_space<hbm>>
        tpu.enqueue_indirect_dma source(%dma_start3A_148 : memref<10240x128xf32, #tpu.memory_space<hbm>>) target(%arg12 : memref<64x128xf32, #tpu.memory_space<vmem>>) offsets(%dma_start3A_145 : memref<64xi32, #tpu.memory_space<vmem>>) semaphore(%arg17 : memref<!tpu.dma_semaphore, #tpu.memory_space<semaphore_mem>>)
      } else {
      }
    }
    %scan3A_38 = arith.constant 20 : i32
    %add3A_39 = arith.constant 80 : i32
    %add3A_40 = arith.addi %mul3A_4, %add3A_39 : i32
    "tpu.region"() ({
      %run_scoped3A = tpu.sem_alloc : memref<!tpu.dma_semaphore, #tpu.memory_space<semaphore_mem>>
      %dma_start3A_76 = arith.constant 0 : i32
      %dma_start3A_77 = tpu.memref_slice %arg3[%add3A_40, %dma_start3A_76] : memref<5120x64xi32, #tpu.memory_space<hbm>> -> memref<80x64xi32, #tpu.memory_space<hbm>>
      %dma_start3A_78 = arith.constant 0 : i32
      %dma_start3A_79 = tpu.memref_slice %arg3[%add3A_40, %dma_start3A_78] : memref<5120x64xi32, #tpu.memory_space<hbm>> -> memref<80x64xi32, #tpu.memory_space<hbm>>
      tpu.enqueue_dma source(%dma_start3A_79 : memref<80x64xi32, #tpu.memory_space<hbm>>) target(%arg7 : memref<80x64xi32, #tpu.memory_space<vmem>>) target_semaphore(%run_scoped3A : memref<!tpu.dma_semaphore, #tpu.memory_space<semaphore_mem>>)
      %dma_wait3A = arith.constant 0 : i32
      %dma_wait3A_80 = tpu.memref_slice %arg3[%add3A_40, %dma_wait3A] : memref<5120x64xi32, #tpu.memory_space<hbm>> -> memref<80x64xi32, #tpu.memory_space<hbm>>
      %dma_wait3A_81 = arith.constant 0 : i32
      %dma_wait3A_82 = tpu.memref_slice %arg3[%add3A_40, %dma_wait3A_81] : memref<5120x64xi32, #tpu.memory_space<hbm>> -> memref<80x64xi32, #tpu.memory_space<hbm>>
      tpu.wait_dma2 semaphore(%run_scoped3A : memref<!tpu.dma_semaphore, #tpu.memory_space<semaphore_mem>>) src(%dma_wait3A_82 : memref<80x64xi32, #tpu.memory_space<hbm>>) dst(%arg7 : memref<80x64xi32, #tpu.memory_space<vmem>>)
      tpu.yield
    }) : () -> ()
    "tpu.region"() ({
      %run_scoped3A = tpu.sem_alloc : memref<!tpu.dma_semaphore, #tpu.memory_space<semaphore_mem>>
      %dma_start3A_76 = arith.constant 0 : i32
      %dma_start3A_77 = tpu.memref_slice %arg4[%add3A_40, %dma_start3A_76] : memref<5120x64xi32, #tpu.memory_space<hbm>> -> memref<80x64xi32, #tpu.memory_space<hbm>>
      %dma_start3A_78 = arith.constant 0 : i32
      %dma_start3A_79 = tpu.memref_slice %arg4[%add3A_40, %dma_start3A_78] : memref<5120x64xi32, #tpu.memory_space<hbm>> -> memref<80x64xi32, #tpu.memory_space<hbm>>
      tpu.enqueue_dma source(%dma_start3A_79 : memref<80x64xi32, #tpu.memory_space<hbm>>) target(%arg8 : memref<80x64xi32, #tpu.memory_space<vmem>>) target_semaphore(%run_scoped3A : memref<!tpu.dma_semaphore, #tpu.memory_space<semaphore_mem>>)
      %dma_wait3A = arith.constant 0 : i32
      %dma_wait3A_80 = tpu.memref_slice %arg4[%add3A_40, %dma_wait3A] : memref<5120x64xi32, #tpu.memory_space<hbm>> -> memref<80x64xi32, #tpu.memory_space<hbm>>
      %dma_wait3A_81 = arith.constant 0 : i32
      %dma_wait3A_82 = tpu.memref_slice %arg4[%add3A_40, %dma_wait3A_81] : memref<5120x64xi32, #tpu.memory_space<hbm>> -> memref<80x64xi32, #tpu.memory_space<hbm>>
      tpu.wait_dma2 semaphore(%run_scoped3A : memref<!tpu.dma_semaphore, #tpu.memory_space<semaphore_mem>>) src(%dma_wait3A_82 : memref<80x64xi32, #tpu.memory_space<hbm>>) dst(%arg8 : memref<80x64xi32, #tpu.memory_space<vmem>>)
      tpu.yield
    }) : () -> ()
    %dma_start3A_41 = arith.constant 0 : i32
    %dma_start3A_42 = arith.constant 0 : i32
    %dma_start3A_43 = tpu.memref_slice %arg7[%dma_start3A_41, %dma_start3A_42] : memref<80x64xi32, #tpu.memory_space<vmem>> -> memref<1x64xi32, #tpu.memory_space<vmem>>
    %dma_start3A_44 = tpu.memref_squeeze %dma_start3A_43 : memref<1x64xi32, #tpu.memory_space<vmem>> -> memref<64xi32, #tpu.memory_space<vmem>>
    %dma_start3A_45 = arith.constant 0 : i32
    %dma_start3A_46 = arith.constant 0 : i32
    %dma_start3A_47 = tpu.memref_slice %arg2[%dma_start3A_45, %dma_start3A_46] : memref<10240x128xf32, #tpu.memory_space<hbm>> -> memref<10240x128xf32, #tpu.memory_space<hbm>>
    tpu.enqueue_indirect_dma source(%dma_start3A_47 : memref<10240x128xf32, #tpu.memory_space<hbm>>) target(%arg9 : memref<64x128xf32, #tpu.memory_space<vmem>>) offsets(%dma_start3A_44 : memref<64xi32, #tpu.memory_space<vmem>>) semaphore(%arg14 : memref<!tpu.dma_semaphore, #tpu.memory_space<semaphore_mem>>)
    %dma_start3A_48 = arith.constant 1 : i32
    %dma_start3A_49 = arith.constant 0 : i32
    %dma_start3A_50 = tpu.memref_slice %arg7[%dma_start3A_48, %dma_start3A_49] : memref<80x64xi32, #tpu.memory_space<vmem>> -> memref<1x64xi32, #tpu.memory_space<vmem>>
    %dma_start3A_51 = tpu.memref_squeeze %dma_start3A_50 : memref<1x64xi32, #tpu.memory_space<vmem>> -> memref<64xi32, #tpu.memory_space<vmem>>
    %dma_start3A_52 = arith.constant 0 : i32
    %dma_start3A_53 = arith.constant 0 : i32
    %dma_start3A_54 = tpu.memref_slice %arg2[%dma_start3A_52, %dma_start3A_53] : memref<10240x128xf32, #tpu.memory_space<hbm>> -> memref<10240x128xf32, #tpu.memory_space<hbm>>
    tpu.enqueue_indirect_dma source(%dma_start3A_54 : memref<10240x128xf32, #tpu.memory_space<hbm>>) target(%arg10 : memref<64x128xf32, #tpu.memory_space<vmem>>) offsets(%dma_start3A_51 : memref<64xi32, #tpu.memory_space<vmem>>) semaphore(%arg15 : memref<!tpu.dma_semaphore, #tpu.memory_space<semaphore_mem>>)
    %dma_start3A_55 = arith.constant 2 : i32
    %dma_start3A_56 = arith.constant 0 : i32
    %dma_start3A_57 = tpu.memref_slice %arg7[%dma_start3A_55, %dma_start3A_56] : memref<80x64xi32, #tpu.memory_space<vmem>> -> memref<1x64xi32, #tpu.memory_space<vmem>>
    %dma_start3A_58 = tpu.memref_squeeze %dma_start3A_57 : memref<1x64xi32, #tpu.memory_space<vmem>> -> memref<64xi32, #tpu.memory_space<vmem>>
    %dma_start3A_59 = arith.constant 0 : i32
    %dma_start3A_60 = arith.constant 0 : i32
    %dma_start3A_61 = tpu.memref_slice %arg2[%dma_start3A_59, %dma_start3A_60] : memref<10240x128xf32, #tpu.memory_space<hbm>> -> memref<10240x128xf32, #tpu.memory_space<hbm>>
    tpu.enqueue_indirect_dma source(%dma_start3A_61 : memref<10240x128xf32, #tpu.memory_space<hbm>>) target(%arg11 : memref<64x128xf32, #tpu.memory_space<vmem>>) offsets(%dma_start3A_58 : memref<64xi32, #tpu.memory_space<vmem>>) semaphore(%arg16 : memref<!tpu.dma_semaphore, #tpu.memory_space<semaphore_mem>>)
    %dma_start3A_62 = arith.constant 3 : i32
    %dma_start3A_63 = arith.constant 0 : i32
    %dma_start3A_64 = tpu.memref_slice %arg7[%dma_start3A_62, %dma_start3A_63] : memref<80x64xi32, #tpu.memory_space<vmem>> -> memref<1x64xi32, #tpu.memory_space<vmem>>
    %dma_start3A_65 = tpu.memref_squeeze %dma_start3A_64 : memref<1x64xi32, #tpu.memory_space<vmem>> -> memref<64xi32, #tpu.memory_space<vmem>>
    %dma_start3A_66 = arith.constant 0 : i32
    %dma_start3A_67 = arith.constant 0 : i32
    %dma_start3A_68 = tpu.memref_slice %arg2[%dma_start3A_66, %dma_start3A_67] : memref<10240x128xf32, #tpu.memory_space<hbm>> -> memref<10240x128xf32, #tpu.memory_space<hbm>>
    tpu.enqueue_indirect_dma source(%dma_start3A_68 : memref<10240x128xf32, #tpu.memory_space<hbm>>) target(%arg12 : memref<64x128xf32, #tpu.memory_space<vmem>>) offsets(%dma_start3A_65 : memref<64xi32, #tpu.memory_space<vmem>>) semaphore(%arg17 : memref<!tpu.dma_semaphore, #tpu.memory_space<semaphore_mem>>)
    %scan3A_69 = arith.constant 0 : i32
    %scan3A_70 = arith.constant 0 : i32
    %scan3A_71 = arith.constant 20 : i32
    %scan3A_72 = arith.addi %scan3A_70, %scan3A_71 : i32
    %scan3A_73 = arith.constant 1 : i32
    scf.for %scan3A_76 = %scan3A_70 to %scan3A_72 step %scan3A_73  : i32 {
      %mul3A_77 = arith.constant 4 : i32
      %mul3A_78 = arith.muli %mul3A_77, %scan3A_76 : i32
      %add3A_79 = arith.constant 0 : i32
      %add3A_80 = arith.addi %mul3A_78, %add3A_79 : i32
      %dma_wait3A = arith.constant 0 : i32
      %dma_wait3A_81 = tpu.memref_slice %arg7[%add3A_80, %dma_wait3A] : memref<80x64xi32, #tpu.memory_space<vmem>> -> memref<1x64xi32, #tpu.memory_space<vmem>>
      %dma_wait3A_82 = tpu.memref_squeeze %dma_wait3A_81 : memref<1x64xi32, #tpu.memory_space<vmem>> -> memref<64xi32, #tpu.memory_space<vmem>>
      %dma_wait3A_83 = arith.constant 0 : i32
      %dma_wait3A_84 = arith.constant 0 : i32
      %dma_wait3A_85 = tpu.memref_slice %arg2[%dma_wait3A_83, %dma_wait3A_84] : memref<10240x128xf32, #tpu.memory_space<hbm>> -> memref<10240x128xf32, #tpu.memory_space<hbm>>
      tpu.wait_indirect_dma semaphore(%arg14 : memref<!tpu.dma_semaphore, #tpu.memory_space<semaphore_mem>>) src(%dma_wait3A_85 : memref<10240x128xf32, #tpu.memory_space<hbm>>) dst(%arg9 : memref<64x128xf32, #tpu.memory_space<vmem>>)
      "tpu.region"() ({
        %run_scoped3A = tpu.sem_alloc : memref<!tpu.dma_semaphore, #tpu.memory_space<semaphore_mem>>
        %dma_start3A_141 = arith.constant 0 : i32
        %dma_start3A_142 = tpu.memref_slice %arg8[%add3A_80, %dma_start3A_141] : memref<80x64xi32, #tpu.memory_space<vmem>> -> memref<1x64xi32, #tpu.memory_space<vmem>>
        %dma_start3A_143 = tpu.memref_squeeze %dma_start3A_142 : memref<1x64xi32, #tpu.memory_space<vmem>> -> memref<64xi32, #tpu.memory_space<vmem>>
        %dma_start3A_144 = arith.constant 0 : i32
        %dma_start3A_145 = arith.constant 0 : i32
        %dma_start3A_146 = tpu.memref_slice %arg13[%dma_start3A_144, %dma_start3A_145] : memref<10240x128xf32, #tpu.memory_space<vmem_shared>> -> memref<10240x128xf32, #tpu.memory_space<vmem_shared>>
        tpu.enqueue_indirect_dma source(%arg9 : memref<64x128xf32, #tpu.memory_space<vmem>>) target(%dma_start3A_146 : memref<10240x128xf32, #tpu.memory_space<vmem_shared>>) offsets(%dma_start3A_143 : memref<64xi32, #tpu.memory_space<vmem>>) semaphore(%run_scoped3A : memref<!tpu.dma_semaphore, #tpu.memory_space<semaphore_mem>>) {add = true}
        %dma_wait3A_147 = arith.constant 0 : i32
        %dma_wait3A_148 = tpu.memref_slice %arg8[%add3A_80, %dma_wait3A_147] : memref<80x64xi32, #tpu.memory_space<vmem>> -> memref<1x64xi32, #tpu.memory_space<vmem>>
        %dma_wait3A_149 = tpu.memref_squeeze %dma_wait3A_148 : memref<1x64xi32, #tpu.memory_space<vmem>> -> memref<64xi32, #tpu.memory_space<vmem>>
        %dma_wait3A_150 = arith.constant 0 : i32
        %dma_wait3A_151 = arith.constant 0 : i32
        %dma_wait3A_152 = tpu.memref_slice %arg13[%dma_wait3A_150, %dma_wait3A_151] : memref<10240x128xf32, #tpu.memory_space<vmem_shared>> -> memref<10240x128xf32, #tpu.memory_space<vmem_shared>>
        tpu.wait_indirect_dma semaphore(%run_scoped3A : memref<!tpu.dma_semaphore, #tpu.memory_space<semaphore_mem>>) src(%arg9 : memref<64x128xf32, #tpu.memory_space<vmem>>) dst(%dma_wait3A_152 : memref<10240x128xf32, #tpu.memory_space<vmem_shared>>)
        tpu.yield
      }) : () -> ()
      %add3A_86 = arith.constant 4 : i32
      %add3A_87 = arith.addi %add3A_80, %add3A_86 : i32
      %lt3A = arith.constant 80 : i32
      %lt3A_88 = arith.cmpi slt, %add3A_87, %lt3A : i32
      %convert_element_type3A = arith.extui %lt3A_88 : i1 to i32
      %cond3A = arith.constant 0 : i32
      %cond3A_89 = arith.cmpi ne, %convert_element_type3A, %cond3A : i32
      scf.if %cond3A_89 {
        %add3A_141 = arith.constant 4 : i32
        %add3A_142 = arith.addi %add3A_80, %add3A_141 : i32
        %dma_start3A_143 = arith.constant 0 : i32
        %dma_start3A_144 = tpu.memref_slice %arg7[%add3A_142, %dma_start3A_143] : memref<80x64xi32, #tpu.memory_space<vmem>> -> memref<1x64xi32, #tpu.memory_space<vmem>>
        %dma_start3A_145 = tpu.memref_squeeze %dma_start3A_144 : memref<1x64xi32, #tpu.memory_space<vmem>> -> memref<64xi32, #tpu.memory_space<vmem>>
        %dma_start3A_146 = arith.constant 0 : i32
        %dma_start3A_147 = arith.constant 0 : i32
        %dma_start3A_148 = tpu.memref_slice %arg2[%dma_start3A_146, %dma_start3A_147] : memref<10240x128xf32, #tpu.memory_space<hbm>> -> memref<10240x128xf32, #tpu.memory_space<hbm>>
        tpu.enqueue_indirect_dma source(%dma_start3A_148 : memref<10240x128xf32, #tpu.memory_space<hbm>>) target(%arg9 : memref<64x128xf32, #tpu.memory_space<vmem>>) offsets(%dma_start3A_145 : memref<64xi32, #tpu.memory_space<vmem>>) semaphore(%arg14 : memref<!tpu.dma_semaphore, #tpu.memory_space<semaphore_mem>>)
      } else {
      }
      %mul3A_90 = arith.constant 4 : i32
      %mul3A_91 = arith.muli %mul3A_90, %scan3A_76 : i32
      %add3A_92 = arith.constant 1 : i32
      %add3A_93 = arith.addi %mul3A_91, %add3A_92 : i32
      %dma_wait3A_94 = arith.constant 0 : i32
      %dma_wait3A_95 = tpu.memref_slice %arg7[%add3A_93, %dma_wait3A_94] : memref<80x64xi32, #tpu.memory_space<vmem>> -> memref<1x64xi32, #tpu.memory_space<vmem>>
      %dma_wait3A_96 = tpu.memref_squeeze %dma_wait3A_95 : memref<1x64xi32, #tpu.memory_space<vmem>> -> memref<64xi32, #tpu.memory_space<vmem>>
      %dma_wait3A_97 = arith.constant 0 : i32
      %dma_wait3A_98 = arith.constant 0 : i32
      %dma_wait3A_99 = tpu.memref_slice %arg2[%dma_wait3A_97, %dma_wait3A_98] : memref<10240x128xf32, #tpu.memory_space<hbm>> -> memref<10240x128xf32, #tpu.memory_space<hbm>>
      tpu.wait_indirect_dma semaphore(%arg15 : memref<!tpu.dma_semaphore, #tpu.memory_space<semaphore_mem>>) src(%dma_wait3A_99 : memref<10240x128xf32, #tpu.memory_space<hbm>>) dst(%arg10 : memref<64x128xf32, #tpu.memory_space<vmem>>)
      "tpu.region"() ({
        %run_scoped3A = tpu.sem_alloc : memref<!tpu.dma_semaphore, #tpu.memory_space<semaphore_mem>>
        %dma_start3A_141 = arith.constant 0 : i32
        %dma_start3A_142 = tpu.memref_slice %arg8[%add3A_93, %dma_start3A_141] : memref<80x64xi32, #tpu.memory_space<vmem>> -> memref<1x64xi32, #tpu.memory_space<vmem>>
        %dma_start3A_143 = tpu.memref_squeeze %dma_start3A_142 : memref<1x64xi32, #tpu.memory_space<vmem>> -> memref<64xi32, #tpu.memory_space<vmem>>
        %dma_start3A_144 = arith.constant 0 : i32
        %dma_start3A_145 = arith.constant 0 : i32
        %dma_start3A_146 = tpu.memref_slice %arg13[%dma_start3A_144, %dma_start3A_145] : memref<10240x128xf32, #tpu.memory_space<vmem_shared>> -> memref<10240x128xf32, #tpu.memory_space<vmem_shared>>
        tpu.enqueue_indirect_dma source(%arg10 : memref<64x128xf32, #tpu.memory_space<vmem>>) target(%dma_start3A_146 : memref<10240x128xf32, #tpu.memory_space<vmem_shared>>) offsets(%dma_start3A_143 : memref<64xi32, #tpu.memory_space<vmem>>) semaphore(%run_scoped3A : memref<!tpu.dma_semaphore, #tpu.memory_space<semaphore_mem>>) {add = true}
        %dma_wait3A_147 = arith.constant 0 : i32
        %dma_wait3A_148 = tpu.memref_slice %arg8[%add3A_93, %dma_wait3A_147] : memref<80x64xi32, #tpu.memory_space<vmem>> -> memref<1x64xi32, #tpu.memory_space<vmem>>
        %dma_wait3A_149 = tpu.memref_squeeze %dma_wait3A_148 : memref<1x64xi32, #tpu.memory_space<vmem>> -> memref<64xi32, #tpu.memory_space<vmem>>
        %dma_wait3A_150 = arith.constant 0 : i32
        %dma_wait3A_151 = arith.constant 0 : i32
        %dma_wait3A_152 = tpu.memref_slice %arg13[%dma_wait3A_150, %dma_wait3A_151] : memref<10240x128xf32, #tpu.memory_space<vmem_shared>> -> memref<10240x128xf32, #tpu.memory_space<vmem_shared>>
        tpu.wait_indirect_dma semaphore(%run_scoped3A : memref<!tpu.dma_semaphore, #tpu.memory_space<semaphore_mem>>) src(%arg10 : memref<64x128xf32, #tpu.memory_space<vmem>>) dst(%dma_wait3A_152 : memref<10240x128xf32, #tpu.memory_space<vmem_shared>>)
        tpu.yield
      }) : () -> ()
      %add3A_100 = arith.constant 4 : i32
      %add3A_101 = arith.addi %add3A_93, %add3A_100 : i32
      %lt3A_102 = arith.constant 80 : i32
      %lt3A_103 = arith.cmpi slt, %add3A_101, %lt3A_102 : i32
      %convert_element_type3A_104 = arith.extui %lt3A_103 : i1 to i32
      %cond3A_105 = arith.constant 0 : i32
      %cond3A_106 = arith.cmpi ne, %convert_element_type3A_104, %cond3A_105 : i32
      scf.if %cond3A_106 {
        %add3A_141 = arith.constant 4 : i32
        %add3A_142 = arith.addi %add3A_93, %add3A_141 : i32
        %dma_start3A_143 = arith.constant 0 : i32
        %dma_start3A_144 = tpu.memref_slice %arg7[%add3A_142, %dma_start3A_143] : memref<80x64xi32, #tpu.memory_space<vmem>> -> memref<1x64xi32, #tpu.memory_space<vmem>>
        %dma_start3A_145 = tpu.memref_squeeze %dma_start3A_144 : memref<1x64xi32, #tpu.memory_space<vmem>> -> memref<64xi32, #tpu.memory_space<vmem>>
        %dma_start3A_146 = arith.constant 0 : i32
        %dma_start3A_147 = arith.constant 0 : i32
        %dma_start3A_148 = tpu.memref_slice %arg2[%dma_start3A_146, %dma_start3A_147] : memref<10240x128xf32, #tpu.memory_space<hbm>> -> memref<10240x128xf32, #tpu.memory_space<hbm>>
        tpu.enqueue_indirect_dma source(%dma_start3A_148 : memref<10240x128xf32, #tpu.memory_space<hbm>>) target(%arg10 : memref<64x128xf32, #tpu.memory_space<vmem>>) offsets(%dma_start3A_145 : memref<64xi32, #tpu.memory_space<vmem>>) semaphore(%arg15 : memref<!tpu.dma_semaphore, #tpu.memory_space<semaphore_mem>>)
      } else {
      }
      %mul3A_107 = arith.constant 4 : i32
      %mul3A_108 = arith.muli %mul3A_107, %scan3A_76 : i32
      %add3A_109 = arith.constant 2 : i32
      %add3A_110 = arith.addi %mul3A_108, %add3A_109 : i32
      %dma_wait3A_111 = arith.constant 0 : i32
      %dma_wait3A_112 = tpu.memref_slice %arg7[%add3A_110, %dma_wait3A_111] : memref<80x64xi32, #tpu.memory_space<vmem>> -> memref<1x64xi32, #tpu.memory_space<vmem>>
      %dma_wait3A_113 = tpu.memref_squeeze %dma_wait3A_112 : memref<1x64xi32, #tpu.memory_space<vmem>> -> memref<64xi32, #tpu.memory_space<vmem>>
      %dma_wait3A_114 = arith.constant 0 : i32
      %dma_wait3A_115 = arith.constant 0 : i32
      %dma_wait3A_116 = tpu.memref_slice %arg2[%dma_wait3A_114, %dma_wait3A_115] : memref<10240x128xf32, #tpu.memory_space<hbm>> -> memref<10240x128xf32, #tpu.memory_space<hbm>>
      tpu.wait_indirect_dma semaphore(%arg16 : memref<!tpu.dma_semaphore, #tpu.memory_space<semaphore_mem>>) src(%dma_wait3A_116 : memref<10240x128xf32, #tpu.memory_space<hbm>>) dst(%arg11 : memref<64x128xf32, #tpu.memory_space<vmem>>)
      "tpu.region"() ({
        %run_scoped3A = tpu.sem_alloc : memref<!tpu.dma_semaphore, #tpu.memory_space<semaphore_mem>>
        %dma_start3A_141 = arith.constant 0 : i32
        %dma_start3A_142 = tpu.memref_slice %arg8[%add3A_110, %dma_start3A_141] : memref<80x64xi32, #tpu.memory_space<vmem>> -> memref<1x64xi32, #tpu.memory_space<vmem>>
        %dma_start3A_143 = tpu.memref_squeeze %dma_start3A_142 : memref<1x64xi32, #tpu.memory_space<vmem>> -> memref<64xi32, #tpu.memory_space<vmem>>
        %dma_start3A_144 = arith.constant 0 : i32
        %dma_start3A_145 = arith.constant 0 : i32
        %dma_start3A_146 = tpu.memref_slice %arg13[%dma_start3A_144, %dma_start3A_145] : memref<10240x128xf32, #tpu.memory_space<vmem_shared>> -> memref<10240x128xf32, #tpu.memory_space<vmem_shared>>
        tpu.enqueue_indirect_dma source(%arg11 : memref<64x128xf32, #tpu.memory_space<vmem>>) target(%dma_start3A_146 : memref<10240x128xf32, #tpu.memory_space<vmem_shared>>) offsets(%dma_start3A_143 : memref<64xi32, #tpu.memory_space<vmem>>) semaphore(%run_scoped3A : memref<!tpu.dma_semaphore, #tpu.memory_space<semaphore_mem>>) {add = true}
        %dma_wait3A_147 = arith.constant 0 : i32
        %dma_wait3A_148 = tpu.memref_slice %arg8[%add3A_110, %dma_wait3A_147] : memref<80x64xi32, #tpu.memory_space<vmem>> -> memref<1x64xi32, #tpu.memory_space<vmem>>
        %dma_wait3A_149 = tpu.memref_squeeze %dma_wait3A_148 : memref<1x64xi32, #tpu.memory_space<vmem>> -> memref<64xi32, #tpu.memory_space<vmem>>
        %dma_wait3A_150 = arith.constant 0 : i32
        %dma_wait3A_151 = arith.constant 0 : i32
        %dma_wait3A_152 = tpu.memref_slice %arg13[%dma_wait3A_150, %dma_wait3A_151] : memref<10240x128xf32, #tpu.memory_space<vmem_shared>> -> memref<10240x128xf32, #tpu.memory_space<vmem_shared>>
        tpu.wait_indirect_dma semaphore(%run_scoped3A : memref<!tpu.dma_semaphore, #tpu.memory_space<semaphore_mem>>) src(%arg11 : memref<64x128xf32, #tpu.memory_space<vmem>>) dst(%dma_wait3A_152 : memref<10240x128xf32, #tpu.memory_space<vmem_shared>>)
        tpu.yield
      }) : () -> ()
      %add3A_117 = arith.constant 4 : i32
      %add3A_118 = arith.addi %add3A_110, %add3A_117 : i32
      %lt3A_119 = arith.constant 80 : i32
      %lt3A_120 = arith.cmpi slt, %add3A_118, %lt3A_119 : i32
      %convert_element_type3A_121 = arith.extui %lt3A_120 : i1 to i32
      %cond3A_122 = arith.constant 0 : i32
      %cond3A_123 = arith.cmpi ne, %convert_element_type3A_121, %cond3A_122 : i32
      scf.if %cond3A_123 {
        %add3A_141 = arith.constant 4 : i32
        %add3A_142 = arith.addi %add3A_110, %add3A_141 : i32
        %dma_start3A_143 = arith.constant 0 : i32
        %dma_start3A_144 = tpu.memref_slice %arg7[%add3A_142, %dma_start3A_143] : memref<80x64xi32, #tpu.memory_space<vmem>> -> memref<1x64xi32, #tpu.memory_space<vmem>>
        %dma_start3A_145 = tpu.memref_squeeze %dma_start3A_144 : memref<1x64xi32, #tpu.memory_space<vmem>> -> memref<64xi32, #tpu.memory_space<vmem>>
        %dma_start3A_146 = arith.constant 0 : i32
        %dma_start3A_147 = arith.constant 0 : i32
        %dma_start3A_148 = tpu.memref_slice %arg2[%dma_start3A_146, %dma_start3A_147] : memref<10240x128xf32, #tpu.memory_space<hbm>> -> memref<10240x128xf32, #tpu.memory_space<hbm>>
        tpu.enqueue_indirect_dma source(%dma_start3A_148 : memref<10240x128xf32, #tpu.memory_space<hbm>>) target(%arg11 : memref<64x128xf32, #tpu.memory_space<vmem>>) offsets(%dma_start3A_145 : memref<64xi32, #tpu.memory_space<vmem>>) semaphore(%arg16 : memref<!tpu.dma_semaphore, #tpu.memory_space<semaphore_mem>>)
      } else {
      }
      %mul3A_124 = arith.constant 4 : i32
      %mul3A_125 = arith.muli %mul3A_124, %scan3A_76 : i32
      %add3A_126 = arith.constant 3 : i32
      %add3A_127 = arith.addi %mul3A_125, %add3A_126 : i32
      %dma_wait3A_128 = arith.constant 0 : i32
      %dma_wait3A_129 = tpu.memref_slice %arg7[%add3A_127, %dma_wait3A_128] : memref<80x64xi32, #tpu.memory_space<vmem>> -> memref<1x64xi32, #tpu.memory_space<vmem>>
      %dma_wait3A_130 = tpu.memref_squeeze %dma_wait3A_129 : memref<1x64xi32, #tpu.memory_space<vmem>> -> memref<64xi32, #tpu.memory_space<vmem>>
      %dma_wait3A_131 = arith.constant 0 : i32
      %dma_wait3A_132 = arith.constant 0 : i32
      %dma_wait3A_133 = tpu.memref_slice %arg2[%dma_wait3A_131, %dma_wait3A_132] : memref<10240x128xf32, #tpu.memory_space<hbm>> -> memref<10240x128xf32, #tpu.memory_space<hbm>>
      tpu.wait_indirect_dma semaphore(%arg17 : memref<!tpu.dma_semaphore, #tpu.memory_space<semaphore_mem>>) src(%dma_wait3A_133 : memref<10240x128xf32, #tpu.memory_space<hbm>>) dst(%arg12 : memref<64x128xf32, #tpu.memory_space<vmem>>)
      "tpu.region"() ({
        %run_scoped3A = tpu.sem_alloc : memref<!tpu.dma_semaphore, #tpu.memory_space<semaphore_mem>>
        %dma_start3A_141 = arith.constant 0 : i32
        %dma_start3A_142 = tpu.memref_slice %arg8[%add3A_127, %dma_start3A_141] : memref<80x64xi32, #tpu.memory_space<vmem>> -> memref<1x64xi32, #tpu.memory_space<vmem>>
        %dma_start3A_143 = tpu.memref_squeeze %dma_start3A_142 : memref<1x64xi32, #tpu.memory_space<vmem>> -> memref<64xi32, #tpu.memory_space<vmem>>
        %dma_start3A_144 = arith.constant 0 : i32
        %dma_start3A_145 = arith.constant 0 : i32
        %dma_start3A_146 = tpu.memref_slice %arg13[%dma_start3A_144, %dma_start3A_145] : memref<10240x128xf32, #tpu.memory_space<vmem_shared>> -> memref<10240x128xf32, #tpu.memory_space<vmem_shared>>
        tpu.enqueue_indirect_dma source(%arg12 : memref<64x128xf32, #tpu.memory_space<vmem>>) target(%dma_start3A_146 : memref<10240x128xf32, #tpu.memory_space<vmem_shared>>) offsets(%dma_start3A_143 : memref<64xi32, #tpu.memory_space<vmem>>) semaphore(%run_scoped3A : memref<!tpu.dma_semaphore, #tpu.memory_space<semaphore_mem>>) {add = true}
        %dma_wait3A_147 = arith.constant 0 : i32
        %dma_wait3A_148 = tpu.memref_slice %arg8[%add3A_127, %dma_wait3A_147] : memref<80x64xi32, #tpu.memory_space<vmem>> -> memref<1x64xi32, #tpu.memory_space<vmem>>
        %dma_wait3A_149 = tpu.memref_squeeze %dma_wait3A_148 : memref<1x64xi32, #tpu.memory_space<vmem>> -> memref<64xi32, #tpu.memory_space<vmem>>
        %dma_wait3A_150 = arith.constant 0 : i32
        %dma_wait3A_151 = arith.constant 0 : i32
        %dma_wait3A_152 = tpu.memref_slice %arg13[%dma_wait3A_150, %dma_wait3A_151] : memref<10240x128xf32, #tpu.memory_space<vmem_shared>> -> memref<10240x128xf32, #tpu.memory_space<vmem_shared>>
        tpu.wait_indirect_dma semaphore(%run_scoped3A : memref<!tpu.dma_semaphore, #tpu.memory_space<semaphore_mem>>) src(%arg12 : memref<64x128xf32, #tpu.memory_space<vmem>>) dst(%dma_wait3A_152 : memref<10240x128xf32, #tpu.memory_space<vmem_shared>>)
        tpu.yield
      }) : () -> ()
      %add3A_134 = arith.constant 4 : i32
      %add3A_135 = arith.addi %add3A_127, %add3A_134 : i32
      %lt3A_136 = arith.constant 80 : i32
      %lt3A_137 = arith.cmpi slt, %add3A_135, %lt3A_136 : i32
      %convert_element_type3A_138 = arith.extui %lt3A_137 : i1 to i32
      %cond3A_139 = arith.constant 0 : i32
      %cond3A_140 = arith.cmpi ne, %convert_element_type3A_138, %cond3A_139 : i32
      scf.if %cond3A_140 {
        %add3A_141 = arith.constant 4 : i32
        %add3A_142 = arith.addi %add3A_127, %add3A_141 : i32
        %dma_start3A_143 = arith.constant 0 : i32
        %dma_start3A_144 = tpu.memref_slice %arg7[%add3A_142, %dma_start3A_143] : memref<80x64xi32, #tpu.memory_space<vmem>> -> memref<1x64xi32, #tpu.memory_space<vmem>>
        %dma_start3A_145 = tpu.memref_squeeze %dma_start3A_144 : memref<1x64xi32, #tpu.memory_space<vmem>> -> memref<64xi32, #tpu.memory_space<vmem>>
        %dma_start3A_146 = arith.constant 0 : i32
        %dma_start3A_147 = arith.constant 0 : i32
        %dma_start3A_148 = tpu.memref_slice %arg2[%dma_start3A_146, %dma_start3A_147] : memref<10240x128xf32, #tpu.memory_space<hbm>> -> memref<10240x128xf32, #tpu.memory_space<hbm>>
        tpu.enqueue_indirect_dma source(%dma_start3A_148 : memref<10240x128xf32, #tpu.memory_space<hbm>>) target(%arg12 : memref<64x128xf32, #tpu.memory_space<vmem>>) offsets(%dma_start3A_145 : memref<64xi32, #tpu.memory_space<vmem>>) semaphore(%arg17 : memref<!tpu.dma_semaphore, #tpu.memory_space<semaphore_mem>>)
      } else {
      }
    }
    %scan3A_74 = arith.constant 20 : i32
    %barrier3A_75 = arith.constant 0 : index
    tpu.barrier barrier_id(%barrier3A_75)
    "tpu.region"() ({
      %run_scoped3A = tpu.sem_alloc : memref<!tpu.dma_semaphore, #tpu.memory_space<semaphore_mem>>
      %dma_start3A_76 = arith.constant 0 : i32
      %dma_start3A_77 = tpu.memref_slice %arg6[%arg0, %mul3A_0, %dma_start3A_76] : memref<2x10240x128xf32, #tpu.memory_space<hbm>> -> memref<1x640x128xf32, #tpu.memory_space<hbm>>
      %dma_start3A_78 = tpu.memref_squeeze %dma_start3A_77 : memref<1x640x128xf32, #tpu.memory_space<hbm>> -> memref<640x128xf32, #tpu.memory_space<hbm>>
      %dma_start3A_79 = arith.constant 0 : i32
      %dma_start3A_80 = tpu.memref_slice %arg13[%mul3A_0, %dma_start3A_79] : memref<10240x128xf32, #tpu.memory_space<vmem_shared>> -> memref<640x128xf32, #tpu.memory_space<vmem_shared>>
      tpu.enqueue_dma source(%dma_start3A_80 : memref<640x128xf32, #tpu.memory_space<vmem_shared>>) target(%dma_start3A_78 : memref<640x128xf32, #tpu.memory_space<hbm>>) target_semaphore(%run_scoped3A : memref<!tpu.dma_semaphore, #tpu.memory_space<semaphore_mem>>)
      %dma_wait3A = arith.constant 0 : i32
      %dma_wait3A_81 = tpu.memref_slice %arg6[%arg0, %mul3A_0, %dma_wait3A] : memref<2x10240x128xf32, #tpu.memory_space<hbm>> -> memref<1x640x128xf32, #tpu.memory_space<hbm>>
      %dma_wait3A_82 = tpu.memref_squeeze %dma_wait3A_81 : memref<1x640x128xf32, #tpu.memory_space<hbm>> -> memref<640x128xf32, #tpu.memory_space<hbm>>
      %dma_wait3A_83 = arith.constant 0 : i32
      %dma_wait3A_84 = tpu.memref_slice %arg13[%mul3A_0, %dma_wait3A_83] : memref<10240x128xf32, #tpu.memory_space<vmem_shared>> -> memref<640x128xf32, #tpu.memory_space<vmem_shared>>
      tpu.wait_dma2 semaphore(%run_scoped3A : memref<!tpu.dma_semaphore, #tpu.memory_space<semaphore_mem>>) src(%dma_wait3A_84 : memref<640x128xf32, #tpu.memory_space<vmem_shared>>) dst(%dma_wait3A_82 : memref<640x128xf32, #tpu.memory_space<hbm>>)
      tpu.yield
    }) : () -> ()
    return
  }
}

#map = affine_map<(d0, d1) -> (0, 0)>
#map1 = affine_map<(d0, d1) -> (0, 0, 0)>
module attributes {stable_mosaic.version = 14 : i64} {
  func.func @agg(%arg0: i32, %arg1: i32, %arg2: memref<10240x128xf32, #tpu.memory_space<hbm>>, %arg3: memref<5120x64xi32, #tpu.memory_space<hbm>>, %arg4: memref<5120x64xi32, #tpu.memory_space<hbm>>, %arg5: memref<640x128xf32, #tpu.memory_space<hbm>>, %arg6: memref<2x10240x128xf32, #tpu.memory_space<hbm>>, %arg7: memref<80x64xi32, #tpu.memory_space<vmem>>, %arg8: memref<80x64xi32, #tpu.memory_space<vmem>>, %arg9: memref<64x128xf32, #tpu.memory_space<vmem>>, %arg10: memref<64x128xf32, #tpu.memory_space<vmem>>, %arg11: memref<64x128xf32, #tpu.memory_space<vmem>>, %arg12: memref<64x128xf32, #tpu.memory_space<vmem>>, %arg13: memref<10240x128xf32, #tpu.memory_space<vmem_shared>>, %arg14: memref<!tpu.dma_semaphore, #tpu.memory_space<semaphore_mem>>, %arg15: memref<!tpu.dma_semaphore, #tpu.memory_space<semaphore_mem>>, %arg16: memref<!tpu.dma_semaphore, #tpu.memory_space<semaphore_mem>>, %arg17: memref<!tpu.dma_semaphore, #tpu.memory_space<semaphore_mem>>) attributes {dimension_semantics = [#tpu.dimension_semantics<core_parallel>, #tpu.dimension_semantics<subcore_parallel>], iteration_bounds = array<i64: 2, 16>, scalar_prefetch = 0 : i64, scratch_operands = 11 : i64, tpu.core_type = #tpu.core_type<sc_vector_subcore>, window_params = [{transform_indices = #map}, {transform_indices = #map}, {transform_indices = #map}, {transform_indices = #map}, {transform_indices = #map1}]} {
    %mul3A = arith.constant 640 : i32
    %mul3A_0 = arith.muli %arg1, %mul3A : i32
    %mul3A_1 = arith.constant 16 : i32
    %mul3A_2 = arith.muli %arg0, %mul3A_1 : i32
    %add3A = arith.addi %mul3A_2, %arg1 : i32
    %mul3A_3 = arith.constant 160 : i32
    %mul3A_4 = arith.muli %add3A, %mul3A_3 : i32
    "tpu.region"() ({
      %run_scoped3A = tpu.sem_alloc : memref<!tpu.dma_semaphore, #tpu.memory_space<semaphore_mem>>
      %dma_start3A_76 = arith.constant 0 : i32
      %dma_start3A_77 = tpu.memref_slice %arg13[%mul3A_0, %dma_start3A_76] : memref<10240x128xf32, #tpu.memory_space<vmem_shared>> -> memref<640x128xf32, #tpu.memory_space<vmem_shared>>
      tpu.enqueue_dma source(%arg5 : memref<640x128xf32, #tpu.memory_space<hbm>>) target(%dma_start3A_77 : memref<640x128xf32, #tpu.memory_space<vmem_shared>>) target_semaphore(%run_scoped3A : memref<!tpu.dma_semaphore, #tpu.memory_space<semaphore_mem>>)
      %dma_wait3A = arith.constant 0 : i32
      %dma_wait3A_78 = tpu.memref_slice %arg13[%mul3A_0, %dma_wait3A] : memref<10240x128xf32, #tpu.memory_space<vmem_shared>> -> memref<640x128xf32, #tpu.memory_space<vmem_shared>>
      tpu.wait_dma2 semaphore(%run_scoped3A : memref<!tpu.dma_semaphore, #tpu.memory_space<semaphore_mem>>) src(%arg5 : memref<640x128xf32, #tpu.memory_space<hbm>>) dst(%dma_wait3A_78 : memref<640x128xf32, #tpu.memory_space<vmem_shared>>)
      tpu.yield
    }) : () -> ()
    %barrier3A = arith.constant 0 : index
    tpu.barrier barrier_id(%barrier3A)
    %add3A_5 = arith.constant 0 : i32
    %add3A_6 = arith.addi %mul3A_4, %add3A_5 : i32
    "tpu.region"() ({
      %run_scoped3A = tpu.sem_alloc : memref<!tpu.dma_semaphore, #tpu.memory_space<semaphore_mem>>
      %dma_start3A_76 = arith.constant 0 : i32
      %dma_start3A_77 = tpu.memref_slice %arg3[%add3A_6, %dma_start3A_76] : memref<5120x64xi32, #tpu.memory_space<hbm>> -> memref<80x64xi32, #tpu.memory_space<hbm>>
      %dma_start3A_78 = arith.constant 0 : i32
      %dma_start3A_79 = tpu.memref_slice %arg3[%add3A_6, %dma_start3A_78] : memref<5120x64xi32, #tpu.memory_space<hbm>> -> memref<80x64xi32, #tpu.memory_space<hbm>>
      tpu.enqueue_dma source(%dma_start3A_79 : memref<80x64xi32, #tpu.memory_space<hbm>>) target(%arg7 : memref<80x64xi32, #tpu.memory_space<vmem>>) target_semaphore(%run_scoped3A : memref<!tpu.dma_semaphore, #tpu.memory_space<semaphore_mem>>)
      %dma_wait3A = arith.constant 0 : i32
      %dma_wait3A_80 = tpu.memref_slice %arg3[%add3A_6, %dma_wait3A] : memref<5120x64xi32, #tpu.memory_space<hbm>> -> memref<80x64xi32, #tpu.memory_space<hbm>>
      %dma_wait3A_81 = arith.constant 0 : i32
      %dma_wait3A_82 = tpu.memref_slice %arg3[%add3A_6, %dma_wait3A_81] : memref<5120x64xi32, #tpu.memory_space<hbm>> -> memref<80x64xi32, #tpu.memory_space<hbm>>
      tpu.wait_dma2 semaphore(%run_scoped3A : memref<!tpu.dma_semaphore, #tpu.memory_space<semaphore_mem>>) src(%dma_wait3A_82 : memref<80x64xi32, #tpu.memory_space<hbm>>) dst(%arg7 : memref<80x64xi32, #tpu.memory_space<vmem>>)
      tpu.yield
    }) : () -> ()
    "tpu.region"() ({
      %run_scoped3A = tpu.sem_alloc : memref<!tpu.dma_semaphore, #tpu.memory_space<semaphore_mem>>
      %dma_start3A_76 = arith.constant 0 : i32
      %dma_start3A_77 = tpu.memref_slice %arg4[%add3A_6, %dma_start3A_76] : memref<5120x64xi32, #tpu.memory_space<hbm>> -> memref<80x64xi32, #tpu.memory_space<hbm>>
      %dma_start3A_78 = arith.constant 0 : i32
      %dma_start3A_79 = tpu.memref_slice %arg4[%add3A_6, %dma_start3A_78] : memref<5120x64xi32, #tpu.memory_space<hbm>> -> memref<80x64xi32, #tpu.memory_space<hbm>>
      tpu.enqueue_dma source(%dma_start3A_79 : memref<80x64xi32, #tpu.memory_space<hbm>>) target(%arg8 : memref<80x64xi32, #tpu.memory_space<vmem>>) target_semaphore(%run_scoped3A : memref<!tpu.dma_semaphore, #tpu.memory_space<semaphore_mem>>)
      %dma_wait3A = arith.constant 0 : i32
      %dma_wait3A_80 = tpu.memref_slice %arg4[%add3A_6, %dma_wait3A] : memref<5120x64xi32, #tpu.memory_space<hbm>> -> memref<80x64xi32, #tpu.memory_space<hbm>>
      %dma_wait3A_81 = arith.constant 0 : i32
      %dma_wait3A_82 = tpu.memref_slice %arg4[%add3A_6, %dma_wait3A_81] : memref<5120x64xi32, #tpu.memory_space<hbm>> -> memref<80x64xi32, #tpu.memory_space<hbm>>
      tpu.wait_dma2 semaphore(%run_scoped3A : memref<!tpu.dma_semaphore, #tpu.memory_space<semaphore_mem>>) src(%dma_wait3A_82 : memref<80x64xi32, #tpu.memory_space<hbm>>) dst(%arg8 : memref<80x64xi32, #tpu.memory_space<vmem>>)
      tpu.yield
    }) : () -> ()
    %dma_start3A = arith.constant 0 : i32
    %dma_start3A_7 = arith.constant 0 : i32
    %dma_start3A_8 = tpu.memref_slice %arg7[%dma_start3A, %dma_start3A_7] : memref<80x64xi32, #tpu.memory_space<vmem>> -> memref<1x64xi32, #tpu.memory_space<vmem>>
    %dma_start3A_9 = tpu.memref_squeeze %dma_start3A_8 : memref<1x64xi32, #tpu.memory_space<vmem>> -> memref<64xi32, #tpu.memory_space<vmem>>
    %dma_start3A_10 = arith.constant 0 : i32
    %dma_start3A_11 = arith.constant 0 : i32
    %dma_start3A_12 = tpu.memref_slice %arg2[%dma_start3A_10, %dma_start3A_11] : memref<10240x128xf32, #tpu.memory_space<hbm>> -> memref<10240x128xf32, #tpu.memory_space<hbm>>
    tpu.enqueue_indirect_dma source(%dma_start3A_12 : memref<10240x128xf32, #tpu.memory_space<hbm>>) target(%arg9 : memref<64x128xf32, #tpu.memory_space<vmem>>) offsets(%dma_start3A_9 : memref<64xi32, #tpu.memory_space<vmem>>) semaphore(%arg14 : memref<!tpu.dma_semaphore, #tpu.memory_space<semaphore_mem>>)
    %dma_start3A_13 = arith.constant 1 : i32
    %dma_start3A_14 = arith.constant 0 : i32
    %dma_start3A_15 = tpu.memref_slice %arg7[%dma_start3A_13, %dma_start3A_14] : memref<80x64xi32, #tpu.memory_space<vmem>> -> memref<1x64xi32, #tpu.memory_space<vmem>>
    %dma_start3A_16 = tpu.memref_squeeze %dma_start3A_15 : memref<1x64xi32, #tpu.memory_space<vmem>> -> memref<64xi32, #tpu.memory_space<vmem>>
    %dma_start3A_17 = arith.constant 0 : i32
    %dma_start3A_18 = arith.constant 0 : i32
    %dma_start3A_19 = tpu.memref_slice %arg2[%dma_start3A_17, %dma_start3A_18] : memref<10240x128xf32, #tpu.memory_space<hbm>> -> memref<10240x128xf32, #tpu.memory_space<hbm>>
    tpu.enqueue_indirect_dma source(%dma_start3A_19 : memref<10240x128xf32, #tpu.memory_space<hbm>>) target(%arg10 : memref<64x128xf32, #tpu.memory_space<vmem>>) offsets(%dma_start3A_16 : memref<64xi32, #tpu.memory_space<vmem>>) semaphore(%arg15 : memref<!tpu.dma_semaphore, #tpu.memory_space<semaphore_mem>>)
    %dma_start3A_20 = arith.constant 2 : i32
    %dma_start3A_21 = arith.constant 0 : i32
    %dma_start3A_22 = tpu.memref_slice %arg7[%dma_start3A_20, %dma_start3A_21] : memref<80x64xi32, #tpu.memory_space<vmem>> -> memref<1x64xi32, #tpu.memory_space<vmem>>
    %dma_start3A_23 = tpu.memref_squeeze %dma_start3A_22 : memref<1x64xi32, #tpu.memory_space<vmem>> -> memref<64xi32, #tpu.memory_space<vmem>>
    %dma_start3A_24 = arith.constant 0 : i32
    %dma_start3A_25 = arith.constant 0 : i32
    %dma_start3A_26 = tpu.memref_slice %arg2[%dma_start3A_24, %dma_start3A_25] : memref<10240x128xf32, #tpu.memory_space<hbm>> -> memref<10240x128xf32, #tpu.memory_space<hbm>>
    tpu.enqueue_indirect_dma source(%dma_start3A_26 : memref<10240x128xf32, #tpu.memory_space<hbm>>) target(%arg11 : memref<64x128xf32, #tpu.memory_space<vmem>>) offsets(%dma_start3A_23 : memref<64xi32, #tpu.memory_space<vmem>>) semaphore(%arg16 : memref<!tpu.dma_semaphore, #tpu.memory_space<semaphore_mem>>)
    %dma_start3A_27 = arith.constant 3 : i32
    %dma_start3A_28 = arith.constant 0 : i32
    %dma_start3A_29 = tpu.memref_slice %arg7[%dma_start3A_27, %dma_start3A_28] : memref<80x64xi32, #tpu.memory_space<vmem>> -> memref<1x64xi32, #tpu.memory_space<vmem>>
    %dma_start3A_30 = tpu.memref_squeeze %dma_start3A_29 : memref<1x64xi32, #tpu.memory_space<vmem>> -> memref<64xi32, #tpu.memory_space<vmem>>
    %dma_start3A_31 = arith.constant 0 : i32
    %dma_start3A_32 = arith.constant 0 : i32
    %dma_start3A_33 = tpu.memref_slice %arg2[%dma_start3A_31, %dma_start3A_32] : memref<10240x128xf32, #tpu.memory_space<hbm>> -> memref<10240x128xf32, #tpu.memory_space<hbm>>
    tpu.enqueue_indirect_dma source(%dma_start3A_33 : memref<10240x128xf32, #tpu.memory_space<hbm>>) target(%arg12 : memref<64x128xf32, #tpu.memory_space<vmem>>) offsets(%dma_start3A_30 : memref<64xi32, #tpu.memory_space<vmem>>) semaphore(%arg17 : memref<!tpu.dma_semaphore, #tpu.memory_space<semaphore_mem>>)
    %scan3A = arith.constant 0 : i32
    %scan3A_34 = arith.constant 0 : i32
    %scan3A_35 = arith.constant 20 : i32
    %scan3A_36 = arith.addi %scan3A_34, %scan3A_35 : i32
    %scan3A_37 = arith.constant 1 : i32
    scf.for %scan3A_76 = %scan3A_34 to %scan3A_36 step %scan3A_37  : i32 {
      %mul3A_77 = arith.constant 4 : i32
      %mul3A_78 = arith.muli %mul3A_77, %scan3A_76 : i32
      %add3A_79 = arith.constant 0 : i32
      %add3A_80 = arith.addi %mul3A_78, %add3A_79 : i32
      %dma_wait3A = arith.constant 0 : i32
      %dma_wait3A_81 = tpu.memref_slice %arg7[%add3A_80, %dma_wait3A] : memref<80x64xi32, #tpu.memory_space<vmem>> -> memref<1x64xi32, #tpu.memory_space<vmem>>
      %dma_wait3A_82 = tpu.memref_squeeze %dma_wait3A_81 : memref<1x64xi32, #tpu.memory_space<vmem>> -> memref<64xi32, #tpu.memory_space<vmem>>
      %dma_wait3A_83 = arith.constant 0 : i32
      %dma_wait3A_84 = arith.constant 0 : i32
      %dma_wait3A_85 = tpu.memref_slice %arg2[%dma_wait3A_83, %dma_wait3A_84] : memref<10240x128xf32, #tpu.memory_space<hbm>> -> memref<10240x128xf32, #tpu.memory_space<hbm>>
      tpu.wait_indirect_dma semaphore(%arg14 : memref<!tpu.dma_semaphore, #tpu.memory_space<semaphore_mem>>) src(%dma_wait3A_85 : memref<10240x128xf32, #tpu.memory_space<hbm>>) dst(%arg9 : memref<64x128xf32, #tpu.memory_space<vmem>>)
      "tpu.region"() ({
        %run_scoped3A = tpu.sem_alloc : memref<!tpu.dma_semaphore, #tpu.memory_space<semaphore_mem>>
        %dma_start3A_141 = arith.constant 0 : i32
        %dma_start3A_142 = tpu.memref_slice %arg8[%add3A_80, %dma_start3A_141] : memref<80x64xi32, #tpu.memory_space<vmem>> -> memref<1x64xi32, #tpu.memory_space<vmem>>
        %dma_start3A_143 = tpu.memref_squeeze %dma_start3A_142 : memref<1x64xi32, #tpu.memory_space<vmem>> -> memref<64xi32, #tpu.memory_space<vmem>>
        %dma_start3A_144 = arith.constant 0 : i32
        %dma_start3A_145 = arith.constant 0 : i32
        %dma_start3A_146 = tpu.memref_slice %arg13[%dma_start3A_144, %dma_start3A_145] : memref<10240x128xf32, #tpu.memory_space<vmem_shared>> -> memref<10240x128xf32, #tpu.memory_space<vmem_shared>>
        tpu.enqueue_indirect_dma source(%arg9 : memref<64x128xf32, #tpu.memory_space<vmem>>) target(%dma_start3A_146 : memref<10240x128xf32, #tpu.memory_space<vmem_shared>>) offsets(%dma_start3A_143 : memref<64xi32, #tpu.memory_space<vmem>>) semaphore(%run_scoped3A : memref<!tpu.dma_semaphore, #tpu.memory_space<semaphore_mem>>) {add = true}
        %dma_wait3A_147 = arith.constant 0 : i32
        %dma_wait3A_148 = tpu.memref_slice %arg8[%add3A_80, %dma_wait3A_147] : memref<80x64xi32, #tpu.memory_space<vmem>> -> memref<1x64xi32, #tpu.memory_space<vmem>>
        %dma_wait3A_149 = tpu.memref_squeeze %dma_wait3A_148 : memref<1x64xi32, #tpu.memory_space<vmem>> -> memref<64xi32, #tpu.memory_space<vmem>>
        %dma_wait3A_150 = arith.constant 0 : i32
        %dma_wait3A_151 = arith.constant 0 : i32
        %dma_wait3A_152 = tpu.memref_slice %arg13[%dma_wait3A_150, %dma_wait3A_151] : memref<10240x128xf32, #tpu.memory_space<vmem_shared>> -> memref<10240x128xf32, #tpu.memory_space<vmem_shared>>
        tpu.wait_indirect_dma semaphore(%run_scoped3A : memref<!tpu.dma_semaphore, #tpu.memory_space<semaphore_mem>>) src(%arg9 : memref<64x128xf32, #tpu.memory_space<vmem>>) dst(%dma_wait3A_152 : memref<10240x128xf32, #tpu.memory_space<vmem_shared>>)
        tpu.yield
      }) : () -> ()
      %add3A_86 = arith.constant 4 : i32
      %add3A_87 = arith.addi %add3A_80, %add3A_86 : i32
      %lt3A = arith.constant 80 : i32
      %lt3A_88 = arith.cmpi slt, %add3A_87, %lt3A : i32
      %convert_element_type3A = arith.extui %lt3A_88 : i1 to i32
      %cond3A = arith.constant 0 : i32
      %cond3A_89 = arith.cmpi ne, %convert_element_type3A, %cond3A : i32
      scf.if %cond3A_89 {
        %add3A_141 = arith.constant 4 : i32
        %add3A_142 = arith.addi %add3A_80, %add3A_141 : i32
        %dma_start3A_143 = arith.constant 0 : i32
        %dma_start3A_144 = tpu.memref_slice %arg7[%add3A_142, %dma_start3A_143] : memref<80x64xi32, #tpu.memory_space<vmem>> -> memref<1x64xi32, #tpu.memory_space<vmem>>
        %dma_start3A_145 = tpu.memref_squeeze %dma_start3A_144 : memref<1x64xi32, #tpu.memory_space<vmem>> -> memref<64xi32, #tpu.memory_space<vmem>>
        %dma_start3A_146 = arith.constant 0 : i32
        %dma_start3A_147 = arith.constant 0 : i32
        %dma_start3A_148 = tpu.memref_slice %arg2[%dma_start3A_146, %dma_start3A_147] : memref<10240x128xf32, #tpu.memory_space<hbm>> -> memref<10240x128xf32, #tpu.memory_space<hbm>>
        tpu.enqueue_indirect_dma source(%dma_start3A_148 : memref<10240x128xf32, #tpu.memory_space<hbm>>) target(%arg9 : memref<64x128xf32, #tpu.memory_space<vmem>>) offsets(%dma_start3A_145 : memref<64xi32, #tpu.memory_space<vmem>>) semaphore(%arg14 : memref<!tpu.dma_semaphore, #tpu.memory_space<semaphore_mem>>)
      } else {
      }
      %mul3A_90 = arith.constant 4 : i32
      %mul3A_91 = arith.muli %mul3A_90, %scan3A_76 : i32
      %add3A_92 = arith.constant 1 : i32
      %add3A_93 = arith.addi %mul3A_91, %add3A_92 : i32
      %dma_wait3A_94 = arith.constant 0 : i32
      %dma_wait3A_95 = tpu.memref_slice %arg7[%add3A_93, %dma_wait3A_94] : memref<80x64xi32, #tpu.memory_space<vmem>> -> memref<1x64xi32, #tpu.memory_space<vmem>>
      %dma_wait3A_96 = tpu.memref_squeeze %dma_wait3A_95 : memref<1x64xi32, #tpu.memory_space<vmem>> -> memref<64xi32, #tpu.memory_space<vmem>>
      %dma_wait3A_97 = arith.constant 0 : i32
      %dma_wait3A_98 = arith.constant 0 : i32
      %dma_wait3A_99 = tpu.memref_slice %arg2[%dma_wait3A_97, %dma_wait3A_98] : memref<10240x128xf32, #tpu.memory_space<hbm>> -> memref<10240x128xf32, #tpu.memory_space<hbm>>
      tpu.wait_indirect_dma semaphore(%arg15 : memref<!tpu.dma_semaphore, #tpu.memory_space<semaphore_mem>>) src(%dma_wait3A_99 : memref<10240x128xf32, #tpu.memory_space<hbm>>) dst(%arg10 : memref<64x128xf32, #tpu.memory_space<vmem>>)
      "tpu.region"() ({
        %run_scoped3A = tpu.sem_alloc : memref<!tpu.dma_semaphore, #tpu.memory_space<semaphore_mem>>
        %dma_start3A_141 = arith.constant 0 : i32
        %dma_start3A_142 = tpu.memref_slice %arg8[%add3A_93, %dma_start3A_141] : memref<80x64xi32, #tpu.memory_space<vmem>> -> memref<1x64xi32, #tpu.memory_space<vmem>>
        %dma_start3A_143 = tpu.memref_squeeze %dma_start3A_142 : memref<1x64xi32, #tpu.memory_space<vmem>> -> memref<64xi32, #tpu.memory_space<vmem>>
        %dma_start3A_144 = arith.constant 0 : i32
        %dma_start3A_145 = arith.constant 0 : i32
        %dma_start3A_146 = tpu.memref_slice %arg13[%dma_start3A_144, %dma_start3A_145] : memref<10240x128xf32, #tpu.memory_space<vmem_shared>> -> memref<10240x128xf32, #tpu.memory_space<vmem_shared>>
        tpu.enqueue_indirect_dma source(%arg10 : memref<64x128xf32, #tpu.memory_space<vmem>>) target(%dma_start3A_146 : memref<10240x128xf32, #tpu.memory_space<vmem_shared>>) offsets(%dma_start3A_143 : memref<64xi32, #tpu.memory_space<vmem>>) semaphore(%run_scoped3A : memref<!tpu.dma_semaphore, #tpu.memory_space<semaphore_mem>>) {add = true}
        %dma_wait3A_147 = arith.constant 0 : i32
        %dma_wait3A_148 = tpu.memref_slice %arg8[%add3A_93, %dma_wait3A_147] : memref<80x64xi32, #tpu.memory_space<vmem>> -> memref<1x64xi32, #tpu.memory_space<vmem>>
        %dma_wait3A_149 = tpu.memref_squeeze %dma_wait3A_148 : memref<1x64xi32, #tpu.memory_space<vmem>> -> memref<64xi32, #tpu.memory_space<vmem>>
        %dma_wait3A_150 = arith.constant 0 : i32
        %dma_wait3A_151 = arith.constant 0 : i32
        %dma_wait3A_152 = tpu.memref_slice %arg13[%dma_wait3A_150, %dma_wait3A_151] : memref<10240x128xf32, #tpu.memory_space<vmem_shared>> -> memref<10240x128xf32, #tpu.memory_space<vmem_shared>>
        tpu.wait_indirect_dma semaphore(%run_scoped3A : memref<!tpu.dma_semaphore, #tpu.memory_space<semaphore_mem>>) src(%arg10 : memref<64x128xf32, #tpu.memory_space<vmem>>) dst(%dma_wait3A_152 : memref<10240x128xf32, #tpu.memory_space<vmem_shared>>)
        tpu.yield
      }) : () -> ()
      %add3A_100 = arith.constant 4 : i32
      %add3A_101 = arith.addi %add3A_93, %add3A_100 : i32
      %lt3A_102 = arith.constant 80 : i32
      %lt3A_103 = arith.cmpi slt, %add3A_101, %lt3A_102 : i32
      %convert_element_type3A_104 = arith.extui %lt3A_103 : i1 to i32
      %cond3A_105 = arith.constant 0 : i32
      %cond3A_106 = arith.cmpi ne, %convert_element_type3A_104, %cond3A_105 : i32
      scf.if %cond3A_106 {
        %add3A_141 = arith.constant 4 : i32
        %add3A_142 = arith.addi %add3A_93, %add3A_141 : i32
        %dma_start3A_143 = arith.constant 0 : i32
        %dma_start3A_144 = tpu.memref_slice %arg7[%add3A_142, %dma_start3A_143] : memref<80x64xi32, #tpu.memory_space<vmem>> -> memref<1x64xi32, #tpu.memory_space<vmem>>
        %dma_start3A_145 = tpu.memref_squeeze %dma_start3A_144 : memref<1x64xi32, #tpu.memory_space<vmem>> -> memref<64xi32, #tpu.memory_space<vmem>>
        %dma_start3A_146 = arith.constant 0 : i32
        %dma_start3A_147 = arith.constant 0 : i32
        %dma_start3A_148 = tpu.memref_slice %arg2[%dma_start3A_146, %dma_start3A_147] : memref<10240x128xf32, #tpu.memory_space<hbm>> -> memref<10240x128xf32, #tpu.memory_space<hbm>>
        tpu.enqueue_indirect_dma source(%dma_start3A_148 : memref<10240x128xf32, #tpu.memory_space<hbm>>) target(%arg10 : memref<64x128xf32, #tpu.memory_space<vmem>>) offsets(%dma_start3A_145 : memref<64xi32, #tpu.memory_space<vmem>>) semaphore(%arg15 : memref<!tpu.dma_semaphore, #tpu.memory_space<semaphore_mem>>)
      } else {
      }
      %mul3A_107 = arith.constant 4 : i32
      %mul3A_108 = arith.muli %mul3A_107, %scan3A_76 : i32
      %add3A_109 = arith.constant 2 : i32
      %add3A_110 = arith.addi %mul3A_108, %add3A_109 : i32
      %dma_wait3A_111 = arith.constant 0 : i32
      %dma_wait3A_112 = tpu.memref_slice %arg7[%add3A_110, %dma_wait3A_111] : memref<80x64xi32, #tpu.memory_space<vmem>> -> memref<1x64xi32, #tpu.memory_space<vmem>>
      %dma_wait3A_113 = tpu.memref_squeeze %dma_wait3A_112 : memref<1x64xi32, #tpu.memory_space<vmem>> -> memref<64xi32, #tpu.memory_space<vmem>>
      %dma_wait3A_114 = arith.constant 0 : i32
      %dma_wait3A_115 = arith.constant 0 : i32
      %dma_wait3A_116 = tpu.memref_slice %arg2[%dma_wait3A_114, %dma_wait3A_115] : memref<10240x128xf32, #tpu.memory_space<hbm>> -> memref<10240x128xf32, #tpu.memory_space<hbm>>
      tpu.wait_indirect_dma semaphore(%arg16 : memref<!tpu.dma_semaphore, #tpu.memory_space<semaphore_mem>>) src(%dma_wait3A_116 : memref<10240x128xf32, #tpu.memory_space<hbm>>) dst(%arg11 : memref<64x128xf32, #tpu.memory_space<vmem>>)
      "tpu.region"() ({
        %run_scoped3A = tpu.sem_alloc : memref<!tpu.dma_semaphore, #tpu.memory_space<semaphore_mem>>
        %dma_start3A_141 = arith.constant 0 : i32
        %dma_start3A_142 = tpu.memref_slice %arg8[%add3A_110, %dma_start3A_141] : memref<80x64xi32, #tpu.memory_space<vmem>> -> memref<1x64xi32, #tpu.memory_space<vmem>>
        %dma_start3A_143 = tpu.memref_squeeze %dma_start3A_142 : memref<1x64xi32, #tpu.memory_space<vmem>> -> memref<64xi32, #tpu.memory_space<vmem>>
        %dma_start3A_144 = arith.constant 0 : i32
        %dma_start3A_145 = arith.constant 0 : i32
        %dma_start3A_146 = tpu.memref_slice %arg13[%dma_start3A_144, %dma_start3A_145] : memref<10240x128xf32, #tpu.memory_space<vmem_shared>> -> memref<10240x128xf32, #tpu.memory_space<vmem_shared>>
        tpu.enqueue_indirect_dma source(%arg11 : memref<64x128xf32, #tpu.memory_space<vmem>>) target(%dma_start3A_146 : memref<10240x128xf32, #tpu.memory_space<vmem_shared>>) offsets(%dma_start3A_143 : memref<64xi32, #tpu.memory_space<vmem>>) semaphore(%run_scoped3A : memref<!tpu.dma_semaphore, #tpu.memory_space<semaphore_mem>>) {add = true}
        %dma_wait3A_147 = arith.constant 0 : i32
        %dma_wait3A_148 = tpu.memref_slice %arg8[%add3A_110, %dma_wait3A_147] : memref<80x64xi32, #tpu.memory_space<vmem>> -> memref<1x64xi32, #tpu.memory_space<vmem>>
        %dma_wait3A_149 = tpu.memref_squeeze %dma_wait3A_148 : memref<1x64xi32, #tpu.memory_space<vmem>> -> memref<64xi32, #tpu.memory_space<vmem>>
        %dma_wait3A_150 = arith.constant 0 : i32
        %dma_wait3A_151 = arith.constant 0 : i32
        %dma_wait3A_152 = tpu.memref_slice %arg13[%dma_wait3A_150, %dma_wait3A_151] : memref<10240x128xf32, #tpu.memory_space<vmem_shared>> -> memref<10240x128xf32, #tpu.memory_space<vmem_shared>>
        tpu.wait_indirect_dma semaphore(%run_scoped3A : memref<!tpu.dma_semaphore, #tpu.memory_space<semaphore_mem>>) src(%arg11 : memref<64x128xf32, #tpu.memory_space<vmem>>) dst(%dma_wait3A_152 : memref<10240x128xf32, #tpu.memory_space<vmem_shared>>)
        tpu.yield
      }) : () -> ()
      %add3A_117 = arith.constant 4 : i32
      %add3A_118 = arith.addi %add3A_110, %add3A_117 : i32
      %lt3A_119 = arith.constant 80 : i32
      %lt3A_120 = arith.cmpi slt, %add3A_118, %lt3A_119 : i32
      %convert_element_type3A_121 = arith.extui %lt3A_120 : i1 to i32
      %cond3A_122 = arith.constant 0 : i32
      %cond3A_123 = arith.cmpi ne, %convert_element_type3A_121, %cond3A_122 : i32
      scf.if %cond3A_123 {
        %add3A_141 = arith.constant 4 : i32
        %add3A_142 = arith.addi %add3A_110, %add3A_141 : i32
        %dma_start3A_143 = arith.constant 0 : i32
        %dma_start3A_144 = tpu.memref_slice %arg7[%add3A_142, %dma_start3A_143] : memref<80x64xi32, #tpu.memory_space<vmem>> -> memref<1x64xi32, #tpu.memory_space<vmem>>
        %dma_start3A_145 = tpu.memref_squeeze %dma_start3A_144 : memref<1x64xi32, #tpu.memory_space<vmem>> -> memref<64xi32, #tpu.memory_space<vmem>>
        %dma_start3A_146 = arith.constant 0 : i32
        %dma_start3A_147 = arith.constant 0 : i32
        %dma_start3A_148 = tpu.memref_slice %arg2[%dma_start3A_146, %dma_start3A_147] : memref<10240x128xf32, #tpu.memory_space<hbm>> -> memref<10240x128xf32, #tpu.memory_space<hbm>>
        tpu.enqueue_indirect_dma source(%dma_start3A_148 : memref<10240x128xf32, #tpu.memory_space<hbm>>) target(%arg11 : memref<64x128xf32, #tpu.memory_space<vmem>>) offsets(%dma_start3A_145 : memref<64xi32, #tpu.memory_space<vmem>>) semaphore(%arg16 : memref<!tpu.dma_semaphore, #tpu.memory_space<semaphore_mem>>)
      } else {
      }
      %mul3A_124 = arith.constant 4 : i32
      %mul3A_125 = arith.muli %mul3A_124, %scan3A_76 : i32
      %add3A_126 = arith.constant 3 : i32
      %add3A_127 = arith.addi %mul3A_125, %add3A_126 : i32
      %dma_wait3A_128 = arith.constant 0 : i32
      %dma_wait3A_129 = tpu.memref_slice %arg7[%add3A_127, %dma_wait3A_128] : memref<80x64xi32, #tpu.memory_space<vmem>> -> memref<1x64xi32, #tpu.memory_space<vmem>>
      %dma_wait3A_130 = tpu.memref_squeeze %dma_wait3A_129 : memref<1x64xi32, #tpu.memory_space<vmem>> -> memref<64xi32, #tpu.memory_space<vmem>>
      %dma_wait3A_131 = arith.constant 0 : i32
      %dma_wait3A_132 = arith.constant 0 : i32
      %dma_wait3A_133 = tpu.memref_slice %arg2[%dma_wait3A_131, %dma_wait3A_132] : memref<10240x128xf32, #tpu.memory_space<hbm>> -> memref<10240x128xf32, #tpu.memory_space<hbm>>
      tpu.wait_indirect_dma semaphore(%arg17 : memref<!tpu.dma_semaphore, #tpu.memory_space<semaphore_mem>>) src(%dma_wait3A_133 : memref<10240x128xf32, #tpu.memory_space<hbm>>) dst(%arg12 : memref<64x128xf32, #tpu.memory_space<vmem>>)
      "tpu.region"() ({
        %run_scoped3A = tpu.sem_alloc : memref<!tpu.dma_semaphore, #tpu.memory_space<semaphore_mem>>
        %dma_start3A_141 = arith.constant 0 : i32
        %dma_start3A_142 = tpu.memref_slice %arg8[%add3A_127, %dma_start3A_141] : memref<80x64xi32, #tpu.memory_space<vmem>> -> memref<1x64xi32, #tpu.memory_space<vmem>>
        %dma_start3A_143 = tpu.memref_squeeze %dma_start3A_142 : memref<1x64xi32, #tpu.memory_space<vmem>> -> memref<64xi32, #tpu.memory_space<vmem>>
        %dma_start3A_144 = arith.constant 0 : i32
        %dma_start3A_145 = arith.constant 0 : i32
        %dma_start3A_146 = tpu.memref_slice %arg13[%dma_start3A_144, %dma_start3A_145] : memref<10240x128xf32, #tpu.memory_space<vmem_shared>> -> memref<10240x128xf32, #tpu.memory_space<vmem_shared>>
        tpu.enqueue_indirect_dma source(%arg12 : memref<64x128xf32, #tpu.memory_space<vmem>>) target(%dma_start3A_146 : memref<10240x128xf32, #tpu.memory_space<vmem_shared>>) offsets(%dma_start3A_143 : memref<64xi32, #tpu.memory_space<vmem>>) semaphore(%run_scoped3A : memref<!tpu.dma_semaphore, #tpu.memory_space<semaphore_mem>>) {add = true}
        %dma_wait3A_147 = arith.constant 0 : i32
        %dma_wait3A_148 = tpu.memref_slice %arg8[%add3A_127, %dma_wait3A_147] : memref<80x64xi32, #tpu.memory_space<vmem>> -> memref<1x64xi32, #tpu.memory_space<vmem>>
        %dma_wait3A_149 = tpu.memref_squeeze %dma_wait3A_148 : memref<1x64xi32, #tpu.memory_space<vmem>> -> memref<64xi32, #tpu.memory_space<vmem>>
        %dma_wait3A_150 = arith.constant 0 : i32
        %dma_wait3A_151 = arith.constant 0 : i32
        %dma_wait3A_152 = tpu.memref_slice %arg13[%dma_wait3A_150, %dma_wait3A_151] : memref<10240x128xf32, #tpu.memory_space<vmem_shared>> -> memref<10240x128xf32, #tpu.memory_space<vmem_shared>>
        tpu.wait_indirect_dma semaphore(%run_scoped3A : memref<!tpu.dma_semaphore, #tpu.memory_space<semaphore_mem>>) src(%arg12 : memref<64x128xf32, #tpu.memory_space<vmem>>) dst(%dma_wait3A_152 : memref<10240x128xf32, #tpu.memory_space<vmem_shared>>)
        tpu.yield
      }) : () -> ()
      %add3A_134 = arith.constant 4 : i32
      %add3A_135 = arith.addi %add3A_127, %add3A_134 : i32
      %lt3A_136 = arith.constant 80 : i32
      %lt3A_137 = arith.cmpi slt, %add3A_135, %lt3A_136 : i32
      %convert_element_type3A_138 = arith.extui %lt3A_137 : i1 to i32
      %cond3A_139 = arith.constant 0 : i32
      %cond3A_140 = arith.cmpi ne, %convert_element_type3A_138, %cond3A_139 : i32
      scf.if %cond3A_140 {
        %add3A_141 = arith.constant 4 : i32
        %add3A_142 = arith.addi %add3A_127, %add3A_141 : i32
        %dma_start3A_143 = arith.constant 0 : i32
        %dma_start3A_144 = tpu.memref_slice %arg7[%add3A_142, %dma_start3A_143] : memref<80x64xi32, #tpu.memory_space<vmem>> -> memref<1x64xi32, #tpu.memory_space<vmem>>
        %dma_start3A_145 = tpu.memref_squeeze %dma_start3A_144 : memref<1x64xi32, #tpu.memory_space<vmem>> -> memref<64xi32, #tpu.memory_space<vmem>>
        %dma_start3A_146 = arith.constant 0 : i32
        %dma_start3A_147 = arith.constant 0 : i32
        %dma_start3A_148 = tpu.memref_slice %arg2[%dma_start3A_146, %dma_start3A_147] : memref<10240x128xf32, #tpu.memory_space<hbm>> -> memref<10240x128xf32, #tpu.memory_space<hbm>>
        tpu.enqueue_indirect_dma source(%dma_start3A_148 : memref<10240x128xf32, #tpu.memory_space<hbm>>) target(%arg12 : memref<64x128xf32, #tpu.memory_space<vmem>>) offsets(%dma_start3A_145 : memref<64xi32, #tpu.memory_space<vmem>>) semaphore(%arg17 : memref<!tpu.dma_semaphore, #tpu.memory_space<semaphore_mem>>)
      } else {
      }
    }
    %scan3A_38 = arith.constant 20 : i32
    %add3A_39 = arith.constant 80 : i32
    %add3A_40 = arith.addi %mul3A_4, %add3A_39 : i32
    "tpu.region"() ({
      %run_scoped3A = tpu.sem_alloc : memref<!tpu.dma_semaphore, #tpu.memory_space<semaphore_mem>>
      %dma_start3A_76 = arith.constant 0 : i32
      %dma_start3A_77 = tpu.memref_slice %arg3[%add3A_40, %dma_start3A_76] : memref<5120x64xi32, #tpu.memory_space<hbm>> -> memref<80x64xi32, #tpu.memory_space<hbm>>
      %dma_start3A_78 = arith.constant 0 : i32
      %dma_start3A_79 = tpu.memref_slice %arg3[%add3A_40, %dma_start3A_78] : memref<5120x64xi32, #tpu.memory_space<hbm>> -> memref<80x64xi32, #tpu.memory_space<hbm>>
      tpu.enqueue_dma source(%dma_start3A_79 : memref<80x64xi32, #tpu.memory_space<hbm>>) target(%arg7 : memref<80x64xi32, #tpu.memory_space<vmem>>) target_semaphore(%run_scoped3A : memref<!tpu.dma_semaphore, #tpu.memory_space<semaphore_mem>>)
      %dma_wait3A = arith.constant 0 : i32
      %dma_wait3A_80 = tpu.memref_slice %arg3[%add3A_40, %dma_wait3A] : memref<5120x64xi32, #tpu.memory_space<hbm>> -> memref<80x64xi32, #tpu.memory_space<hbm>>
      %dma_wait3A_81 = arith.constant 0 : i32
      %dma_wait3A_82 = tpu.memref_slice %arg3[%add3A_40, %dma_wait3A_81] : memref<5120x64xi32, #tpu.memory_space<hbm>> -> memref<80x64xi32, #tpu.memory_space<hbm>>
      tpu.wait_dma2 semaphore(%run_scoped3A : memref<!tpu.dma_semaphore, #tpu.memory_space<semaphore_mem>>) src(%dma_wait3A_82 : memref<80x64xi32, #tpu.memory_space<hbm>>) dst(%arg7 : memref<80x64xi32, #tpu.memory_space<vmem>>)
      tpu.yield
    }) : () -> ()
    "tpu.region"() ({
      %run_scoped3A = tpu.sem_alloc : memref<!tpu.dma_semaphore, #tpu.memory_space<semaphore_mem>>
      %dma_start3A_76 = arith.constant 0 : i32
      %dma_start3A_77 = tpu.memref_slice %arg4[%add3A_40, %dma_start3A_76] : memref<5120x64xi32, #tpu.memory_space<hbm>> -> memref<80x64xi32, #tpu.memory_space<hbm>>
      %dma_start3A_78 = arith.constant 0 : i32
      %dma_start3A_79 = tpu.memref_slice %arg4[%add3A_40, %dma_start3A_78] : memref<5120x64xi32, #tpu.memory_space<hbm>> -> memref<80x64xi32, #tpu.memory_space<hbm>>
      tpu.enqueue_dma source(%dma_start3A_79 : memref<80x64xi32, #tpu.memory_space<hbm>>) target(%arg8 : memref<80x64xi32, #tpu.memory_space<vmem>>) target_semaphore(%run_scoped3A : memref<!tpu.dma_semaphore, #tpu.memory_space<semaphore_mem>>)
      %dma_wait3A = arith.constant 0 : i32
      %dma_wait3A_80 = tpu.memref_slice %arg4[%add3A_40, %dma_wait3A] : memref<5120x64xi32, #tpu.memory_space<hbm>> -> memref<80x64xi32, #tpu.memory_space<hbm>>
      %dma_wait3A_81 = arith.constant 0 : i32
      %dma_wait3A_82 = tpu.memref_slice %arg4[%add3A_40, %dma_wait3A_81] : memref<5120x64xi32, #tpu.memory_space<hbm>> -> memref<80x64xi32, #tpu.memory_space<hbm>>
      tpu.wait_dma2 semaphore(%run_scoped3A : memref<!tpu.dma_semaphore, #tpu.memory_space<semaphore_mem>>) src(%dma_wait3A_82 : memref<80x64xi32, #tpu.memory_space<hbm>>) dst(%arg8 : memref<80x64xi32, #tpu.memory_space<vmem>>)
      tpu.yield
    }) : () -> ()
    %dma_start3A_41 = arith.constant 0 : i32
    %dma_start3A_42 = arith.constant 0 : i32
    %dma_start3A_43 = tpu.memref_slice %arg7[%dma_start3A_41, %dma_start3A_42] : memref<80x64xi32, #tpu.memory_space<vmem>> -> memref<1x64xi32, #tpu.memory_space<vmem>>
    %dma_start3A_44 = tpu.memref_squeeze %dma_start3A_43 : memref<1x64xi32, #tpu.memory_space<vmem>> -> memref<64xi32, #tpu.memory_space<vmem>>
    %dma_start3A_45 = arith.constant 0 : i32
    %dma_start3A_46 = arith.constant 0 : i32
    %dma_start3A_47 = tpu.memref_slice %arg2[%dma_start3A_45, %dma_start3A_46] : memref<10240x128xf32, #tpu.memory_space<hbm>> -> memref<10240x128xf32, #tpu.memory_space<hbm>>
    tpu.enqueue_indirect_dma source(%dma_start3A_47 : memref<10240x128xf32, #tpu.memory_space<hbm>>) target(%arg9 : memref<64x128xf32, #tpu.memory_space<vmem>>) offsets(%dma_start3A_44 : memref<64xi32, #tpu.memory_space<vmem>>) semaphore(%arg14 : memref<!tpu.dma_semaphore, #tpu.memory_space<semaphore_mem>>)
    %dma_start3A_48 = arith.constant 1 : i32
    %dma_start3A_49 = arith.constant 0 : i32
    %dma_start3A_50 = tpu.memref_slice %arg7[%dma_start3A_48, %dma_start3A_49] : memref<80x64xi32, #tpu.memory_space<vmem>> -> memref<1x64xi32, #tpu.memory_space<vmem>>
    %dma_start3A_51 = tpu.memref_squeeze %dma_start3A_50 : memref<1x64xi32, #tpu.memory_space<vmem>> -> memref<64xi32, #tpu.memory_space<vmem>>
    %dma_start3A_52 = arith.constant 0 : i32
    %dma_start3A_53 = arith.constant 0 : i32
    %dma_start3A_54 = tpu.memref_slice %arg2[%dma_start3A_52, %dma_start3A_53] : memref<10240x128xf32, #tpu.memory_space<hbm>> -> memref<10240x128xf32, #tpu.memory_space<hbm>>
    tpu.enqueue_indirect_dma source(%dma_start3A_54 : memref<10240x128xf32, #tpu.memory_space<hbm>>) target(%arg10 : memref<64x128xf32, #tpu.memory_space<vmem>>) offsets(%dma_start3A_51 : memref<64xi32, #tpu.memory_space<vmem>>) semaphore(%arg15 : memref<!tpu.dma_semaphore, #tpu.memory_space<semaphore_mem>>)
    %dma_start3A_55 = arith.constant 2 : i32
    %dma_start3A_56 = arith.constant 0 : i32
    %dma_start3A_57 = tpu.memref_slice %arg7[%dma_start3A_55, %dma_start3A_56] : memref<80x64xi32, #tpu.memory_space<vmem>> -> memref<1x64xi32, #tpu.memory_space<vmem>>
    %dma_start3A_58 = tpu.memref_squeeze %dma_start3A_57 : memref<1x64xi32, #tpu.memory_space<vmem>> -> memref<64xi32, #tpu.memory_space<vmem>>
    %dma_start3A_59 = arith.constant 0 : i32
    %dma_start3A_60 = arith.constant 0 : i32
    %dma_start3A_61 = tpu.memref_slice %arg2[%dma_start3A_59, %dma_start3A_60] : memref<10240x128xf32, #tpu.memory_space<hbm>> -> memref<10240x128xf32, #tpu.memory_space<hbm>>
    tpu.enqueue_indirect_dma source(%dma_start3A_61 : memref<10240x128xf32, #tpu.memory_space<hbm>>) target(%arg11 : memref<64x128xf32, #tpu.memory_space<vmem>>) offsets(%dma_start3A_58 : memref<64xi32, #tpu.memory_space<vmem>>) semaphore(%arg16 : memref<!tpu.dma_semaphore, #tpu.memory_space<semaphore_mem>>)
    %dma_start3A_62 = arith.constant 3 : i32
    %dma_start3A_63 = arith.constant 0 : i32
    %dma_start3A_64 = tpu.memref_slice %arg7[%dma_start3A_62, %dma_start3A_63] : memref<80x64xi32, #tpu.memory_space<vmem>> -> memref<1x64xi32, #tpu.memory_space<vmem>>
    %dma_start3A_65 = tpu.memref_squeeze %dma_start3A_64 : memref<1x64xi32, #tpu.memory_space<vmem>> -> memref<64xi32, #tpu.memory_space<vmem>>
    %dma_start3A_66 = arith.constant 0 : i32
    %dma_start3A_67 = arith.constant 0 : i32
    %dma_start3A_68 = tpu.memref_slice %arg2[%dma_start3A_66, %dma_start3A_67] : memref<10240x128xf32, #tpu.memory_space<hbm>> -> memref<10240x128xf32, #tpu.memory_space<hbm>>
    tpu.enqueue_indirect_dma source(%dma_start3A_68 : memref<10240x128xf32, #tpu.memory_space<hbm>>) target(%arg12 : memref<64x128xf32, #tpu.memory_space<vmem>>) offsets(%dma_start3A_65 : memref<64xi32, #tpu.memory_space<vmem>>) semaphore(%arg17 : memref<!tpu.dma_semaphore, #tpu.memory_space<semaphore_mem>>)
    %scan3A_69 = arith.constant 0 : i32
    %scan3A_70 = arith.constant 0 : i32
    %scan3A_71 = arith.constant 20 : i32
    %scan3A_72 = arith.addi %scan3A_70, %scan3A_71 : i32
    %scan3A_73 = arith.constant 1 : i32
    scf.for %scan3A_76 = %scan3A_70 to %scan3A_72 step %scan3A_73  : i32 {
      %mul3A_77 = arith.constant 4 : i32
      %mul3A_78 = arith.muli %mul3A_77, %scan3A_76 : i32
      %add3A_79 = arith.constant 0 : i32
      %add3A_80 = arith.addi %mul3A_78, %add3A_79 : i32
      %dma_wait3A = arith.constant 0 : i32
      %dma_wait3A_81 = tpu.memref_slice %arg7[%add3A_80, %dma_wait3A] : memref<80x64xi32, #tpu.memory_space<vmem>> -> memref<1x64xi32, #tpu.memory_space<vmem>>
      %dma_wait3A_82 = tpu.memref_squeeze %dma_wait3A_81 : memref<1x64xi32, #tpu.memory_space<vmem>> -> memref<64xi32, #tpu.memory_space<vmem>>
      %dma_wait3A_83 = arith.constant 0 : i32
      %dma_wait3A_84 = arith.constant 0 : i32
      %dma_wait3A_85 = tpu.memref_slice %arg2[%dma_wait3A_83, %dma_wait3A_84] : memref<10240x128xf32, #tpu.memory_space<hbm>> -> memref<10240x128xf32, #tpu.memory_space<hbm>>
      tpu.wait_indirect_dma semaphore(%arg14 : memref<!tpu.dma_semaphore, #tpu.memory_space<semaphore_mem>>) src(%dma_wait3A_85 : memref<10240x128xf32, #tpu.memory_space<hbm>>) dst(%arg9 : memref<64x128xf32, #tpu.memory_space<vmem>>)
      "tpu.region"() ({
        %run_scoped3A = tpu.sem_alloc : memref<!tpu.dma_semaphore, #tpu.memory_space<semaphore_mem>>
        %dma_start3A_141 = arith.constant 0 : i32
        %dma_start3A_142 = tpu.memref_slice %arg8[%add3A_80, %dma_start3A_141] : memref<80x64xi32, #tpu.memory_space<vmem>> -> memref<1x64xi32, #tpu.memory_space<vmem>>
        %dma_start3A_143 = tpu.memref_squeeze %dma_start3A_142 : memref<1x64xi32, #tpu.memory_space<vmem>> -> memref<64xi32, #tpu.memory_space<vmem>>
        %dma_start3A_144 = arith.constant 0 : i32
        %dma_start3A_145 = arith.constant 0 : i32
        %dma_start3A_146 = tpu.memref_slice %arg13[%dma_start3A_144, %dma_start3A_145] : memref<10240x128xf32, #tpu.memory_space<vmem_shared>> -> memref<10240x128xf32, #tpu.memory_space<vmem_shared>>
        tpu.enqueue_indirect_dma source(%arg9 : memref<64x128xf32, #tpu.memory_space<vmem>>) target(%dma_start3A_146 : memref<10240x128xf32, #tpu.memory_space<vmem_shared>>) offsets(%dma_start3A_143 : memref<64xi32, #tpu.memory_space<vmem>>) semaphore(%run_scoped3A : memref<!tpu.dma_semaphore, #tpu.memory_space<semaphore_mem>>) {add = true}
        %dma_wait3A_147 = arith.constant 0 : i32
        %dma_wait3A_148 = tpu.memref_slice %arg8[%add3A_80, %dma_wait3A_147] : memref<80x64xi32, #tpu.memory_space<vmem>> -> memref<1x64xi32, #tpu.memory_space<vmem>>
        %dma_wait3A_149 = tpu.memref_squeeze %dma_wait3A_148 : memref<1x64xi32, #tpu.memory_space<vmem>> -> memref<64xi32, #tpu.memory_space<vmem>>
        %dma_wait3A_150 = arith.constant 0 : i32
        %dma_wait3A_151 = arith.constant 0 : i32
        %dma_wait3A_152 = tpu.memref_slice %arg13[%dma_wait3A_150, %dma_wait3A_151] : memref<10240x128xf32, #tpu.memory_space<vmem_shared>> -> memref<10240x128xf32, #tpu.memory_space<vmem_shared>>
        tpu.wait_indirect_dma semaphore(%run_scoped3A : memref<!tpu.dma_semaphore, #tpu.memory_space<semaphore_mem>>) src(%arg9 : memref<64x128xf32, #tpu.memory_space<vmem>>) dst(%dma_wait3A_152 : memref<10240x128xf32, #tpu.memory_space<vmem_shared>>)
        tpu.yield
      }) : () -> ()
      %add3A_86 = arith.constant 4 : i32
      %add3A_87 = arith.addi %add3A_80, %add3A_86 : i32
      %lt3A = arith.constant 80 : i32
      %lt3A_88 = arith.cmpi slt, %add3A_87, %lt3A : i32
      %convert_element_type3A = arith.extui %lt3A_88 : i1 to i32
      %cond3A = arith.constant 0 : i32
      %cond3A_89 = arith.cmpi ne, %convert_element_type3A, %cond3A : i32
      scf.if %cond3A_89 {
        %add3A_141 = arith.constant 4 : i32
        %add3A_142 = arith.addi %add3A_80, %add3A_141 : i32
        %dma_start3A_143 = arith.constant 0 : i32
        %dma_start3A_144 = tpu.memref_slice %arg7[%add3A_142, %dma_start3A_143] : memref<80x64xi32, #tpu.memory_space<vmem>> -> memref<1x64xi32, #tpu.memory_space<vmem>>
        %dma_start3A_145 = tpu.memref_squeeze %dma_start3A_144 : memref<1x64xi32, #tpu.memory_space<vmem>> -> memref<64xi32, #tpu.memory_space<vmem>>
        %dma_start3A_146 = arith.constant 0 : i32
        %dma_start3A_147 = arith.constant 0 : i32
        %dma_start3A_148 = tpu.memref_slice %arg2[%dma_start3A_146, %dma_start3A_147] : memref<10240x128xf32, #tpu.memory_space<hbm>> -> memref<10240x128xf32, #tpu.memory_space<hbm>>
        tpu.enqueue_indirect_dma source(%dma_start3A_148 : memref<10240x128xf32, #tpu.memory_space<hbm>>) target(%arg9 : memref<64x128xf32, #tpu.memory_space<vmem>>) offsets(%dma_start3A_145 : memref<64xi32, #tpu.memory_space<vmem>>) semaphore(%arg14 : memref<!tpu.dma_semaphore, #tpu.memory_space<semaphore_mem>>)
      } else {
      }
      %mul3A_90 = arith.constant 4 : i32
      %mul3A_91 = arith.muli %mul3A_90, %scan3A_76 : i32
      %add3A_92 = arith.constant 1 : i32
      %add3A_93 = arith.addi %mul3A_91, %add3A_92 : i32
      %dma_wait3A_94 = arith.constant 0 : i32
      %dma_wait3A_95 = tpu.memref_slice %arg7[%add3A_93, %dma_wait3A_94] : memref<80x64xi32, #tpu.memory_space<vmem>> -> memref<1x64xi32, #tpu.memory_space<vmem>>
      %dma_wait3A_96 = tpu.memref_squeeze %dma_wait3A_95 : memref<1x64xi32, #tpu.memory_space<vmem>> -> memref<64xi32, #tpu.memory_space<vmem>>
      %dma_wait3A_97 = arith.constant 0 : i32
      %dma_wait3A_98 = arith.constant 0 : i32
      %dma_wait3A_99 = tpu.memref_slice %arg2[%dma_wait3A_97, %dma_wait3A_98] : memref<10240x128xf32, #tpu.memory_space<hbm>> -> memref<10240x128xf32, #tpu.memory_space<hbm>>
      tpu.wait_indirect_dma semaphore(%arg15 : memref<!tpu.dma_semaphore, #tpu.memory_space<semaphore_mem>>) src(%dma_wait3A_99 : memref<10240x128xf32, #tpu.memory_space<hbm>>) dst(%arg10 : memref<64x128xf32, #tpu.memory_space<vmem>>)
      "tpu.region"() ({
        %run_scoped3A = tpu.sem_alloc : memref<!tpu.dma_semaphore, #tpu.memory_space<semaphore_mem>>
        %dma_start3A_141 = arith.constant 0 : i32
        %dma_start3A_142 = tpu.memref_slice %arg8[%add3A_93, %dma_start3A_141] : memref<80x64xi32, #tpu.memory_space<vmem>> -> memref<1x64xi32, #tpu.memory_space<vmem>>
        %dma_start3A_143 = tpu.memref_squeeze %dma_start3A_142 : memref<1x64xi32, #tpu.memory_space<vmem>> -> memref<64xi32, #tpu.memory_space<vmem>>
        %dma_start3A_144 = arith.constant 0 : i32
        %dma_start3A_145 = arith.constant 0 : i32
        %dma_start3A_146 = tpu.memref_slice %arg13[%dma_start3A_144, %dma_start3A_145] : memref<10240x128xf32, #tpu.memory_space<vmem_shared>> -> memref<10240x128xf32, #tpu.memory_space<vmem_shared>>
        tpu.enqueue_indirect_dma source(%arg10 : memref<64x128xf32, #tpu.memory_space<vmem>>) target(%dma_start3A_146 : memref<10240x128xf32, #tpu.memory_space<vmem_shared>>) offsets(%dma_start3A_143 : memref<64xi32, #tpu.memory_space<vmem>>) semaphore(%run_scoped3A : memref<!tpu.dma_semaphore, #tpu.memory_space<semaphore_mem>>) {add = true}
        %dma_wait3A_147 = arith.constant 0 : i32
        %dma_wait3A_148 = tpu.memref_slice %arg8[%add3A_93, %dma_wait3A_147] : memref<80x64xi32, #tpu.memory_space<vmem>> -> memref<1x64xi32, #tpu.memory_space<vmem>>
        %dma_wait3A_149 = tpu.memref_squeeze %dma_wait3A_148 : memref<1x64xi32, #tpu.memory_space<vmem>> -> memref<64xi32, #tpu.memory_space<vmem>>
        %dma_wait3A_150 = arith.constant 0 : i32
        %dma_wait3A_151 = arith.constant 0 : i32
        %dma_wait3A_152 = tpu.memref_slice %arg13[%dma_wait3A_150, %dma_wait3A_151] : memref<10240x128xf32, #tpu.memory_space<vmem_shared>> -> memref<10240x128xf32, #tpu.memory_space<vmem_shared>>
        tpu.wait_indirect_dma semaphore(%run_scoped3A : memref<!tpu.dma_semaphore, #tpu.memory_space<semaphore_mem>>) src(%arg10 : memref<64x128xf32, #tpu.memory_space<vmem>>) dst(%dma_wait3A_152 : memref<10240x128xf32, #tpu.memory_space<vmem_shared>>)
        tpu.yield
      }) : () -> ()
      %add3A_100 = arith.constant 4 : i32
      %add3A_101 = arith.addi %add3A_93, %add3A_100 : i32
      %lt3A_102 = arith.constant 80 : i32
      %lt3A_103 = arith.cmpi slt, %add3A_101, %lt3A_102 : i32
      %convert_element_type3A_104 = arith.extui %lt3A_103 : i1 to i32
      %cond3A_105 = arith.constant 0 : i32
      %cond3A_106 = arith.cmpi ne, %convert_element_type3A_104, %cond3A_105 : i32
      scf.if %cond3A_106 {
        %add3A_141 = arith.constant 4 : i32
        %add3A_142 = arith.addi %add3A_93, %add3A_141 : i32
        %dma_start3A_143 = arith.constant 0 : i32
        %dma_start3A_144 = tpu.memref_slice %arg7[%add3A_142, %dma_start3A_143] : memref<80x64xi32, #tpu.memory_space<vmem>> -> memref<1x64xi32, #tpu.memory_space<vmem>>
        %dma_start3A_145 = tpu.memref_squeeze %dma_start3A_144 : memref<1x64xi32, #tpu.memory_space<vmem>> -> memref<64xi32, #tpu.memory_space<vmem>>
        %dma_start3A_146 = arith.constant 0 : i32
        %dma_start3A_147 = arith.constant 0 : i32
        %dma_start3A_148 = tpu.memref_slice %arg2[%dma_start3A_146, %dma_start3A_147] : memref<10240x128xf32, #tpu.memory_space<hbm>> -> memref<10240x128xf32, #tpu.memory_space<hbm>>
        tpu.enqueue_indirect_dma source(%dma_start3A_148 : memref<10240x128xf32, #tpu.memory_space<hbm>>) target(%arg10 : memref<64x128xf32, #tpu.memory_space<vmem>>) offsets(%dma_start3A_145 : memref<64xi32, #tpu.memory_space<vmem>>) semaphore(%arg15 : memref<!tpu.dma_semaphore, #tpu.memory_space<semaphore_mem>>)
      } else {
      }
      %mul3A_107 = arith.constant 4 : i32
      %mul3A_108 = arith.muli %mul3A_107, %scan3A_76 : i32
      %add3A_109 = arith.constant 2 : i32
      %add3A_110 = arith.addi %mul3A_108, %add3A_109 : i32
      %dma_wait3A_111 = arith.constant 0 : i32
      %dma_wait3A_112 = tpu.memref_slice %arg7[%add3A_110, %dma_wait3A_111] : memref<80x64xi32, #tpu.memory_space<vmem>> -> memref<1x64xi32, #tpu.memory_space<vmem>>
      %dma_wait3A_113 = tpu.memref_squeeze %dma_wait3A_112 : memref<1x64xi32, #tpu.memory_space<vmem>> -> memref<64xi32, #tpu.memory_space<vmem>>
      %dma_wait3A_114 = arith.constant 0 : i32
      %dma_wait3A_115 = arith.constant 0 : i32
      %dma_wait3A_116 = tpu.memref_slice %arg2[%dma_wait3A_114, %dma_wait3A_115] : memref<10240x128xf32, #tpu.memory_space<hbm>> -> memref<10240x128xf32, #tpu.memory_space<hbm>>
      tpu.wait_indirect_dma semaphore(%arg16 : memref<!tpu.dma_semaphore, #tpu.memory_space<semaphore_mem>>) src(%dma_wait3A_116 : memref<10240x128xf32, #tpu.memory_space<hbm>>) dst(%arg11 : memref<64x128xf32, #tpu.memory_space<vmem>>)
      "tpu.region"() ({
        %run_scoped3A = tpu.sem_alloc : memref<!tpu.dma_semaphore, #tpu.memory_space<semaphore_mem>>
        %dma_start3A_141 = arith.constant 0 : i32
        %dma_start3A_142 = tpu.memref_slice %arg8[%add3A_110, %dma_start3A_141] : memref<80x64xi32, #tpu.memory_space<vmem>> -> memref<1x64xi32, #tpu.memory_space<vmem>>
        %dma_start3A_143 = tpu.memref_squeeze %dma_start3A_142 : memref<1x64xi32, #tpu.memory_space<vmem>> -> memref<64xi32, #tpu.memory_space<vmem>>
        %dma_start3A_144 = arith.constant 0 : i32
        %dma_start3A_145 = arith.constant 0 : i32
        %dma_start3A_146 = tpu.memref_slice %arg13[%dma_start3A_144, %dma_start3A_145] : memref<10240x128xf32, #tpu.memory_space<vmem_shared>> -> memref<10240x128xf32, #tpu.memory_space<vmem_shared>>
        tpu.enqueue_indirect_dma source(%arg11 : memref<64x128xf32, #tpu.memory_space<vmem>>) target(%dma_start3A_146 : memref<10240x128xf32, #tpu.memory_space<vmem_shared>>) offsets(%dma_start3A_143 : memref<64xi32, #tpu.memory_space<vmem>>) semaphore(%run_scoped3A : memref<!tpu.dma_semaphore, #tpu.memory_space<semaphore_mem>>) {add = true}
        %dma_wait3A_147 = arith.constant 0 : i32
        %dma_wait3A_148 = tpu.memref_slice %arg8[%add3A_110, %dma_wait3A_147] : memref<80x64xi32, #tpu.memory_space<vmem>> -> memref<1x64xi32, #tpu.memory_space<vmem>>
        %dma_wait3A_149 = tpu.memref_squeeze %dma_wait3A_148 : memref<1x64xi32, #tpu.memory_space<vmem>> -> memref<64xi32, #tpu.memory_space<vmem>>
        %dma_wait3A_150 = arith.constant 0 : i32
        %dma_wait3A_151 = arith.constant 0 : i32
        %dma_wait3A_152 = tpu.memref_slice %arg13[%dma_wait3A_150, %dma_wait3A_151] : memref<10240x128xf32, #tpu.memory_space<vmem_shared>> -> memref<10240x128xf32, #tpu.memory_space<vmem_shared>>
        tpu.wait_indirect_dma semaphore(%run_scoped3A : memref<!tpu.dma_semaphore, #tpu.memory_space<semaphore_mem>>) src(%arg11 : memref<64x128xf32, #tpu.memory_space<vmem>>) dst(%dma_wait3A_152 : memref<10240x128xf32, #tpu.memory_space<vmem_shared>>)
        tpu.yield
      }) : () -> ()
      %add3A_117 = arith.constant 4 : i32
      %add3A_118 = arith.addi %add3A_110, %add3A_117 : i32
      %lt3A_119 = arith.constant 80 : i32
      %lt3A_120 = arith.cmpi slt, %add3A_118, %lt3A_119 : i32
      %convert_element_type3A_121 = arith.extui %lt3A_120 : i1 to i32
      %cond3A_122 = arith.constant 0 : i32
      %cond3A_123 = arith.cmpi ne, %convert_element_type3A_121, %cond3A_122 : i32
      scf.if %cond3A_123 {
        %add3A_141 = arith.constant 4 : i32
        %add3A_142 = arith.addi %add3A_110, %add3A_141 : i32
        %dma_start3A_143 = arith.constant 0 : i32
        %dma_start3A_144 = tpu.memref_slice %arg7[%add3A_142, %dma_start3A_143] : memref<80x64xi32, #tpu.memory_space<vmem>> -> memref<1x64xi32, #tpu.memory_space<vmem>>
        %dma_start3A_145 = tpu.memref_squeeze %dma_start3A_144 : memref<1x64xi32, #tpu.memory_space<vmem>> -> memref<64xi32, #tpu.memory_space<vmem>>
        %dma_start3A_146 = arith.constant 0 : i32
        %dma_start3A_147 = arith.constant 0 : i32
        %dma_start3A_148 = tpu.memref_slice %arg2[%dma_start3A_146, %dma_start3A_147] : memref<10240x128xf32, #tpu.memory_space<hbm>> -> memref<10240x128xf32, #tpu.memory_space<hbm>>
        tpu.enqueue_indirect_dma source(%dma_start3A_148 : memref<10240x128xf32, #tpu.memory_space<hbm>>) target(%arg11 : memref<64x128xf32, #tpu.memory_space<vmem>>) offsets(%dma_start3A_145 : memref<64xi32, #tpu.memory_space<vmem>>) semaphore(%arg16 : memref<!tpu.dma_semaphore, #tpu.memory_space<semaphore_mem>>)
      } else {
      }
      %mul3A_124 = arith.constant 4 : i32
      %mul3A_125 = arith.muli %mul3A_124, %scan3A_76 : i32
      %add3A_126 = arith.constant 3 : i32
      %add3A_127 = arith.addi %mul3A_125, %add3A_126 : i32
      %dma_wait3A_128 = arith.constant 0 : i32
      %dma_wait3A_129 = tpu.memref_slice %arg7[%add3A_127, %dma_wait3A_128] : memref<80x64xi32, #tpu.memory_space<vmem>> -> memref<1x64xi32, #tpu.memory_space<vmem>>
      %dma_wait3A_130 = tpu.memref_squeeze %dma_wait3A_129 : memref<1x64xi32, #tpu.memory_space<vmem>> -> memref<64xi32, #tpu.memory_space<vmem>>
      %dma_wait3A_131 = arith.constant 0 : i32
      %dma_wait3A_132 = arith.constant 0 : i32
      %dma_wait3A_133 = tpu.memref_slice %arg2[%dma_wait3A_131, %dma_wait3A_132] : memref<10240x128xf32, #tpu.memory_space<hbm>> -> memref<10240x128xf32, #tpu.memory_space<hbm>>
      tpu.wait_indirect_dma semaphore(%arg17 : memref<!tpu.dma_semaphore, #tpu.memory_space<semaphore_mem>>) src(%dma_wait3A_133 : memref<10240x128xf32, #tpu.memory_space<hbm>>) dst(%arg12 : memref<64x128xf32, #tpu.memory_space<vmem>>)
      "tpu.region"() ({
        %run_scoped3A = tpu.sem_alloc : memref<!tpu.dma_semaphore, #tpu.memory_space<semaphore_mem>>
        %dma_start3A_141 = arith.constant 0 : i32
        %dma_start3A_142 = tpu.memref_slice %arg8[%add3A_127, %dma_start3A_141] : memref<80x64xi32, #tpu.memory_space<vmem>> -> memref<1x64xi32, #tpu.memory_space<vmem>>
        %dma_start3A_143 = tpu.memref_squeeze %dma_start3A_142 : memref<1x64xi32, #tpu.memory_space<vmem>> -> memref<64xi32, #tpu.memory_space<vmem>>
        %dma_start3A_144 = arith.constant 0 : i32
        %dma_start3A_145 = arith.constant 0 : i32
        %dma_start3A_146 = tpu.memref_slice %arg13[%dma_start3A_144, %dma_start3A_145] : memref<10240x128xf32, #tpu.memory_space<vmem_shared>> -> memref<10240x128xf32, #tpu.memory_space<vmem_shared>>
        tpu.enqueue_indirect_dma source(%arg12 : memref<64x128xf32, #tpu.memory_space<vmem>>) target(%dma_start3A_146 : memref<10240x128xf32, #tpu.memory_space<vmem_shared>>) offsets(%dma_start3A_143 : memref<64xi32, #tpu.memory_space<vmem>>) semaphore(%run_scoped3A : memref<!tpu.dma_semaphore, #tpu.memory_space<semaphore_mem>>) {add = true}
        %dma_wait3A_147 = arith.constant 0 : i32
        %dma_wait3A_148 = tpu.memref_slice %arg8[%add3A_127, %dma_wait3A_147] : memref<80x64xi32, #tpu.memory_space<vmem>> -> memref<1x64xi32, #tpu.memory_space<vmem>>
        %dma_wait3A_149 = tpu.memref_squeeze %dma_wait3A_148 : memref<1x64xi32, #tpu.memory_space<vmem>> -> memref<64xi32, #tpu.memory_space<vmem>>
        %dma_wait3A_150 = arith.constant 0 : i32
        %dma_wait3A_151 = arith.constant 0 : i32
        %dma_wait3A_152 = tpu.memref_slice %arg13[%dma_wait3A_150, %dma_wait3A_151] : memref<10240x128xf32, #tpu.memory_space<vmem_shared>> -> memref<10240x128xf32, #tpu.memory_space<vmem_shared>>
        tpu.wait_indirect_dma semaphore(%run_scoped3A : memref<!tpu.dma_semaphore, #tpu.memory_space<semaphore_mem>>) src(%arg12 : memref<64x128xf32, #tpu.memory_space<vmem>>) dst(%dma_wait3A_152 : memref<10240x128xf32, #tpu.memory_space<vmem_shared>>)
        tpu.yield
      }) : () -> ()
      %add3A_134 = arith.constant 4 : i32
      %add3A_135 = arith.addi %add3A_127, %add3A_134 : i32
      %lt3A_136 = arith.constant 80 : i32
      %lt3A_137 = arith.cmpi slt, %add3A_135, %lt3A_136 : i32
      %convert_element_type3A_138 = arith.extui %lt3A_137 : i1 to i32
      %cond3A_139 = arith.constant 0 : i32
      %cond3A_140 = arith.cmpi ne, %convert_element_type3A_138, %cond3A_139 : i32
      scf.if %cond3A_140 {
        %add3A_141 = arith.constant 4 : i32
        %add3A_142 = arith.addi %add3A_127, %add3A_141 : i32
        %dma_start3A_143 = arith.constant 0 : i32
        %dma_start3A_144 = tpu.memref_slice %arg7[%add3A_142, %dma_start3A_143] : memref<80x64xi32, #tpu.memory_space<vmem>> -> memref<1x64xi32, #tpu.memory_space<vmem>>
        %dma_start3A_145 = tpu.memref_squeeze %dma_start3A_144 : memref<1x64xi32, #tpu.memory_space<vmem>> -> memref<64xi32, #tpu.memory_space<vmem>>
        %dma_start3A_146 = arith.constant 0 : i32
        %dma_start3A_147 = arith.constant 0 : i32
        %dma_start3A_148 = tpu.memref_slice %arg2[%dma_start3A_146, %dma_start3A_147] : memref<10240x128xf32, #tpu.memory_space<hbm>> -> memref<10240x128xf32, #tpu.memory_space<hbm>>
        tpu.enqueue_indirect_dma source(%dma_start3A_148 : memref<10240x128xf32, #tpu.memory_space<hbm>>) target(%arg12 : memref<64x128xf32, #tpu.memory_space<vmem>>) offsets(%dma_start3A_145 : memref<64xi32, #tpu.memory_space<vmem>>) semaphore(%arg17 : memref<!tpu.dma_semaphore, #tpu.memory_space<semaphore_mem>>)
      } else {
      }
    }
    %scan3A_74 = arith.constant 20 : i32
    %barrier3A_75 = arith.constant 0 : index
    tpu.barrier barrier_id(%barrier3A_75)
    "tpu.region"() ({
      %run_scoped3A = tpu.sem_alloc : memref<!tpu.dma_semaphore, #tpu.memory_space<semaphore_mem>>
      %dma_start3A_76 = arith.constant 0 : i32
      %dma_start3A_77 = tpu.memref_slice %arg6[%arg0, %mul3A_0, %dma_start3A_76] : memref<2x10240x128xf32, #tpu.memory_space<hbm>> -> memref<1x640x128xf32, #tpu.memory_space<hbm>>
      %dma_start3A_78 = tpu.memref_squeeze %dma_start3A_77 : memref<1x640x128xf32, #tpu.memory_space<hbm>> -> memref<640x128xf32, #tpu.memory_space<hbm>>
      %dma_start3A_79 = arith.constant 0 : i32
      %dma_start3A_80 = tpu.memref_slice %arg13[%mul3A_0, %dma_start3A_79] : memref<10240x128xf32, #tpu.memory_space<vmem_shared>> -> memref<640x128xf32, #tpu.memory_space<vmem_shared>>
      tpu.enqueue_dma source(%dma_start3A_80 : memref<640x128xf32, #tpu.memory_space<vmem_shared>>) target(%dma_start3A_78 : memref<640x128xf32, #tpu.memory_space<hbm>>) target_semaphore(%run_scoped3A : memref<!tpu.dma_semaphore, #tpu.memory_space<semaphore_mem>>)
      %dma_wait3A = arith.constant 0 : i32
      %dma_wait3A_81 = tpu.memref_slice %arg6[%arg0, %mul3A_0, %dma_wait3A] : memref<2x10240x128xf32, #tpu.memory_space<hbm>> -> memref<1x640x128xf32, #tpu.memory_space<hbm>>
      %dma_wait3A_82 = tpu.memref_squeeze %dma_wait3A_81 : memref<1x640x128xf32, #tpu.memory_space<hbm>> -> memref<640x128xf32, #tpu.memory_space<hbm>>
      %dma_wait3A_83 = arith.constant 0 : i32
      %dma_wait3A_84 = tpu.memref_slice %arg13[%mul3A_0, %dma_wait3A_83] : memref<10240x128xf32, #tpu.memory_space<vmem_shared>> -> memref<640x128xf32, #tpu.memory_space<vmem_shared>>
      tpu.wait_dma2 semaphore(%run_scoped3A : memref<!tpu.dma_semaphore, #tpu.memory_space<semaphore_mem>>) src(%dma_wait3A_84 : memref<640x128xf32, #tpu.memory_space<vmem_shared>>) dst(%dma_wait3A_82 : memref<640x128xf32, #tpu.memory_space<hbm>>)
      tpu.yield
    }) : () -> ()
    return
  }
}

#map = affine_map<(d0, d1) -> (0, 0)>
#map1 = affine_map<(d0, d1) -> (0, 0, 0)>
module attributes {stable_mosaic.version = 14 : i64} {
  func.func @_sc_deg(%arg0: i32, %arg1: i32, %arg2: memref<5120x64xi32, #tpu.memory_space<hbm>>, %arg3: memref<64x16xf32, #tpu.memory_space<hbm>>, %arg4: memref<640x16xf32, #tpu.memory_space<hbm>>, %arg5: memref<2x10240x16xf32, #tpu.memory_space<hbm>>, %arg6: memref<160x64xi32, #tpu.memory_space<vmem>>, %arg7: memref<64x16xf32, #tpu.memory_space<vmem>>, %arg8: memref<10240x16xf32, #tpu.memory_space<vmem_shared>>) attributes {dimension_semantics = [#tpu.dimension_semantics<core_parallel>, #tpu.dimension_semantics<subcore_parallel>], iteration_bounds = array<i64: 2, 16>, scalar_prefetch = 0 : i64, scratch_operands = 3 : i64, tpu.core_type = #tpu.core_type<sc_vector_subcore>, window_params = [{transform_indices = #map}, {transform_indices = #map}, {transform_indices = #map}, {transform_indices = #map1}]} {
    %mul3A = arith.constant 640 : i32
    %mul3A_0 = arith.muli %arg1, %mul3A : i32
    %mul3A_1 = arith.constant 16 : i32
    %mul3A_2 = arith.muli %arg0, %mul3A_1 : i32
    %add3A = arith.addi %mul3A_2, %arg1 : i32
    %mul3A_3 = arith.constant 160 : i32
    %mul3A_4 = arith.muli %add3A, %mul3A_3 : i32
    "tpu.region"() ({
      %run_scoped3A = tpu.sem_alloc : memref<!tpu.dma_semaphore, #tpu.memory_space<semaphore_mem>>
      %dma_start3A = arith.constant 0 : i32
      %dma_start3A_11 = tpu.memref_slice %arg2[%mul3A_4, %dma_start3A] : memref<5120x64xi32, #tpu.memory_space<hbm>> -> memref<160x64xi32, #tpu.memory_space<hbm>>
      %dma_start3A_12 = arith.constant 0 : i32
      %dma_start3A_13 = tpu.memref_slice %arg2[%mul3A_4, %dma_start3A_12] : memref<5120x64xi32, #tpu.memory_space<hbm>> -> memref<160x64xi32, #tpu.memory_space<hbm>>
      tpu.enqueue_dma source(%dma_start3A_13 : memref<160x64xi32, #tpu.memory_space<hbm>>) target(%arg6 : memref<160x64xi32, #tpu.memory_space<vmem>>) target_semaphore(%run_scoped3A : memref<!tpu.dma_semaphore, #tpu.memory_space<semaphore_mem>>)
      %dma_wait3A = arith.constant 0 : i32
      %dma_wait3A_14 = tpu.memref_slice %arg2[%mul3A_4, %dma_wait3A] : memref<5120x64xi32, #tpu.memory_space<hbm>> -> memref<160x64xi32, #tpu.memory_space<hbm>>
      %dma_wait3A_15 = arith.constant 0 : i32
      %dma_wait3A_16 = tpu.memref_slice %arg2[%mul3A_4, %dma_wait3A_15] : memref<5120x64xi32, #tpu.memory_space<hbm>> -> memref<160x64xi32, #tpu.memory_space<hbm>>
      tpu.wait_dma2 semaphore(%run_scoped3A : memref<!tpu.dma_semaphore, #tpu.memory_space<semaphore_mem>>) src(%dma_wait3A_16 : memref<160x64xi32, #tpu.memory_space<hbm>>) dst(%arg6 : memref<160x64xi32, #tpu.memory_space<vmem>>)
      tpu.yield
    }) : () -> ()
    "tpu.region"() ({
      %run_scoped3A = tpu.sem_alloc : memref<!tpu.dma_semaphore, #tpu.memory_space<semaphore_mem>>
      tpu.enqueue_dma source(%arg3 : memref<64x16xf32, #tpu.memory_space<hbm>>) target(%arg7 : memref<64x16xf32, #tpu.memory_space<vmem>>) target_semaphore(%run_scoped3A : memref<!tpu.dma_semaphore, #tpu.memory_space<semaphore_mem>>)
      tpu.wait_dma2 semaphore(%run_scoped3A : memref<!tpu.dma_semaphore, #tpu.memory_space<semaphore_mem>>) src(%arg3 : memref<64x16xf32, #tpu.memory_space<hbm>>) dst(%arg7 : memref<64x16xf32, #tpu.memory_space<vmem>>)
      tpu.yield
    }) : () -> ()
    "tpu.region"() ({
      %run_scoped3A = tpu.sem_alloc : memref<!tpu.dma_semaphore, #tpu.memory_space<semaphore_mem>>
      %dma_start3A = arith.constant 0 : i32
      %dma_start3A_11 = tpu.memref_slice %arg8[%mul3A_0, %dma_start3A] : memref<10240x16xf32, #tpu.memory_space<vmem_shared>> -> memref<640x16xf32, #tpu.memory_space<vmem_shared>>
      tpu.enqueue_dma source(%arg4 : memref<640x16xf32, #tpu.memory_space<hbm>>) target(%dma_start3A_11 : memref<640x16xf32, #tpu.memory_space<vmem_shared>>) target_semaphore(%run_scoped3A : memref<!tpu.dma_semaphore, #tpu.memory_space<semaphore_mem>>)
      %dma_wait3A = arith.constant 0 : i32
      %dma_wait3A_12 = tpu.memref_slice %arg8[%mul3A_0, %dma_wait3A] : memref<10240x16xf32, #tpu.memory_space<vmem_shared>> -> memref<640x16xf32, #tpu.memory_space<vmem_shared>>
      tpu.wait_dma2 semaphore(%run_scoped3A : memref<!tpu.dma_semaphore, #tpu.memory_space<semaphore_mem>>) src(%arg4 : memref<640x16xf32, #tpu.memory_space<hbm>>) dst(%dma_wait3A_12 : memref<640x16xf32, #tpu.memory_space<vmem_shared>>)
      tpu.yield
    }) : () -> ()
    %barrier3A = arith.constant 0 : index
    tpu.barrier barrier_id(%barrier3A)
    %scan3A = arith.constant 0 : i32
    %scan3A_5 = arith.constant 0 : i32
    %scan3A_6 = arith.constant 160 : i32
    %scan3A_7 = arith.addi %scan3A_5, %scan3A_6 : i32
    %scan3A_8 = arith.constant 1 : i32
    scf.for %scan3A_11 = %scan3A_5 to %scan3A_7 step %scan3A_8  : i32 {
      "tpu.region"() ({
        %run_scoped3A = tpu.sem_alloc : memref<!tpu.dma_semaphore, #tpu.memory_space<semaphore_mem>>
        %dma_start3A = arith.constant 0 : i32
        %dma_start3A_12 = tpu.memref_slice %arg6[%scan3A_11, %dma_start3A] : memref<160x64xi32, #tpu.memory_space<vmem>> -> memref<1x64xi32, #tpu.memory_space<vmem>>
        %dma_start3A_13 = tpu.memref_squeeze %dma_start3A_12 : memref<1x64xi32, #tpu.memory_space<vmem>> -> memref<64xi32, #tpu.memory_space<vmem>>
        %dma_start3A_14 = arith.constant 0 : i32
        %dma_start3A_15 = arith.constant 0 : i32
        %dma_start3A_16 = tpu.memref_slice %arg8[%dma_start3A_14, %dma_start3A_15] : memref<10240x16xf32, #tpu.memory_space<vmem_shared>> -> memref<10240x16xf32, #tpu.memory_space<vmem_shared>>
        tpu.enqueue_indirect_dma source(%arg7 : memref<64x16xf32, #tpu.memory_space<vmem>>) target(%dma_start3A_16 : memref<10240x16xf32, #tpu.memory_space<vmem_shared>>) offsets(%dma_start3A_13 : memref<64xi32, #tpu.memory_space<vmem>>) semaphore(%run_scoped3A : memref<!tpu.dma_semaphore, #tpu.memory_space<semaphore_mem>>) {add = true}
        %dma_wait3A = arith.constant 0 : i32
        %dma_wait3A_17 = tpu.memref_slice %arg6[%scan3A_11, %dma_wait3A] : memref<160x64xi32, #tpu.memory_space<vmem>> -> memref<1x64xi32, #tpu.memory_space<vmem>>
        %dma_wait3A_18 = tpu.memref_squeeze %dma_wait3A_17 : memref<1x64xi32, #tpu.memory_space<vmem>> -> memref<64xi32, #tpu.memory_space<vmem>>
        %dma_wait3A_19 = arith.constant 0 : i32
        %dma_wait3A_20 = arith.constant 0 : i32
        %dma_wait3A_21 = tpu.memref_slice %arg8[%dma_wait3A_19, %dma_wait3A_20] : memref<10240x16xf32, #tpu.memory_space<vmem_shared>> -> memref<10240x16xf32, #tpu.memory_space<vmem_shared>>
        tpu.wait_indirect_dma semaphore(%run_scoped3A : memref<!tpu.dma_semaphore, #tpu.memory_space<semaphore_mem>>) src(%arg7 : memref<64x16xf32, #tpu.memory_space<vmem>>) dst(%dma_wait3A_21 : memref<10240x16xf32, #tpu.memory_space<vmem_shared>>)
        tpu.yield
      }) : () -> ()
    }
    %scan3A_9 = arith.constant 160 : i32
    %barrier3A_10 = arith.constant 0 : index
    tpu.barrier barrier_id(%barrier3A_10)
    "tpu.region"() ({
      %run_scoped3A = tpu.sem_alloc : memref<!tpu.dma_semaphore, #tpu.memory_space<semaphore_mem>>
      %dma_start3A = arith.constant 0 : i32
      %dma_start3A_11 = tpu.memref_slice %arg5[%arg0, %mul3A_0, %dma_start3A] : memref<2x10240x16xf32, #tpu.memory_space<hbm>> -> memref<1x640x16xf32, #tpu.memory_space<hbm>>
      %dma_start3A_12 = tpu.memref_squeeze %dma_start3A_11 : memref<1x640x16xf32, #tpu.memory_space<hbm>> -> memref<640x16xf32, #tpu.memory_space<hbm>>
      %dma_start3A_13 = arith.constant 0 : i32
      %dma_start3A_14 = tpu.memref_slice %arg8[%mul3A_0, %dma_start3A_13] : memref<10240x16xf32, #tpu.memory_space<vmem_shared>> -> memref<640x16xf32, #tpu.memory_space<vmem_shared>>
      tpu.enqueue_dma source(%dma_start3A_14 : memref<640x16xf32, #tpu.memory_space<vmem_shared>>) target(%dma_start3A_12 : memref<640x16xf32, #tpu.memory_space<hbm>>) target_semaphore(%run_scoped3A : memref<!tpu.dma_semaphore, #tpu.memory_space<semaphore_mem>>)
      %dma_wait3A = arith.constant 0 : i32
      %dma_wait3A_15 = tpu.memref_slice %arg5[%arg0, %mul3A_0, %dma_wait3A] : memref<2x10240x16xf32, #tpu.memory_space<hbm>> -> memref<1x640x16xf32, #tpu.memory_space<hbm>>
      %dma_wait3A_16 = tpu.memref_squeeze %dma_wait3A_15 : memref<1x640x16xf32, #tpu.memory_space<hbm>> -> memref<640x16xf32, #tpu.memory_space<hbm>>
      %dma_wait3A_17 = arith.constant 0 : i32
      %dma_wait3A_18 = tpu.memref_slice %arg8[%mul3A_0, %dma_wait3A_17] : memref<10240x16xf32, #tpu.memory_space<vmem_shared>> -> memref<640x16xf32, #tpu.memory_space<vmem_shared>>
      tpu.wait_dma2 semaphore(%run_scoped3A : memref<!tpu.dma_semaphore, #tpu.memory_space<semaphore_mem>>) src(%dma_wait3A_18 : memref<640x16xf32, #tpu.memory_space<vmem_shared>>) dst(%dma_wait3A_16 : memref<640x16xf32, #tpu.memory_space<hbm>>)
      tpu.yield
    }) : () -> ()
    return
  }
}

#map = affine_map<(d0, d1) -> (0, 0)>
#map1 = affine_map<(d0, d1) -> (0, 0, 0)>
module attributes {stable_mosaic.version = 14 : i64} {
  func.func @agg(%arg0: i32, %arg1: i32, %arg2: memref<10240x64xf32, #tpu.memory_space<hbm>>, %arg3: memref<2560x128xi32, #tpu.memory_space<hbm>>, %arg4: memref<2560x128xi32, #tpu.memory_space<hbm>>, %arg5: memref<640x64xf32, #tpu.memory_space<hbm>>, %arg6: memref<2x10240x64xf32, #tpu.memory_space<hbm>>, %arg7: memref<80x128xi32, #tpu.memory_space<vmem>>, %arg8: memref<80x128xi32, #tpu.memory_space<vmem>>, %arg9: memref<128x64xf32, #tpu.memory_space<vmem>>, %arg10: memref<128x64xf32, #tpu.memory_space<vmem>>, %arg11: memref<128x64xf32, #tpu.memory_space<vmem>>, %arg12: memref<128x64xf32, #tpu.memory_space<vmem>>, %arg13: memref<10240x64xf32, #tpu.memory_space<vmem_shared>>, %arg14: memref<!tpu.dma_semaphore, #tpu.memory_space<semaphore_mem>>, %arg15: memref<!tpu.dma_semaphore, #tpu.memory_space<semaphore_mem>>, %arg16: memref<!tpu.dma_semaphore, #tpu.memory_space<semaphore_mem>>, %arg17: memref<!tpu.dma_semaphore, #tpu.memory_space<semaphore_mem>>) attributes {dimension_semantics = [#tpu.dimension_semantics<core_parallel>, #tpu.dimension_semantics<subcore_parallel>], iteration_bounds = array<i64: 2, 16>, scalar_prefetch = 0 : i64, scratch_operands = 11 : i64, tpu.core_type = #tpu.core_type<sc_vector_subcore>, window_params = [{transform_indices = #map}, {transform_indices = #map}, {transform_indices = #map}, {transform_indices = #map}, {transform_indices = #map1}]} {
    %mul3A = arith.constant 640 : i32
    %mul3A_0 = arith.muli %arg1, %mul3A : i32
    %mul3A_1 = arith.constant 16 : i32
    %mul3A_2 = arith.muli %arg0, %mul3A_1 : i32
    %add3A = arith.addi %mul3A_2, %arg1 : i32
    %mul3A_3 = arith.constant 80 : i32
    %mul3A_4 = arith.muli %add3A, %mul3A_3 : i32
    "tpu.region"() ({
      %run_scoped3A = tpu.sem_alloc : memref<!tpu.dma_semaphore, #tpu.memory_space<semaphore_mem>>
      %dma_start3A_40 = arith.constant 0 : i32
      %dma_start3A_41 = tpu.memref_slice %arg13[%mul3A_0, %dma_start3A_40] : memref<10240x64xf32, #tpu.memory_space<vmem_shared>> -> memref<640x64xf32, #tpu.memory_space<vmem_shared>>
      tpu.enqueue_dma source(%arg5 : memref<640x64xf32, #tpu.memory_space<hbm>>) target(%dma_start3A_41 : memref<640x64xf32, #tpu.memory_space<vmem_shared>>) target_semaphore(%run_scoped3A : memref<!tpu.dma_semaphore, #tpu.memory_space<semaphore_mem>>)
      %dma_wait3A = arith.constant 0 : i32
      %dma_wait3A_42 = tpu.memref_slice %arg13[%mul3A_0, %dma_wait3A] : memref<10240x64xf32, #tpu.memory_space<vmem_shared>> -> memref<640x64xf32, #tpu.memory_space<vmem_shared>>
      tpu.wait_dma2 semaphore(%run_scoped3A : memref<!tpu.dma_semaphore, #tpu.memory_space<semaphore_mem>>) src(%arg5 : memref<640x64xf32, #tpu.memory_space<hbm>>) dst(%dma_wait3A_42 : memref<640x64xf32, #tpu.memory_space<vmem_shared>>)
      tpu.yield
    }) : () -> ()
    %barrier3A = arith.constant 0 : index
    tpu.barrier barrier_id(%barrier3A)
    %add3A_5 = arith.constant 0 : i32
    %add3A_6 = arith.addi %mul3A_4, %add3A_5 : i32
    "tpu.region"() ({
      %run_scoped3A = tpu.sem_alloc : memref<!tpu.dma_semaphore, #tpu.memory_space<semaphore_mem>>
      %dma_start3A_40 = arith.constant 0 : i32
      %dma_start3A_41 = tpu.memref_slice %arg3[%add3A_6, %dma_start3A_40] : memref<2560x128xi32, #tpu.memory_space<hbm>> -> memref<80x128xi32, #tpu.memory_space<hbm>>
      %dma_start3A_42 = arith.constant 0 : i32
      %dma_start3A_43 = tpu.memref_slice %arg3[%add3A_6, %dma_start3A_42] : memref<2560x128xi32, #tpu.memory_space<hbm>> -> memref<80x128xi32, #tpu.memory_space<hbm>>
      tpu.enqueue_dma source(%dma_start3A_43 : memref<80x128xi32, #tpu.memory_space<hbm>>) target(%arg7 : memref<80x128xi32, #tpu.memory_space<vmem>>) target_semaphore(%run_scoped3A : memref<!tpu.dma_semaphore, #tpu.memory_space<semaphore_mem>>)
      %dma_wait3A = arith.constant 0 : i32
      %dma_wait3A_44 = tpu.memref_slice %arg3[%add3A_6, %dma_wait3A] : memref<2560x128xi32, #tpu.memory_space<hbm>> -> memref<80x128xi32, #tpu.memory_space<hbm>>
      %dma_wait3A_45 = arith.constant 0 : i32
      %dma_wait3A_46 = tpu.memref_slice %arg3[%add3A_6, %dma_wait3A_45] : memref<2560x128xi32, #tpu.memory_space<hbm>> -> memref<80x128xi32, #tpu.memory_space<hbm>>
      tpu.wait_dma2 semaphore(%run_scoped3A : memref<!tpu.dma_semaphore, #tpu.memory_space<semaphore_mem>>) src(%dma_wait3A_46 : memref<80x128xi32, #tpu.memory_space<hbm>>) dst(%arg7 : memref<80x128xi32, #tpu.memory_space<vmem>>)
      tpu.yield
    }) : () -> ()
    "tpu.region"() ({
      %run_scoped3A = tpu.sem_alloc : memref<!tpu.dma_semaphore, #tpu.memory_space<semaphore_mem>>
      %dma_start3A_40 = arith.constant 0 : i32
      %dma_start3A_41 = tpu.memref_slice %arg4[%add3A_6, %dma_start3A_40] : memref<2560x128xi32, #tpu.memory_space<hbm>> -> memref<80x128xi32, #tpu.memory_space<hbm>>
      %dma_start3A_42 = arith.constant 0 : i32
      %dma_start3A_43 = tpu.memref_slice %arg4[%add3A_6, %dma_start3A_42] : memref<2560x128xi32, #tpu.memory_space<hbm>> -> memref<80x128xi32, #tpu.memory_space<hbm>>
      tpu.enqueue_dma source(%dma_start3A_43 : memref<80x128xi32, #tpu.memory_space<hbm>>) target(%arg8 : memref<80x128xi32, #tpu.memory_space<vmem>>) target_semaphore(%run_scoped3A : memref<!tpu.dma_semaphore, #tpu.memory_space<semaphore_mem>>)
      %dma_wait3A = arith.constant 0 : i32
      %dma_wait3A_44 = tpu.memref_slice %arg4[%add3A_6, %dma_wait3A] : memref<2560x128xi32, #tpu.memory_space<hbm>> -> memref<80x128xi32, #tpu.memory_space<hbm>>
      %dma_wait3A_45 = arith.constant 0 : i32
      %dma_wait3A_46 = tpu.memref_slice %arg4[%add3A_6, %dma_wait3A_45] : memref<2560x128xi32, #tpu.memory_space<hbm>> -> memref<80x128xi32, #tpu.memory_space<hbm>>
      tpu.wait_dma2 semaphore(%run_scoped3A : memref<!tpu.dma_semaphore, #tpu.memory_space<semaphore_mem>>) src(%dma_wait3A_46 : memref<80x128xi32, #tpu.memory_space<hbm>>) dst(%arg8 : memref<80x128xi32, #tpu.memory_space<vmem>>)
      tpu.yield
    }) : () -> ()
    %dma_start3A = arith.constant 0 : i32
    %dma_start3A_7 = arith.constant 0 : i32
    %dma_start3A_8 = tpu.memref_slice %arg7[%dma_start3A, %dma_start3A_7] : memref<80x128xi32, #tpu.memory_space<vmem>> -> memref<1x128xi32, #tpu.memory_space<vmem>>
    %dma_start3A_9 = tpu.memref_squeeze %dma_start3A_8 : memref<1x128xi32, #tpu.memory_space<vmem>> -> memref<128xi32, #tpu.memory_space<vmem>>
    %dma_start3A_10 = arith.constant 0 : i32
    %dma_start3A_11 = arith.constant 0 : i32
    %dma_start3A_12 = tpu.memref_slice %arg2[%dma_start3A_10, %dma_start3A_11] : memref<10240x64xf32, #tpu.memory_space<hbm>> -> memref<10240x64xf32, #tpu.memory_space<hbm>>
    tpu.enqueue_indirect_dma source(%dma_start3A_12 : memref<10240x64xf32, #tpu.memory_space<hbm>>) target(%arg9 : memref<128x64xf32, #tpu.memory_space<vmem>>) offsets(%dma_start3A_9 : memref<128xi32, #tpu.memory_space<vmem>>) semaphore(%arg14 : memref<!tpu.dma_semaphore, #tpu.memory_space<semaphore_mem>>)
    %dma_start3A_13 = arith.constant 1 : i32
    %dma_start3A_14 = arith.constant 0 : i32
    %dma_start3A_15 = tpu.memref_slice %arg7[%dma_start3A_13, %dma_start3A_14] : memref<80x128xi32, #tpu.memory_space<vmem>> -> memref<1x128xi32, #tpu.memory_space<vmem>>
    %dma_start3A_16 = tpu.memref_squeeze %dma_start3A_15 : memref<1x128xi32, #tpu.memory_space<vmem>> -> memref<128xi32, #tpu.memory_space<vmem>>
    %dma_start3A_17 = arith.constant 0 : i32
    %dma_start3A_18 = arith.constant 0 : i32
    %dma_start3A_19 = tpu.memref_slice %arg2[%dma_start3A_17, %dma_start3A_18] : memref<10240x64xf32, #tpu.memory_space<hbm>> -> memref<10240x64xf32, #tpu.memory_space<hbm>>
    tpu.enqueue_indirect_dma source(%dma_start3A_19 : memref<10240x64xf32, #tpu.memory_space<hbm>>) target(%arg10 : memref<128x64xf32, #tpu.memory_space<vmem>>) offsets(%dma_start3A_16 : memref<128xi32, #tpu.memory_space<vmem>>) semaphore(%arg15 : memref<!tpu.dma_semaphore, #tpu.memory_space<semaphore_mem>>)
    %dma_start3A_20 = arith.constant 2 : i32
    %dma_start3A_21 = arith.constant 0 : i32
    %dma_start3A_22 = tpu.memref_slice %arg7[%dma_start3A_20, %dma_start3A_21] : memref<80x128xi32, #tpu.memory_space<vmem>> -> memref<1x128xi32, #tpu.memory_space<vmem>>
    %dma_start3A_23 = tpu.memref_squeeze %dma_start3A_22 : memref<1x128xi32, #tpu.memory_space<vmem>> -> memref<128xi32, #tpu.memory_space<vmem>>
    %dma_start3A_24 = arith.constant 0 : i32
    %dma_start3A_25 = arith.constant 0 : i32
    %dma_start3A_26 = tpu.memref_slice %arg2[%dma_start3A_24, %dma_start3A_25] : memref<10240x64xf32, #tpu.memory_space<hbm>> -> memref<10240x64xf32, #tpu.memory_space<hbm>>
    tpu.enqueue_indirect_dma source(%dma_start3A_26 : memref<10240x64xf32, #tpu.memory_space<hbm>>) target(%arg11 : memref<128x64xf32, #tpu.memory_space<vmem>>) offsets(%dma_start3A_23 : memref<128xi32, #tpu.memory_space<vmem>>) semaphore(%arg16 : memref<!tpu.dma_semaphore, #tpu.memory_space<semaphore_mem>>)
    %dma_start3A_27 = arith.constant 3 : i32
    %dma_start3A_28 = arith.constant 0 : i32
    %dma_start3A_29 = tpu.memref_slice %arg7[%dma_start3A_27, %dma_start3A_28] : memref<80x128xi32, #tpu.memory_space<vmem>> -> memref<1x128xi32, #tpu.memory_space<vmem>>
    %dma_start3A_30 = tpu.memref_squeeze %dma_start3A_29 : memref<1x128xi32, #tpu.memory_space<vmem>> -> memref<128xi32, #tpu.memory_space<vmem>>
    %dma_start3A_31 = arith.constant 0 : i32
    %dma_start3A_32 = arith.constant 0 : i32
    %dma_start3A_33 = tpu.memref_slice %arg2[%dma_start3A_31, %dma_start3A_32] : memref<10240x64xf32, #tpu.memory_space<hbm>> -> memref<10240x64xf32, #tpu.memory_space<hbm>>
    tpu.enqueue_indirect_dma source(%dma_start3A_33 : memref<10240x64xf32, #tpu.memory_space<hbm>>) target(%arg12 : memref<128x64xf32, #tpu.memory_space<vmem>>) offsets(%dma_start3A_30 : memref<128xi32, #tpu.memory_space<vmem>>) semaphore(%arg17 : memref<!tpu.dma_semaphore, #tpu.memory_space<semaphore_mem>>)
    %scan3A = arith.constant 0 : i32
    %scan3A_34 = arith.constant 0 : i32
    %scan3A_35 = arith.constant 20 : i32
    %scan3A_36 = arith.addi %scan3A_34, %scan3A_35 : i32
    %scan3A_37 = arith.constant 1 : i32
    scf.for %scan3A_40 = %scan3A_34 to %scan3A_36 step %scan3A_37  : i32 {
      %mul3A_41 = arith.constant 4 : i32
      %mul3A_42 = arith.muli %mul3A_41, %scan3A_40 : i32
      %add3A_43 = arith.constant 0 : i32
      %add3A_44 = arith.addi %mul3A_42, %add3A_43 : i32
      %dma_wait3A = arith.constant 0 : i32
      %dma_wait3A_45 = tpu.memref_slice %arg7[%add3A_44, %dma_wait3A] : memref<80x128xi32, #tpu.memory_space<vmem>> -> memref<1x128xi32, #tpu.memory_space<vmem>>
      %dma_wait3A_46 = tpu.memref_squeeze %dma_wait3A_45 : memref<1x128xi32, #tpu.memory_space<vmem>> -> memref<128xi32, #tpu.memory_space<vmem>>
      %dma_wait3A_47 = arith.constant 0 : i32
      %dma_wait3A_48 = arith.constant 0 : i32
      %dma_wait3A_49 = tpu.memref_slice %arg2[%dma_wait3A_47, %dma_wait3A_48] : memref<10240x64xf32, #tpu.memory_space<hbm>> -> memref<10240x64xf32, #tpu.memory_space<hbm>>
      tpu.wait_indirect_dma semaphore(%arg14 : memref<!tpu.dma_semaphore, #tpu.memory_space<semaphore_mem>>) src(%dma_wait3A_49 : memref<10240x64xf32, #tpu.memory_space<hbm>>) dst(%arg9 : memref<128x64xf32, #tpu.memory_space<vmem>>)
      "tpu.region"() ({
        %run_scoped3A = tpu.sem_alloc : memref<!tpu.dma_semaphore, #tpu.memory_space<semaphore_mem>>
        %dma_start3A_105 = arith.constant 0 : i32
        %dma_start3A_106 = tpu.memref_slice %arg8[%add3A_44, %dma_start3A_105] : memref<80x128xi32, #tpu.memory_space<vmem>> -> memref<1x128xi32, #tpu.memory_space<vmem>>
        %dma_start3A_107 = tpu.memref_squeeze %dma_start3A_106 : memref<1x128xi32, #tpu.memory_space<vmem>> -> memref<128xi32, #tpu.memory_space<vmem>>
        %dma_start3A_108 = arith.constant 0 : i32
        %dma_start3A_109 = arith.constant 0 : i32
        %dma_start3A_110 = tpu.memref_slice %arg13[%dma_start3A_108, %dma_start3A_109] : memref<10240x64xf32, #tpu.memory_space<vmem_shared>> -> memref<10240x64xf32, #tpu.memory_space<vmem_shared>>
        tpu.enqueue_indirect_dma source(%arg9 : memref<128x64xf32, #tpu.memory_space<vmem>>) target(%dma_start3A_110 : memref<10240x64xf32, #tpu.memory_space<vmem_shared>>) offsets(%dma_start3A_107 : memref<128xi32, #tpu.memory_space<vmem>>) semaphore(%run_scoped3A : memref<!tpu.dma_semaphore, #tpu.memory_space<semaphore_mem>>) {add = true}
        %dma_wait3A_111 = arith.constant 0 : i32
        %dma_wait3A_112 = tpu.memref_slice %arg8[%add3A_44, %dma_wait3A_111] : memref<80x128xi32, #tpu.memory_space<vmem>> -> memref<1x128xi32, #tpu.memory_space<vmem>>
        %dma_wait3A_113 = tpu.memref_squeeze %dma_wait3A_112 : memref<1x128xi32, #tpu.memory_space<vmem>> -> memref<128xi32, #tpu.memory_space<vmem>>
        %dma_wait3A_114 = arith.constant 0 : i32
        %dma_wait3A_115 = arith.constant 0 : i32
        %dma_wait3A_116 = tpu.memref_slice %arg13[%dma_wait3A_114, %dma_wait3A_115] : memref<10240x64xf32, #tpu.memory_space<vmem_shared>> -> memref<10240x64xf32, #tpu.memory_space<vmem_shared>>
        tpu.wait_indirect_dma semaphore(%run_scoped3A : memref<!tpu.dma_semaphore, #tpu.memory_space<semaphore_mem>>) src(%arg9 : memref<128x64xf32, #tpu.memory_space<vmem>>) dst(%dma_wait3A_116 : memref<10240x64xf32, #tpu.memory_space<vmem_shared>>)
        tpu.yield
      }) : () -> ()
      %add3A_50 = arith.constant 4 : i32
      %add3A_51 = arith.addi %add3A_44, %add3A_50 : i32
      %lt3A = arith.constant 80 : i32
      %lt3A_52 = arith.cmpi slt, %add3A_51, %lt3A : i32
      %convert_element_type3A = arith.extui %lt3A_52 : i1 to i32
      %cond3A = arith.constant 0 : i32
      %cond3A_53 = arith.cmpi ne, %convert_element_type3A, %cond3A : i32
      scf.if %cond3A_53 {
        %add3A_105 = arith.constant 4 : i32
        %add3A_106 = arith.addi %add3A_44, %add3A_105 : i32
        %dma_start3A_107 = arith.constant 0 : i32
        %dma_start3A_108 = tpu.memref_slice %arg7[%add3A_106, %dma_start3A_107] : memref<80x128xi32, #tpu.memory_space<vmem>> -> memref<1x128xi32, #tpu.memory_space<vmem>>
        %dma_start3A_109 = tpu.memref_squeeze %dma_start3A_108 : memref<1x128xi32, #tpu.memory_space<vmem>> -> memref<128xi32, #tpu.memory_space<vmem>>
        %dma_start3A_110 = arith.constant 0 : i32
        %dma_start3A_111 = arith.constant 0 : i32
        %dma_start3A_112 = tpu.memref_slice %arg2[%dma_start3A_110, %dma_start3A_111] : memref<10240x64xf32, #tpu.memory_space<hbm>> -> memref<10240x64xf32, #tpu.memory_space<hbm>>
        tpu.enqueue_indirect_dma source(%dma_start3A_112 : memref<10240x64xf32, #tpu.memory_space<hbm>>) target(%arg9 : memref<128x64xf32, #tpu.memory_space<vmem>>) offsets(%dma_start3A_109 : memref<128xi32, #tpu.memory_space<vmem>>) semaphore(%arg14 : memref<!tpu.dma_semaphore, #tpu.memory_space<semaphore_mem>>)
      } else {
      }
      %mul3A_54 = arith.constant 4 : i32
      %mul3A_55 = arith.muli %mul3A_54, %scan3A_40 : i32
      %add3A_56 = arith.constant 1 : i32
      %add3A_57 = arith.addi %mul3A_55, %add3A_56 : i32
      %dma_wait3A_58 = arith.constant 0 : i32
      %dma_wait3A_59 = tpu.memref_slice %arg7[%add3A_57, %dma_wait3A_58] : memref<80x128xi32, #tpu.memory_space<vmem>> -> memref<1x128xi32, #tpu.memory_space<vmem>>
      %dma_wait3A_60 = tpu.memref_squeeze %dma_wait3A_59 : memref<1x128xi32, #tpu.memory_space<vmem>> -> memref<128xi32, #tpu.memory_space<vmem>>
      %dma_wait3A_61 = arith.constant 0 : i32
      %dma_wait3A_62 = arith.constant 0 : i32
      %dma_wait3A_63 = tpu.memref_slice %arg2[%dma_wait3A_61, %dma_wait3A_62] : memref<10240x64xf32, #tpu.memory_space<hbm>> -> memref<10240x64xf32, #tpu.memory_space<hbm>>
      tpu.wait_indirect_dma semaphore(%arg15 : memref<!tpu.dma_semaphore, #tpu.memory_space<semaphore_mem>>) src(%dma_wait3A_63 : memref<10240x64xf32, #tpu.memory_space<hbm>>) dst(%arg10 : memref<128x64xf32, #tpu.memory_space<vmem>>)
      "tpu.region"() ({
        %run_scoped3A = tpu.sem_alloc : memref<!tpu.dma_semaphore, #tpu.memory_space<semaphore_mem>>
        %dma_start3A_105 = arith.constant 0 : i32
        %dma_start3A_106 = tpu.memref_slice %arg8[%add3A_57, %dma_start3A_105] : memref<80x128xi32, #tpu.memory_space<vmem>> -> memref<1x128xi32, #tpu.memory_space<vmem>>
        %dma_start3A_107 = tpu.memref_squeeze %dma_start3A_106 : memref<1x128xi32, #tpu.memory_space<vmem>> -> memref<128xi32, #tpu.memory_space<vmem>>
        %dma_start3A_108 = arith.constant 0 : i32
        %dma_start3A_109 = arith.constant 0 : i32
        %dma_start3A_110 = tpu.memref_slice %arg13[%dma_start3A_108, %dma_start3A_109] : memref<10240x64xf32, #tpu.memory_space<vmem_shared>> -> memref<10240x64xf32, #tpu.memory_space<vmem_shared>>
        tpu.enqueue_indirect_dma source(%arg10 : memref<128x64xf32, #tpu.memory_space<vmem>>) target(%dma_start3A_110 : memref<10240x64xf32, #tpu.memory_space<vmem_shared>>) offsets(%dma_start3A_107 : memref<128xi32, #tpu.memory_space<vmem>>) semaphore(%run_scoped3A : memref<!tpu.dma_semaphore, #tpu.memory_space<semaphore_mem>>) {add = true}
        %dma_wait3A_111 = arith.constant 0 : i32
        %dma_wait3A_112 = tpu.memref_slice %arg8[%add3A_57, %dma_wait3A_111] : memref<80x128xi32, #tpu.memory_space<vmem>> -> memref<1x128xi32, #tpu.memory_space<vmem>>
        %dma_wait3A_113 = tpu.memref_squeeze %dma_wait3A_112 : memref<1x128xi32, #tpu.memory_space<vmem>> -> memref<128xi32, #tpu.memory_space<vmem>>
        %dma_wait3A_114 = arith.constant 0 : i32
        %dma_wait3A_115 = arith.constant 0 : i32
        %dma_wait3A_116 = tpu.memref_slice %arg13[%dma_wait3A_114, %dma_wait3A_115] : memref<10240x64xf32, #tpu.memory_space<vmem_shared>> -> memref<10240x64xf32, #tpu.memory_space<vmem_shared>>
        tpu.wait_indirect_dma semaphore(%run_scoped3A : memref<!tpu.dma_semaphore, #tpu.memory_space<semaphore_mem>>) src(%arg10 : memref<128x64xf32, #tpu.memory_space<vmem>>) dst(%dma_wait3A_116 : memref<10240x64xf32, #tpu.memory_space<vmem_shared>>)
        tpu.yield
      }) : () -> ()
      %add3A_64 = arith.constant 4 : i32
      %add3A_65 = arith.addi %add3A_57, %add3A_64 : i32
      %lt3A_66 = arith.constant 80 : i32
      %lt3A_67 = arith.cmpi slt, %add3A_65, %lt3A_66 : i32
      %convert_element_type3A_68 = arith.extui %lt3A_67 : i1 to i32
      %cond3A_69 = arith.constant 0 : i32
      %cond3A_70 = arith.cmpi ne, %convert_element_type3A_68, %cond3A_69 : i32
      scf.if %cond3A_70 {
        %add3A_105 = arith.constant 4 : i32
        %add3A_106 = arith.addi %add3A_57, %add3A_105 : i32
        %dma_start3A_107 = arith.constant 0 : i32
        %dma_start3A_108 = tpu.memref_slice %arg7[%add3A_106, %dma_start3A_107] : memref<80x128xi32, #tpu.memory_space<vmem>> -> memref<1x128xi32, #tpu.memory_space<vmem>>
        %dma_start3A_109 = tpu.memref_squeeze %dma_start3A_108 : memref<1x128xi32, #tpu.memory_space<vmem>> -> memref<128xi32, #tpu.memory_space<vmem>>
        %dma_start3A_110 = arith.constant 0 : i32
        %dma_start3A_111 = arith.constant 0 : i32
        %dma_start3A_112 = tpu.memref_slice %arg2[%dma_start3A_110, %dma_start3A_111] : memref<10240x64xf32, #tpu.memory_space<hbm>> -> memref<10240x64xf32, #tpu.memory_space<hbm>>
        tpu.enqueue_indirect_dma source(%dma_start3A_112 : memref<10240x64xf32, #tpu.memory_space<hbm>>) target(%arg10 : memref<128x64xf32, #tpu.memory_space<vmem>>) offsets(%dma_start3A_109 : memref<128xi32, #tpu.memory_space<vmem>>) semaphore(%arg15 : memref<!tpu.dma_semaphore, #tpu.memory_space<semaphore_mem>>)
      } else {
      }
      %mul3A_71 = arith.constant 4 : i32
      %mul3A_72 = arith.muli %mul3A_71, %scan3A_40 : i32
      %add3A_73 = arith.constant 2 : i32
      %add3A_74 = arith.addi %mul3A_72, %add3A_73 : i32
      %dma_wait3A_75 = arith.constant 0 : i32
      %dma_wait3A_76 = tpu.memref_slice %arg7[%add3A_74, %dma_wait3A_75] : memref<80x128xi32, #tpu.memory_space<vmem>> -> memref<1x128xi32, #tpu.memory_space<vmem>>
      %dma_wait3A_77 = tpu.memref_squeeze %dma_wait3A_76 : memref<1x128xi32, #tpu.memory_space<vmem>> -> memref<128xi32, #tpu.memory_space<vmem>>
      %dma_wait3A_78 = arith.constant 0 : i32
      %dma_wait3A_79 = arith.constant 0 : i32
      %dma_wait3A_80 = tpu.memref_slice %arg2[%dma_wait3A_78, %dma_wait3A_79] : memref<10240x64xf32, #tpu.memory_space<hbm>> -> memref<10240x64xf32, #tpu.memory_space<hbm>>
      tpu.wait_indirect_dma semaphore(%arg16 : memref<!tpu.dma_semaphore, #tpu.memory_space<semaphore_mem>>) src(%dma_wait3A_80 : memref<10240x64xf32, #tpu.memory_space<hbm>>) dst(%arg11 : memref<128x64xf32, #tpu.memory_space<vmem>>)
      "tpu.region"() ({
        %run_scoped3A = tpu.sem_alloc : memref<!tpu.dma_semaphore, #tpu.memory_space<semaphore_mem>>
        %dma_start3A_105 = arith.constant 0 : i32
        %dma_start3A_106 = tpu.memref_slice %arg8[%add3A_74, %dma_start3A_105] : memref<80x128xi32, #tpu.memory_space<vmem>> -> memref<1x128xi32, #tpu.memory_space<vmem>>
        %dma_start3A_107 = tpu.memref_squeeze %dma_start3A_106 : memref<1x128xi32, #tpu.memory_space<vmem>> -> memref<128xi32, #tpu.memory_space<vmem>>
        %dma_start3A_108 = arith.constant 0 : i32
        %dma_start3A_109 = arith.constant 0 : i32
        %dma_start3A_110 = tpu.memref_slice %arg13[%dma_start3A_108, %dma_start3A_109] : memref<10240x64xf32, #tpu.memory_space<vmem_shared>> -> memref<10240x64xf32, #tpu.memory_space<vmem_shared>>
        tpu.enqueue_indirect_dma source(%arg11 : memref<128x64xf32, #tpu.memory_space<vmem>>) target(%dma_start3A_110 : memref<10240x64xf32, #tpu.memory_space<vmem_shared>>) offsets(%dma_start3A_107 : memref<128xi32, #tpu.memory_space<vmem>>) semaphore(%run_scoped3A : memref<!tpu.dma_semaphore, #tpu.memory_space<semaphore_mem>>) {add = true}
        %dma_wait3A_111 = arith.constant 0 : i32
        %dma_wait3A_112 = tpu.memref_slice %arg8[%add3A_74, %dma_wait3A_111] : memref<80x128xi32, #tpu.memory_space<vmem>> -> memref<1x128xi32, #tpu.memory_space<vmem>>
        %dma_wait3A_113 = tpu.memref_squeeze %dma_wait3A_112 : memref<1x128xi32, #tpu.memory_space<vmem>> -> memref<128xi32, #tpu.memory_space<vmem>>
        %dma_wait3A_114 = arith.constant 0 : i32
        %dma_wait3A_115 = arith.constant 0 : i32
        %dma_wait3A_116 = tpu.memref_slice %arg13[%dma_wait3A_114, %dma_wait3A_115] : memref<10240x64xf32, #tpu.memory_space<vmem_shared>> -> memref<10240x64xf32, #tpu.memory_space<vmem_shared>>
        tpu.wait_indirect_dma semaphore(%run_scoped3A : memref<!tpu.dma_semaphore, #tpu.memory_space<semaphore_mem>>) src(%arg11 : memref<128x64xf32, #tpu.memory_space<vmem>>) dst(%dma_wait3A_116 : memref<10240x64xf32, #tpu.memory_space<vmem_shared>>)
        tpu.yield
      }) : () -> ()
      %add3A_81 = arith.constant 4 : i32
      %add3A_82 = arith.addi %add3A_74, %add3A_81 : i32
      %lt3A_83 = arith.constant 80 : i32
      %lt3A_84 = arith.cmpi slt, %add3A_82, %lt3A_83 : i32
      %convert_element_type3A_85 = arith.extui %lt3A_84 : i1 to i32
      %cond3A_86 = arith.constant 0 : i32
      %cond3A_87 = arith.cmpi ne, %convert_element_type3A_85, %cond3A_86 : i32
      scf.if %cond3A_87 {
        %add3A_105 = arith.constant 4 : i32
        %add3A_106 = arith.addi %add3A_74, %add3A_105 : i32
        %dma_start3A_107 = arith.constant 0 : i32
        %dma_start3A_108 = tpu.memref_slice %arg7[%add3A_106, %dma_start3A_107] : memref<80x128xi32, #tpu.memory_space<vmem>> -> memref<1x128xi32, #tpu.memory_space<vmem>>
        %dma_start3A_109 = tpu.memref_squeeze %dma_start3A_108 : memref<1x128xi32, #tpu.memory_space<vmem>> -> memref<128xi32, #tpu.memory_space<vmem>>
        %dma_start3A_110 = arith.constant 0 : i32
        %dma_start3A_111 = arith.constant 0 : i32
        %dma_start3A_112 = tpu.memref_slice %arg2[%dma_start3A_110, %dma_start3A_111] : memref<10240x64xf32, #tpu.memory_space<hbm>> -> memref<10240x64xf32, #tpu.memory_space<hbm>>
        tpu.enqueue_indirect_dma source(%dma_start3A_112 : memref<10240x64xf32, #tpu.memory_space<hbm>>) target(%arg11 : memref<128x64xf32, #tpu.memory_space<vmem>>) offsets(%dma_start3A_109 : memref<128xi32, #tpu.memory_space<vmem>>) semaphore(%arg16 : memref<!tpu.dma_semaphore, #tpu.memory_space<semaphore_mem>>)
      } else {
      }
      %mul3A_88 = arith.constant 4 : i32
      %mul3A_89 = arith.muli %mul3A_88, %scan3A_40 : i32
      %add3A_90 = arith.constant 3 : i32
      %add3A_91 = arith.addi %mul3A_89, %add3A_90 : i32
      %dma_wait3A_92 = arith.constant 0 : i32
      %dma_wait3A_93 = tpu.memref_slice %arg7[%add3A_91, %dma_wait3A_92] : memref<80x128xi32, #tpu.memory_space<vmem>> -> memref<1x128xi32, #tpu.memory_space<vmem>>
      %dma_wait3A_94 = tpu.memref_squeeze %dma_wait3A_93 : memref<1x128xi32, #tpu.memory_space<vmem>> -> memref<128xi32, #tpu.memory_space<vmem>>
      %dma_wait3A_95 = arith.constant 0 : i32
      %dma_wait3A_96 = arith.constant 0 : i32
      %dma_wait3A_97 = tpu.memref_slice %arg2[%dma_wait3A_95, %dma_wait3A_96] : memref<10240x64xf32, #tpu.memory_space<hbm>> -> memref<10240x64xf32, #tpu.memory_space<hbm>>
      tpu.wait_indirect_dma semaphore(%arg17 : memref<!tpu.dma_semaphore, #tpu.memory_space<semaphore_mem>>) src(%dma_wait3A_97 : memref<10240x64xf32, #tpu.memory_space<hbm>>) dst(%arg12 : memref<128x64xf32, #tpu.memory_space<vmem>>)
      "tpu.region"() ({
        %run_scoped3A = tpu.sem_alloc : memref<!tpu.dma_semaphore, #tpu.memory_space<semaphore_mem>>
        %dma_start3A_105 = arith.constant 0 : i32
        %dma_start3A_106 = tpu.memref_slice %arg8[%add3A_91, %dma_start3A_105] : memref<80x128xi32, #tpu.memory_space<vmem>> -> memref<1x128xi32, #tpu.memory_space<vmem>>
        %dma_start3A_107 = tpu.memref_squeeze %dma_start3A_106 : memref<1x128xi32, #tpu.memory_space<vmem>> -> memref<128xi32, #tpu.memory_space<vmem>>
        %dma_start3A_108 = arith.constant 0 : i32
        %dma_start3A_109 = arith.constant 0 : i32
        %dma_start3A_110 = tpu.memref_slice %arg13[%dma_start3A_108, %dma_start3A_109] : memref<10240x64xf32, #tpu.memory_space<vmem_shared>> -> memref<10240x64xf32, #tpu.memory_space<vmem_shared>>
        tpu.enqueue_indirect_dma source(%arg12 : memref<128x64xf32, #tpu.memory_space<vmem>>) target(%dma_start3A_110 : memref<10240x64xf32, #tpu.memory_space<vmem_shared>>) offsets(%dma_start3A_107 : memref<128xi32, #tpu.memory_space<vmem>>) semaphore(%run_scoped3A : memref<!tpu.dma_semaphore, #tpu.memory_space<semaphore_mem>>) {add = true}
        %dma_wait3A_111 = arith.constant 0 : i32
        %dma_wait3A_112 = tpu.memref_slice %arg8[%add3A_91, %dma_wait3A_111] : memref<80x128xi32, #tpu.memory_space<vmem>> -> memref<1x128xi32, #tpu.memory_space<vmem>>
        %dma_wait3A_113 = tpu.memref_squeeze %dma_wait3A_112 : memref<1x128xi32, #tpu.memory_space<vmem>> -> memref<128xi32, #tpu.memory_space<vmem>>
        %dma_wait3A_114 = arith.constant 0 : i32
        %dma_wait3A_115 = arith.constant 0 : i32
        %dma_wait3A_116 = tpu.memref_slice %arg13[%dma_wait3A_114, %dma_wait3A_115] : memref<10240x64xf32, #tpu.memory_space<vmem_shared>> -> memref<10240x64xf32, #tpu.memory_space<vmem_shared>>
        tpu.wait_indirect_dma semaphore(%run_scoped3A : memref<!tpu.dma_semaphore, #tpu.memory_space<semaphore_mem>>) src(%arg12 : memref<128x64xf32, #tpu.memory_space<vmem>>) dst(%dma_wait3A_116 : memref<10240x64xf32, #tpu.memory_space<vmem_shared>>)
        tpu.yield
      }) : () -> ()
      %add3A_98 = arith.constant 4 : i32
      %add3A_99 = arith.addi %add3A_91, %add3A_98 : i32
      %lt3A_100 = arith.constant 80 : i32
      %lt3A_101 = arith.cmpi slt, %add3A_99, %lt3A_100 : i32
      %convert_element_type3A_102 = arith.extui %lt3A_101 : i1 to i32
      %cond3A_103 = arith.constant 0 : i32
      %cond3A_104 = arith.cmpi ne, %convert_element_type3A_102, %cond3A_103 : i32
      scf.if %cond3A_104 {
        %add3A_105 = arith.constant 4 : i32
        %add3A_106 = arith.addi %add3A_91, %add3A_105 : i32
        %dma_start3A_107 = arith.constant 0 : i32
        %dma_start3A_108 = tpu.memref_slice %arg7[%add3A_106, %dma_start3A_107] : memref<80x128xi32, #tpu.memory_space<vmem>> -> memref<1x128xi32, #tpu.memory_space<vmem>>
        %dma_start3A_109 = tpu.memref_squeeze %dma_start3A_108 : memref<1x128xi32, #tpu.memory_space<vmem>> -> memref<128xi32, #tpu.memory_space<vmem>>
        %dma_start3A_110 = arith.constant 0 : i32
        %dma_start3A_111 = arith.constant 0 : i32
        %dma_start3A_112 = tpu.memref_slice %arg2[%dma_start3A_110, %dma_start3A_111] : memref<10240x64xf32, #tpu.memory_space<hbm>> -> memref<10240x64xf32, #tpu.memory_space<hbm>>
        tpu.enqueue_indirect_dma source(%dma_start3A_112 : memref<10240x64xf32, #tpu.memory_space<hbm>>) target(%arg12 : memref<128x64xf32, #tpu.memory_space<vmem>>) offsets(%dma_start3A_109 : memref<128xi32, #tpu.memory_space<vmem>>) semaphore(%arg17 : memref<!tpu.dma_semaphore, #tpu.memory_space<semaphore_mem>>)
      } else {
      }
    }
    %scan3A_38 = arith.constant 20 : i32
    %barrier3A_39 = arith.constant 0 : index
    tpu.barrier barrier_id(%barrier3A_39)
    "tpu.region"() ({
      %run_scoped3A = tpu.sem_alloc : memref<!tpu.dma_semaphore, #tpu.memory_space<semaphore_mem>>
      %dma_start3A_40 = arith.constant 0 : i32
      %dma_start3A_41 = tpu.memref_slice %arg6[%arg0, %mul3A_0, %dma_start3A_40] : memref<2x10240x64xf32, #tpu.memory_space<hbm>> -> memref<1x640x64xf32, #tpu.memory_space<hbm>>
      %dma_start3A_42 = tpu.memref_squeeze %dma_start3A_41 : memref<1x640x64xf32, #tpu.memory_space<hbm>> -> memref<640x64xf32, #tpu.memory_space<hbm>>
      %dma_start3A_43 = arith.constant 0 : i32
      %dma_start3A_44 = tpu.memref_slice %arg13[%mul3A_0, %dma_start3A_43] : memref<10240x64xf32, #tpu.memory_space<vmem_shared>> -> memref<640x64xf32, #tpu.memory_space<vmem_shared>>
      tpu.enqueue_dma source(%dma_start3A_44 : memref<640x64xf32, #tpu.memory_space<vmem_shared>>) target(%dma_start3A_42 : memref<640x64xf32, #tpu.memory_space<hbm>>) target_semaphore(%run_scoped3A : memref<!tpu.dma_semaphore, #tpu.memory_space<semaphore_mem>>)
      %dma_wait3A = arith.constant 0 : i32
      %dma_wait3A_45 = tpu.memref_slice %arg6[%arg0, %mul3A_0, %dma_wait3A] : memref<2x10240x64xf32, #tpu.memory_space<hbm>> -> memref<1x640x64xf32, #tpu.memory_space<hbm>>
      %dma_wait3A_46 = tpu.memref_squeeze %dma_wait3A_45 : memref<1x640x64xf32, #tpu.memory_space<hbm>> -> memref<640x64xf32, #tpu.memory_space<hbm>>
      %dma_wait3A_47 = arith.constant 0 : i32
      %dma_wait3A_48 = tpu.memref_slice %arg13[%mul3A_0, %dma_wait3A_47] : memref<10240x64xf32, #tpu.memory_space<vmem_shared>> -> memref<640x64xf32, #tpu.memory_space<vmem_shared>>
      tpu.wait_dma2 semaphore(%run_scoped3A : memref<!tpu.dma_semaphore, #tpu.memory_space<semaphore_mem>>) src(%dma_wait3A_48 : memref<640x64xf32, #tpu.memory_space<vmem_shared>>) dst(%dma_wait3A_46 : memref<640x64xf32, #tpu.memory_space<hbm>>)
      tpu.yield
    }) : () -> ()
    return
  }
}

module attributes {stable_mosaic.version = 14 : i64} {
  func.func @body(%arg0: i32, %arg1: memref<1024x128xf32, #tpu.memory_space<vmem>>, %arg2: memref<128x128xf32, #tpu.memory_space<vmem>>, %arg3: memref<1024x128xf32, #tpu.memory_space<vmem>>) attributes {dimension_semantics = [#tpu.dimension_semantics<arbitrary>], iteration_bounds = array<i64: 10>, scalar_prefetch = 0 : i64, scratch_operands = 0 : i64, tpu.core_type = #tpu.core_type<tc>, window_params = [{transform_indices = @transform_0, window_bounds = array<i64: 1024, 128>}, {pipeline_mode = #tpu.pipeline_mode<synchronous>, transform_indices = @transform_1, window_bounds = array<i64: 128, 128>}, {transform_indices = @transform_2, window_bounds = array<i64: 1024, 128>}]} {
    %get3A = arith.constant 0 : index
    %get3A_0 = arith.constant 0 : index
    %get3A_1 = vector.load %arg1[%get3A, %get3A_0] : memref<1024x128xf32, #tpu.memory_space<vmem>>, vector<1024x128xf32>
    %get3A_2 = arith.constant 0 : index
    %get3A_3 = arith.constant 0 : index
    %get3A_4 = vector.load %arg2[%get3A_2, %get3A_3] : memref<128x128xf32, #tpu.memory_space<vmem>>, vector<128x128xf32>
    %dot_general3A = arith.constant dense<0.000000e+00> : vector<1024x128xf32>
    %dot_general3A_5 = tpu.matmul %get3A_1, %get3A_4, %dot_general3A {dimension_numbers = #tpu.dot_dimension_numbers<[1], [0], [0], [1], [0, 0, 1, 1], [], []>, transpose_lhs_hint = false} : vector<1024x128xf32>, vector<128x128xf32>, vector<1024x128xf32> -> vector<1024x128xf32>
    %swap3A = arith.constant 0 : index
    %swap3A_6 = arith.constant 0 : index
    %swap3A_7 = vector.load %arg3[%swap3A, %swap3A_6] : memref<1024x128xf32, #tpu.memory_space<vmem>>, vector<1024x128xf32>
    tpu.vector_store %arg3[%swap3A, %swap3A_6], %dot_general3A_5 {strides = array<i32>} : memref<1024x128xf32, #tpu.memory_space<vmem>>, vector<1024x128xf32>,
    return
  }
  func.func @transform_0(%arg0: i32) -> (i32, i32) {
    %c0_i32 = arith.constant 0 : i32
    %c0_i32_0 = arith.constant 0 : i32
    return %arg0, %c0_i32 : i32, i32
  }
  func.func @transform_1(%arg0: i32) -> (i32, i32) {
    %c0_i32 = arith.constant 0 : i32
    %c0_i32_0 = arith.constant 0 : i32
    %c0_i32_1 = arith.constant 0 : i32
    return %c0_i32, %c0_i32_0 : i32, i32
  }
  func.func @transform_2(%arg0: i32) -> (i32, i32) {
    %c0_i32 = arith.constant 0 : i32
    %c0_i32_0 = arith.constant 0 : i32
    return %arg0, %c0_i32 : i32, i32
  }
}

module attributes {stable_mosaic.version = 14 : i64} {
  func.func @body(%arg0: i32, %arg1: memref<1024x128xf32, #tpu.memory_space<vmem>>, %arg2: memref<1024x16xf32, #tpu.memory_space<vmem>>, %arg3: memref<1024x16xf32, #tpu.memory_space<vmem>>, %arg4: memref<1024x128xf32, #tpu.memory_space<vmem>>, %arg5: memref<1024x16xf32, #tpu.memory_space<vmem>>) attributes {dimension_semantics = [#tpu.dimension_semantics<arbitrary>], iteration_bounds = array<i64: 10>, scalar_prefetch = 0 : i64, scratch_operands = 0 : i64, tpu.core_type = #tpu.core_type<tc>, window_params = [{transform_indices = @transform_0, window_bounds = array<i64: 1024, 128>}, {transform_indices = @transform_1, window_bounds = array<i64: 1024, 16>}, {transform_indices = @transform_2, window_bounds = array<i64: 1024, 16>}, {transform_indices = @transform_3, window_bounds = array<i64: 1024, 128>}, {transform_indices = @transform_4, window_bounds = array<i64: 1024, 16>}]} {
    %get3A = arith.constant 0 : index
    %get3A_0 = arith.constant 0 : index
    %get3A_1 = vector.load %arg2[%get3A, %get3A_0] : memref<1024x16xf32, #tpu.memory_space<vmem>>, vector<1024x16xf32>
    %get3A_2 = arith.constant 0 : index
    %get3A_3 = arith.constant 0 : index
    %get3A_4 = vector.load %arg3[%get3A_2, %get3A_3] : memref<1024x16xf32, #tpu.memory_space<vmem>>, vector<1024x16xf32>
    %add3A = arith.addf %get3A_1, %get3A_4 : vector<1024x16xf32>
    %add3A_5 = arith.constant 1.000000e+00 : f32
    %add3A_6 = vector.broadcast %add3A_5 : f32 to vector<1024x16xf32>
    %add3A_7 = arith.addf %add3A, %add3A_6 : vector<1024x16xf32>
    %rsqrt3A = math.rsqrt %add3A_7 : vector<1024x16xf32>
    %swap3A = arith.constant 0 : index
    %swap3A_8 = arith.constant 0 : index
    %swap3A_9 = vector.load %arg5[%swap3A, %swap3A_8] : memref<1024x16xf32, #tpu.memory_space<vmem>>, vector<1024x16xf32>
    tpu.vector_store %arg5[%swap3A, %swap3A_8], %rsqrt3A {strides = array<i32>} : memref<1024x16xf32, #tpu.memory_space<vmem>>, vector<1024x16xf32>,
    %get3A_10 = arith.constant 0 : index
    %get3A_11 = arith.constant 0 : index
    %get3A_12 = vector.load %arg1[%get3A_10, %get3A_11] : memref<1024x128xf32, #tpu.memory_space<vmem>>, vector<1024x128xf32>
    %slice3A = vector.extract_strided_slice %rsqrt3A {offsets = [0, 0], sizes = [1024, 1], strides = [1, 1]} : vector<1024x16xf32> to vector<1024x1xf32>
    %mul3A = vector.broadcast %slice3A : vector<1024x1xf32> to vector<1024x128xf32>
    %mul3A_13 = arith.mulf %get3A_12, %mul3A : vector<1024x128xf32>
    %swap3A_14 = arith.constant 0 : index
    %swap3A_15 = arith.constant 0 : index
    %swap3A_16 = vector.load %arg4[%swap3A_14, %swap3A_15] : memref<1024x128xf32, #tpu.memory_space<vmem>>, vector<1024x128xf32>
    tpu.vector_store %arg4[%swap3A_14, %swap3A_15], %mul3A_13 {strides = array<i32>} : memref<1024x128xf32, #tpu.memory_space<vmem>>, vector<1024x128xf32>,
    return
  }
  func.func @transform_0(%arg0: i32) -> (i32, i32) {
    %c0_i32 = arith.constant 0 : i32
    %c0_i32_0 = arith.constant 0 : i32
    return %arg0, %c0_i32 : i32, i32
  }
  func.func @transform_1(%arg0: i32) -> (i32, i32) {
    %c0_i32 = arith.constant 0 : i32
    %c0_i32_0 = arith.constant 0 : i32
    return %arg0, %c0_i32 : i32, i32
  }
  func.func @transform_2(%arg0: i32) -> (i32, i32) {
    %c0_i32 = arith.constant 0 : i32
    %c0_i32_0 = arith.constant 0 : i32
    return %arg0, %c0_i32 : i32, i32
  }
  func.func @transform_3(%arg0: i32) -> (i32, i32) {
    %c0_i32 = arith.constant 0 : i32
    %c0_i32_0 = arith.constant 0 : i32
    return %arg0, %c0_i32 : i32, i32
  }
  func.func @transform_4(%arg0: i32) -> (i32, i32) {
    %c0_i32 = arith.constant 0 : i32
    %c0_i32_0 = arith.constant 0 : i32
    return %arg0, %c0_i32 : i32, i32
  }
}

module attributes {stable_mosaic.version = 14 : i64} {
  func.func @body(%arg0: i32, %arg1: memref<1024x128xf32, #tpu.memory_space<vmem>>, %arg2: memref<1024x128xf32, #tpu.memory_space<vmem>>, %arg3: memref<1024x128xf32, #tpu.memory_space<vmem>>, %arg4: memref<1024x16xf32, #tpu.memory_space<vmem>>, %arg5: memref<1x128xf32, #tpu.memory_space<vmem>>, %arg6: memref<128x128xf32, #tpu.memory_space<vmem>>, %arg7: memref<1024x128xf32, #tpu.memory_space<vmem>>) attributes {dimension_semantics = [#tpu.dimension_semantics<arbitrary>], iteration_bounds = array<i64: 10>, scalar_prefetch = 0 : i64, scratch_operands = 0 : i64, tpu.core_type = #tpu.core_type<tc>, window_params = [{transform_indices = @transform_0, window_bounds = array<i64: 1024, 128>}, {transform_indices = @transform_1, window_bounds = array<i64: 1024, 128>}, {transform_indices = @transform_2, window_bounds = array<i64: 1024, 128>}, {transform_indices = @transform_3, window_bounds = array<i64: 1024, 16>}, {pipeline_mode = #tpu.pipeline_mode<synchronous>, transform_indices = @transform_4, window_bounds = array<i64: 1, 128>}, {pipeline_mode = #tpu.pipeline_mode<synchronous>, transform_indices = @transform_5, window_bounds = array<i64: 128, 128>}, {transform_indices = @transform_6, window_bounds = array<i64: 1024, 128>}]} {
    %get3A = arith.constant 0 : index
    %get3A_0 = arith.constant 0 : index
    %get3A_1 = vector.load %arg4[%get3A, %get3A_0] : memref<1024x16xf32, #tpu.memory_space<vmem>>, vector<1024x16xf32>
    %slice3A = vector.extract_strided_slice %get3A_1 {offsets = [0, 0], sizes = [1024, 1], strides = [1, 1]} : vector<1024x16xf32> to vector<1024x1xf32>
    %get3A_2 = arith.constant 0 : index
    %get3A_3 = arith.constant 0 : index
    %get3A_4 = vector.load %arg1[%get3A_2, %get3A_3] : memref<1024x128xf32, #tpu.memory_space<vmem>>, vector<1024x128xf32>
    %get3A_5 = arith.constant 0 : index
    %get3A_6 = arith.constant 0 : index
    %get3A_7 = vector.load %arg2[%get3A_5, %get3A_6] : memref<1024x128xf32, #tpu.memory_space<vmem>>, vector<1024x128xf32>
    %add3A = arith.addf %get3A_4, %get3A_7 : vector<1024x128xf32>
    %get3A_8 = arith.constant 0 : index
    %get3A_9 = arith.constant 0 : index
    %get3A_10 = vector.load %arg3[%get3A_8, %get3A_9] : memref<1024x128xf32, #tpu.memory_space<vmem>>, vector<1024x128xf32>
    %add3A_11 = arith.addf %add3A, %get3A_10 : vector<1024x128xf32>
    %mul3A = vector.broadcast %slice3A : vector<1024x1xf32> to vector<1024x128xf32>
    %mul3A_12 = arith.mulf %mul3A, %add3A_11 : vector<1024x128xf32>
    %get3A_13 = arith.constant 0 : index
    %get3A_14 = arith.constant 0 : index
    %get3A_15 = vector.load %arg5[%get3A_13, %get3A_14] : memref<1x128xf32, #tpu.memory_space<vmem>>, vector<1x128xf32>
    %add3A_16 = vector.broadcast %get3A_15 : vector<1x128xf32> to vector<1024x128xf32>
    %add3A_17 = arith.addf %mul3A_12, %add3A_16 : vector<1024x128xf32>
    %max3A = arith.constant 0.000000e+00 : f32
    %max3A_18 = vector.broadcast %max3A : f32 to vector<1024x128xf32>
    %max3A_19 = arith.maximumf %add3A_17, %max3A_18 : vector<1024x128xf32>
    %get3A_20 = arith.constant 0 : index
    %get3A_21 = arith.constant 0 : index
    %get3A_22 = vector.load %arg6[%get3A_20, %get3A_21] : memref<128x128xf32, #tpu.memory_space<vmem>>, vector<128x128xf32>
    %dot_general3A = arith.constant dense<0.000000e+00> : vector<1024x128xf32>
    %dot_general3A_23 = tpu.matmul %max3A_19, %get3A_22, %dot_general3A {dimension_numbers = #tpu.dot_dimension_numbers<[1], [0], [0], [1], [0, 0, 1, 1], [], []>, transpose_lhs_hint = false} : vector<1024x128xf32>, vector<128x128xf32>, vector<1024x128xf32> -> vector<1024x128xf32>
    %mul3A_24 = vector.broadcast %slice3A : vector<1024x1xf32> to vector<1024x128xf32>
    %mul3A_25 = arith.mulf %dot_general3A_23, %mul3A_24 : vector<1024x128xf32>
    %swap3A = arith.constant 0 : index
    %swap3A_26 = arith.constant 0 : index
    %swap3A_27 = vector.load %arg7[%swap3A, %swap3A_26] : memref<1024x128xf32, #tpu.memory_space<vmem>>, vector<1024x128xf32>
    tpu.vector_store %arg7[%swap3A, %swap3A_26], %mul3A_25 {strides = array<i32>} : memref<1024x128xf32, #tpu.memory_space<vmem>>, vector<1024x128xf32>,
    return
  }
  func.func @transform_0(%arg0: i32) -> (i32, i32) {
    %c0_i32 = arith.constant 0 : i32
    %c0_i32_0 = arith.constant 0 : i32
    return %arg0, %c0_i32 : i32, i32
  }
  func.func @transform_1(%arg0: i32) -> (i32, i32) {
    %c0_i32 = arith.constant 0 : i32
    %c0_i32_0 = arith.constant 0 : i32
    return %arg0, %c0_i32 : i32, i32
  }
  func.func @transform_2(%arg0: i32) -> (i32, i32) {
    %c0_i32 = arith.constant 0 : i32
    %c0_i32_0 = arith.constant 0 : i32
    return %arg0, %c0_i32 : i32, i32
  }
  func.func @transform_3(%arg0: i32) -> (i32, i32) {
    %c0_i32 = arith.constant 0 : i32
    %c0_i32_0 = arith.constant 0 : i32
    return %arg0, %c0_i32 : i32, i32
  }
  func.func @transform_4(%arg0: i32) -> (i32, i32) {
    %c0_i32 = arith.constant 0 : i32
    %c0_i32_0 = arith.constant 0 : i32
    %c0_i32_1 = arith.constant 0 : i32
    return %c0_i32, %c0_i32_0 : i32, i32
  }
  func.func @transform_5(%arg0: i32) -> (i32, i32) {
    %c0_i32 = arith.constant 0 : i32
    %c0_i32_0 = arith.constant 0 : i32
    %c0_i32_1 = arith.constant 0 : i32
    return %c0_i32, %c0_i32_0 : i32, i32
  }
  func.func @transform_6(%arg0: i32) -> (i32, i32) {
    %c0_i32 = arith.constant 0 : i32
    %c0_i32_0 = arith.constant 0 : i32
    return %arg0, %c0_i32 : i32, i32
  }
}

module attributes {stable_mosaic.version = 14 : i64} {
  func.func @body(%arg0: i32, %arg1: memref<1024x128xf32, #tpu.memory_space<vmem>>, %arg2: memref<1024x128xf32, #tpu.memory_space<vmem>>, %arg3: memref<1024x128xf32, #tpu.memory_space<vmem>>, %arg4: memref<1024x16xf32, #tpu.memory_space<vmem>>, %arg5: memref<1x128xf32, #tpu.memory_space<vmem>>, %arg6: memref<128x64xf32, #tpu.memory_space<vmem>>, %arg7: memref<1024x64xf32, #tpu.memory_space<vmem>>) attributes {dimension_semantics = [#tpu.dimension_semantics<arbitrary>], iteration_bounds = array<i64: 10>, scalar_prefetch = 0 : i64, scratch_operands = 0 : i64, tpu.core_type = #tpu.core_type<tc>, window_params = [{transform_indices = @transform_0, window_bounds = array<i64: 1024, 128>}, {transform_indices = @transform_1, window_bounds = array<i64: 1024, 128>}, {transform_indices = @transform_2, window_bounds = array<i64: 1024, 128>}, {transform_indices = @transform_3, window_bounds = array<i64: 1024, 16>}, {pipeline_mode = #tpu.pipeline_mode<synchronous>, transform_indices = @transform_4, window_bounds = array<i64: 1, 128>}, {pipeline_mode = #tpu.pipeline_mode<synchronous>, transform_indices = @transform_5, window_bounds = array<i64: 128, 64>}, {transform_indices = @transform_6, window_bounds = array<i64: 1024, 64>}]} {
    %get3A = arith.constant 0 : index
    %get3A_0 = arith.constant 0 : index
    %get3A_1 = vector.load %arg4[%get3A, %get3A_0] : memref<1024x16xf32, #tpu.memory_space<vmem>>, vector<1024x16xf32>
    %slice3A = vector.extract_strided_slice %get3A_1 {offsets = [0, 0], sizes = [1024, 1], strides = [1, 1]} : vector<1024x16xf32> to vector<1024x1xf32>
    %get3A_2 = arith.constant 0 : index
    %get3A_3 = arith.constant 0 : index
    %get3A_4 = vector.load %arg1[%get3A_2, %get3A_3] : memref<1024x128xf32, #tpu.memory_space<vmem>>, vector<1024x128xf32>
    %get3A_5 = arith.constant 0 : index
    %get3A_6 = arith.constant 0 : index
    %get3A_7 = vector.load %arg2[%get3A_5, %get3A_6] : memref<1024x128xf32, #tpu.memory_space<vmem>>, vector<1024x128xf32>
    %add3A = arith.addf %get3A_4, %get3A_7 : vector<1024x128xf32>
    %get3A_8 = arith.constant 0 : index
    %get3A_9 = arith.constant 0 : index
    %get3A_10 = vector.load %arg3[%get3A_8, %get3A_9] : memref<1024x128xf32, #tpu.memory_space<vmem>>, vector<1024x128xf32>
    %add3A_11 = arith.addf %add3A, %get3A_10 : vector<1024x128xf32>
    %mul3A = vector.broadcast %slice3A : vector<1024x1xf32> to vector<1024x128xf32>
    %mul3A_12 = arith.mulf %mul3A, %add3A_11 : vector<1024x128xf32>
    %get3A_13 = arith.constant 0 : index
    %get3A_14 = arith.constant 0 : index
    %get3A_15 = vector.load %arg5[%get3A_13, %get3A_14] : memref<1x128xf32, #tpu.memory_space<vmem>>, vector<1x128xf32>
    %add3A_16 = vector.broadcast %get3A_15 : vector<1x128xf32> to vector<1024x128xf32>
    %add3A_17 = arith.addf %mul3A_12, %add3A_16 : vector<1024x128xf32>
    %max3A = arith.constant 0.000000e+00 : f32
    %max3A_18 = vector.broadcast %max3A : f32 to vector<1024x128xf32>
    %max3A_19 = arith.maximumf %add3A_17, %max3A_18 : vector<1024x128xf32>
    %get3A_20 = arith.constant 0 : index
    %get3A_21 = arith.constant 0 : index
    %get3A_22 = vector.load %arg6[%get3A_20, %get3A_21] : memref<128x64xf32, #tpu.memory_space<vmem>>, vector<128x64xf32>
    %dot_general3A = arith.constant dense<0.000000e+00> : vector<1024x64xf32>
    %dot_general3A_23 = tpu.matmul %max3A_19, %get3A_22, %dot_general3A {dimension_numbers = #tpu.dot_dimension_numbers<[1], [0], [0], [1], [0, 0, 1, 1], [], []>, transpose_lhs_hint = false} : vector<1024x128xf32>, vector<128x64xf32>, vector<1024x64xf32> -> vector<1024x64xf32>
    %mul3A_24 = vector.broadcast %slice3A : vector<1024x1xf32> to vector<1024x64xf32>
    %mul3A_25 = arith.mulf %dot_general3A_23, %mul3A_24 : vector<1024x64xf32>
    %swap3A = arith.constant 0 : index
    %swap3A_26 = arith.constant 0 : index
    %swap3A_27 = vector.load %arg7[%swap3A, %swap3A_26] : memref<1024x64xf32, #tpu.memory_space<vmem>>, vector<1024x64xf32>
    tpu.vector_store %arg7[%swap3A, %swap3A_26], %mul3A_25 {strides = array<i32>} : memref<1024x64xf32, #tpu.memory_space<vmem>>, vector<1024x64xf32>,
    return
  }
  func.func @transform_0(%arg0: i32) -> (i32, i32) {
    %c0_i32 = arith.constant 0 : i32
    %c0_i32_0 = arith.constant 0 : i32
    return %arg0, %c0_i32 : i32, i32
  }
  func.func @transform_1(%arg0: i32) -> (i32, i32) {
    %c0_i32 = arith.constant 0 : i32
    %c0_i32_0 = arith.constant 0 : i32
    return %arg0, %c0_i32 : i32, i32
  }
  func.func @transform_2(%arg0: i32) -> (i32, i32) {
    %c0_i32 = arith.constant 0 : i32
    %c0_i32_0 = arith.constant 0 : i32
    return %arg0, %c0_i32 : i32, i32
  }
  func.func @transform_3(%arg0: i32) -> (i32, i32) {
    %c0_i32 = arith.constant 0 : i32
    %c0_i32_0 = arith.constant 0 : i32
    return %arg0, %c0_i32 : i32, i32
  }
  func.func @transform_4(%arg0: i32) -> (i32, i32) {
    %c0_i32 = arith.constant 0 : i32
    %c0_i32_0 = arith.constant 0 : i32
    %c0_i32_1 = arith.constant 0 : i32
    return %c0_i32, %c0_i32_0 : i32, i32
  }
  func.func @transform_5(%arg0: i32) -> (i32, i32) {
    %c0_i32 = arith.constant 0 : i32
    %c0_i32_0 = arith.constant 0 : i32
    %c0_i32_1 = arith.constant 0 : i32
    return %c0_i32, %c0_i32_0 : i32, i32
  }
  func.func @transform_6(%arg0: i32) -> (i32, i32) {
    %c0_i32 = arith.constant 0 : i32
    %c0_i32_0 = arith.constant 0 : i32
    return %arg0, %c0_i32 : i32, i32
  }
}

module attributes {stable_mosaic.version = 14 : i64} {
  func.func @body(%arg0: i32, %arg1: memref<1024x64xf32, #tpu.memory_space<vmem>>, %arg2: memref<1024x64xf32, #tpu.memory_space<vmem>>, %arg3: memref<1024x64xf32, #tpu.memory_space<vmem>>, %arg4: memref<1024x16xf32, #tpu.memory_space<vmem>>, %arg5: memref<1x64xf32, #tpu.memory_space<vmem>>, %arg6: memref<1024x64xf32, #tpu.memory_space<vmem>>) attributes {dimension_semantics = [#tpu.dimension_semantics<arbitrary>], iteration_bounds = array<i64: 10>, scalar_prefetch = 0 : i64, scratch_operands = 0 : i64, tpu.core_type = #tpu.core_type<tc>, window_params = [{transform_indices = @transform_0, window_bounds = array<i64: 1024, 64>}, {transform_indices = @transform_1, window_bounds = array<i64: 1024, 64>}, {transform_indices = @transform_2, window_bounds = array<i64: 1024, 64>}, {transform_indices = @transform_3, window_bounds = array<i64: 1024, 16>}, {pipeline_mode = #tpu.pipeline_mode<synchronous>, transform_indices = @transform_4, window_bounds = array<i64: 1, 64>}, {transform_indices = @transform_5, window_bounds = array<i64: 1024, 64>}]} {
    %get3A = arith.constant 0 : index
    %get3A_0 = arith.constant 0 : index
    %get3A_1 = vector.load %arg4[%get3A, %get3A_0] : memref<1024x16xf32, #tpu.memory_space<vmem>>, vector<1024x16xf32>
    %slice3A = vector.extract_strided_slice %get3A_1 {offsets = [0, 0], sizes = [1024, 1], strides = [1, 1]} : vector<1024x16xf32> to vector<1024x1xf32>
    %get3A_2 = arith.constant 0 : index
    %get3A_3 = arith.constant 0 : index
    %get3A_4 = vector.load %arg1[%get3A_2, %get3A_3] : memref<1024x64xf32, #tpu.memory_space<vmem>>, vector<1024x64xf32>
    %get3A_5 = arith.constant 0 : index
    %get3A_6 = arith.constant 0 : index
    %get3A_7 = vector.load %arg2[%get3A_5, %get3A_6] : memref<1024x64xf32, #tpu.memory_space<vmem>>, vector<1024x64xf32>
    %add3A = arith.addf %get3A_4, %get3A_7 : vector<1024x64xf32>
    %get3A_8 = arith.constant 0 : index
    %get3A_9 = arith.constant 0 : index
    %get3A_10 = vector.load %arg3[%get3A_8, %get3A_9] : memref<1024x64xf32, #tpu.memory_space<vmem>>, vector<1024x64xf32>
    %add3A_11 = arith.addf %add3A, %get3A_10 : vector<1024x64xf32>
    %mul3A = vector.broadcast %slice3A : vector<1024x1xf32> to vector<1024x64xf32>
    %mul3A_12 = arith.mulf %mul3A, %add3A_11 : vector<1024x64xf32>
    %get3A_13 = arith.constant 0 : index
    %get3A_14 = arith.constant 0 : index
    %get3A_15 = vector.load %arg5[%get3A_13, %get3A_14] : memref<1x64xf32, #tpu.memory_space<vmem>>, vector<1x64xf32>
    %add3A_16 = vector.broadcast %get3A_15 : vector<1x64xf32> to vector<1024x64xf32>
    %add3A_17 = arith.addf %mul3A_12, %add3A_16 : vector<1024x64xf32>
    %reduce_max3A = arith.constant dense<0xFF800000> : vector<1024xf32>
    %reduce_max3A_18 = vector.multi_reduction <maximumf>, %add3A_17, %reduce_max3A [1] : vector<1024x64xf32> to vector<1024xf32>
    %broadcast_in_dim3A = vector.shape_cast %reduce_max3A_18 : vector<1024xf32> to vector<1024x1xf32>
    %sub3A = vector.broadcast %broadcast_in_dim3A : vector<1024x1xf32> to vector<1024x64xf32>
    %sub3A_19 = arith.subf %add3A_17, %sub3A : vector<1024x64xf32>
    %exp3A = math.exp %sub3A_19 : vector<1024x64xf32>
    %sub3A_20 = vector.broadcast %broadcast_in_dim3A : vector<1024x1xf32> to vector<1024x64xf32>
    %sub3A_21 = arith.subf %add3A_17, %sub3A_20 : vector<1024x64xf32>
    %reduce_sum3A = arith.constant dense<0.000000e+00> : vector<1024xf32>
    %reduce_sum3A_22 = vector.multi_reduction <add>, %exp3A, %reduce_sum3A [1] : vector<1024x64xf32> to vector<1024xf32>
    %broadcast_in_dim3A_23 = vector.shape_cast %reduce_sum3A_22 : vector<1024xf32> to vector<1024x1xf32>
    %log3A = math.log %broadcast_in_dim3A_23 : vector<1024x1xf32>
    %sub3A_24 = vector.broadcast %log3A : vector<1024x1xf32> to vector<1024x64xf32>
    %sub3A_25 = arith.subf %sub3A_21, %sub3A_24 : vector<1024x64xf32>
    %swap3A = arith.constant 0 : index
    %swap3A_26 = arith.constant 0 : index
    %swap3A_27 = vector.load %arg6[%swap3A, %swap3A_26] : memref<1024x64xf32, #tpu.memory_space<vmem>>, vector<1024x64xf32>
    tpu.vector_store %arg6[%swap3A, %swap3A_26], %sub3A_25 {strides = array<i32>} : memref<1024x64xf32, #tpu.memory_space<vmem>>, vector<1024x64xf32>,
    return
  }
  func.func @transform_0(%arg0: i32) -> (i32, i32) {
    %c0_i32 = arith.constant 0 : i32
    %c0_i32_0 = arith.constant 0 : i32
    return %arg0, %c0_i32 : i32, i32
  }
  func.func @transform_1(%arg0: i32) -> (i32, i32) {
    %c0_i32 = arith.constant 0 : i32
    %c0_i32_0 = arith.constant 0 : i32
    return %arg0, %c0_i32 : i32, i32
  }
  func.func @transform_2(%arg0: i32) -> (i32, i32) {
    %c0_i32 = arith.constant 0 : i32
    %c0_i32_0 = arith.constant 0 : i32
    return %arg0, %c0_i32 : i32, i32
  }
  func.func @transform_3(%arg0: i32) -> (i32, i32) {
    %c0_i32 = arith.constant 0 : i32
    %c0_i32_0 = arith.constant 0 : i32
    return %arg0, %c0_i32 : i32, i32
  }
  func.func @transform_4(%arg0: i32) -> (i32, i32) {
    %c0_i32 = arith.constant 0 : i32
    %c0_i32_0 = arith.constant 0 : i32
    %c0_i32_1 = arith.constant 0 : i32
    return %c0_i32, %c0_i32_0 : i32, i32
  }
  func.func @transform_5(%arg0: i32) -> (i32, i32) {
    %c0_i32 = arith.constant 0 : i32
    %c0_i32_0 = arith.constant 0 : i32
    return %arg0, %c0_i32 : i32, i32
  }
}

</mosaic_0001>

<sc_bundles>
// kernel: kernel.11.cloned.1.call-start
scs
__scs_entry_jumppad:
0x0: {  	(pc) =	sbr.rel $0x88, $3  }
0x1: {  	(tag) =	ssettag $0x0;
	lr =	simm.s32 $0x1  }
0x2: {  	[smem:$0x3F99] =	sst lr;
	_ =	strace $0xD0000000  }
0x3: {  	_ = 	snop  }
0x4: {  	_ = 	snop  }
0x5: {  	_ = 	snop  }
0x6: {  	_ = 	snop  }
0x7: {  	_ = 	snop  }
__scs_overlays_trampoline_lowered:
0x8: {  	[smem:$0x3FA8] =	sst s0  }
0x9: {  	[smem:$0x3FA9] =	sst s1  }
0xa: {  	[smem:$0x3FAA] =	sst s2  }
0xb: {  	[smem:$0x3FAB] =	sst s3  }
0xc: {  	[smem:$0x3FAC] =	sst s4  }
0xd: {  	[smem:$0x3FAD] =	sst s5  }
0xe: {  	[smem:$0x3FAE] =	sst s6  }
0xf: {  	[smem:$0x3FAF] =	sst s7  }
0x10: {  	[smem:$0x3FB0] =	sst s8  }
0x11: {  	[smem:$0x3FB1] =	sst s9;
	s0 =	simm.s32 @!p0 $0x0  }
0x12: {  	s1 =	sld [smem:$0x3F97];
	s0 =	simm.s32 @p0 $0x1  }
0x13: {  	[smem:$0x3FB2] =	sst s0;
	s0 =	simm.s32 @!p1 $0x0  }
0x14: {  	s2 =	sld [smem:$0x3F96];
	s0 =	simm.s32 @p1 $0x1  }
0x15: {  	[smem:$0x3FB3] =	sst s0;
	s0 =	simm.s32 @!p2 $0x0  }
0x16: {  	s3 =	sld [smem:$0x3FDB];
	s0 =	simm.s32 @p2 $0x1  }
0x17: {  	s4 =	simm.s32 $0x1BF5;
	[smem:$0x3FB5] =	sst s0  }
0x18: {  	s0 =	sld [smem:$0x3F98];
	_ =	swait.ge [sflag:s4], $0x0  }
0x19: {  	s7 =	sld [smem:$0x3F99]  }
0x1a: {  	s8 =	sadd.s32 $0xFFFFE003, lr  }
0x1b: {  	s9 =	sadd.s32 $0xFFFFFEF7, lr;
	s5 =	simm.s32 $0xFFFFFFFF;
	p2 =	slt.u32 s8, $0xFFFFF086  }
0x1c: {  	p1 =	slt.u32 s9, $0xF7A;
	s5 =	simm.s32 @!p2 $0x0  }
0x1d: {  	s5 =	simm.s32 @p1 $0x1;
	p0 =	seq.s32 s7, s2  }
0x1e: {  	s7 =	smul.u32 @!p0 $0xF7A, s2;
	p2 =	seq.s32 @!p0 s5, $0x0  }
0x1f: {  	s9 =	smul.u32 $0xF7A, s1;
	s8 =	simm.s32 @!p0 $0x1BF5;
	p2 =	por !p2, p0  }
0x20: {  	[sflag:s8] =	ssyncset.s32 @!p0 $0xFFFFF086;
	s6 =	sadd.s32 @!p0 s3, s7;
	s7 =	simm.s32 @!p0 $0x108  }
0x21: {  	s3 =	sadd.s32 s3, s9;
	s6 =	sadd.s32 @!p0 $0x88, s6;
	s7 =	simm.s32 @p2 $0x1082  }
0x22: {  	[simem:s7], [sflag:s8] =	dma.local @!p0 [hbm:s6], $0xF7A  }
0x23: {  	s9 =	sor.u32 $0xD0000000, s2;
	s6 =	simm.s32 $0x108;
	_ =	swait.ge @!p0 [sflag:s8], $0x0  }
0x24: {  	s3 =	sadd.s32 $0x88, s3;
	s6 =	simm.s32 @!p1 $0x1082;
	[sflag:s4] =	ssyncset.s32 $0xFFFFF086  }
0x25: {  	[simem:s6], [sflag:s4] =	dma.local [hbm:s3], $0xF7A  }
0x26: {  	[smem:$0x3F99] =	sst s1;
	(tag) =	ssettag s2;
	_ =	strace s9  }
0x27: {  	s1 =	sld [smem:$0x3FA9]  }
0x28: {  	s2 =	sld [smem:$0x3FAA]  }
0x29: {  	s4 =	sld [smem:$0x3FAC]  }
0x2a: {  	p0 =	seq.s32 s5, $0x0;
	s5 =	sld [smem:$0x3FAD]  }
0x2b: {  	s6 =	sld [smem:$0x3FAE]  }
0x2c: {  	s7 =	sld [smem:$0x3FAF]  }
0x2d: {  	s3 =	simm.s32 $0x108;
	s8 =	sld [smem:$0x3FB0]  }
0x2e: {  	s3 =	simm.s32 @!p0 $0x1082;
	s9 =	sld [smem:$0x3FB1]  }
0x2f: {  	lr =	sadd.s32 s0, s3;
	s0 =	sld [smem:$0x3FA8]  }
0x30: {  	s3 =	sld [smem:$0x3FAB]  }
0x31: {  	[smem:$0x3FB4] =	sst s10  }
0x32: {  	s10 =	sld [smem:$0x3FB2];
	_ =	sdelay $0x3  }
0x33: {  	p0 =	seq.s32 s10, $0x1;
	s10 =	sld [smem:$0x3FB4];
	_ =	sdelay $0x3  }
0x34: {  	[smem:$0x3FB4] =	sst s10  }
0x35: {  	s10 =	sld [smem:$0x3FB3];
	_ =	sdelay $0x3  }
0x36: {  	p1 =	seq.s32 s10, $0x1;
	s10 =	sld [smem:$0x3FB4];
	_ =	sdelay $0x3  }
0x37: {  	[smem:$0x3FB4] =	sst s10  }
0x38: {  	s10 =	sld [smem:$0x3FB5]  }
0x39: {  	_ = 	snop;
	(pc) =	sbr.ind lr, $3  }
0x3a: {  	_ = 	snop  }
0x3b: {  	_ = 	snop  }
0x3c: {  	p2 =	seq.s32 s10, $0x1;
	s10 =	sld [smem:$0x3FB4]  }
0x3d: {  	_ =	shalt  }
0x3e: {  	_ =	shalt  }
0x3f: {  	_ =	shalt  }
0x40: {  	_ =	shalt  }
0x41: {  	_ =	shalt  }
0x42: {  	_ =	shalt  }
0x43: {  	_ =	shalt  }
0x44: {  	_ =	shalt  }
0x45: {  	_ =	shalt  }
0x46: {  	_ =	shalt  }
0x47: {  	_ =	shalt  }
0x48: {  	_ =	shalt  }
0x49: {  	_ =	shalt  }
0x4a: {  	_ =	shalt  }
0x4b: {  	_ =	shalt  }
0x4c: {  	_ =	shalt  }
0x4d: {  	_ =	shalt  }
0x4e: {  	_ =	shalt  }
0x4f: {  	_ =	shalt  }
0x50: {  	_ =	shalt  }
0x51: {  	_ =	shalt  }
0x52: {  	_ =	shalt  }
0x53: {  	_ =	shalt  }
0x54: {  	_ =	shalt  }
0x55: {  	_ =	shalt  }
0x56: {  	_ =	shalt  }
0x57: {  	_ =	shalt  }
0x58: {  	_ =	shalt  }
0x59: {  	_ =	shalt  }
0x5a: {  	_ =	shalt  }
0x5b: {  	_ =	shalt  }
0x5c: {  	_ =	shalt  }
0x5d: {  	_ =	shalt  }
0x5e: {  	_ =	shalt  }
0x5f: {  	_ =	shalt  }
0x60: {  	_ =	shalt  }
0x61: {  	_ =	shalt  }
0x62: {  	_ =	shalt  }
0x63: {  	_ =	shalt  }
0x64: {  	_ =	shalt  }
0x65: {  	_ =	shalt  }
0x66: {  	_ =	shalt  }
0x67: {  	_ =	shalt  }
0x68: {  	_ =	shalt  }
0x69: {  	_ =	shalt  }
0x6a: {  	_ =	shalt  }
0x6b: {  	_ =	shalt  }
0x6c: {  	_ =	shalt  }
0x6d: {  	_ =	shalt  }
0x6e: {  	_ =	shalt  }
0x6f: {  	_ =	shalt  }
0x70: {  	_ =	shalt  }
0x71: {  	_ =	shalt  }
0x72: {  	_ =	shalt  }
0x73: {  	_ =	shalt  }
0x74: {  	_ =	shalt  }
0x75: {  	_ =	shalt  }
0x76: {  	_ =	shalt  }
0x77: {  	_ =	shalt  }
0x78: {  	_ =	shalt  }
0x79: {  	_ =	shalt  }
0x7a: {  	_ =	shalt  }
0x7b: {  	_ =	shalt  }
0x7c: {  	_ =	shalt  }
0x7d: {  	_ =	shalt  }
0x7e: {  	_ =	shalt  }
0x7f: {  	_ =	shalt  }
0x80: {  	_ =	shalt  }
0x81: {  	_ =	shalt  }
0x82: {  	_ =	shalt  }
0x83: {  	_ =	shalt  }
0x84: {  	_ =	shalt  }
0x85: {  	_ =	shalt  }
0x86: {  	_ =	shalt  }
0x87: {  	_ =	shalt  }
.Lfunc_end0:
.L_simem_size_0:
called_computation_lowered:
.L_overlay_start_0:
0x88: {  	s2 =	sld [smem:$0x3FD9]  }
0x89: {  	s3 =	sld [smem:$0x3FFE];
	_ =	sdelay $0x1  }
0x8a: {  	s1 =	srdreg.scid  }
0x8b: {  	s0 =	sand.u32 $0x1, s1  }
0x8c: {  	s16 =	sshll.u32 s0, $0xA;
	s2 =	sadd.s32 s3, s2  }
0x8d: {  	s2 =	sadd.s32 s2, s16  }
0x8e: {  	[smem:$0x3FC0] =	sst s2  }
0x8f: {  	_ = 	snop  }
0x90: {  	(tm) =	ssettm $0x1  }
0x91: {  	s17 =	sld [smem:$0x3FFB];
	_ =	sdelay $0x3  }
0x92: {  	_ =	strace s17  }
0x93: {  	s2 =	sld [smem:$0x3FFC];
	_ =	sdelay $0x3  }
0x94: {  	_ =	strace s2  }
0x95: {  	s2 =	sld [smem:$0x3FFD];
	_ =	sdelay $0x3  }
0x96: {  	_ =	strace s2  }
0x97: {  	_ =	strace $0x8FFFFFFF  }
0x98: {  	s18 =	sld [smem:$0x3FDB];
	_ =	sdelay $0x1  }
0x99: {  	s19 =	simm.s32 $_scs_section_size  }
0x9a: {  	s4 =	simm.s32 $_size__tile_overlayer_lowered;
	s5 =	simm.s32 $_tile_overlayer_lowered  }
0x9b: {  	s22 =	simm.s32 $0x1BFF;
	s21 =	sshll.u32 s5, $0x1;
	s2 =	sadd.s32 s19, s18  }
0x9c: {  	s6 =	simm.s32 $0x0;
	s20 =	sshll.u32 s4, $0x1;
	s4 =	sadd.s32 s21, s2  }
0x9d: {  	[timem:s6], [sflag:s22] =	dma.local [hbm:s4], s20  }
0x9e: {  	_ =	swait.ge [sflag:s22], s20  }
0x9f: {  	s3 =	ssub.s32 $0x0, s20;
	[sflag:s22] =	ssyncset.done $0x0  }
0xa0: {  	[sflag:s22] =	ssyncadd.s32 s3;
	_ =	sdelay $0x1  }
0xa1: {  	s23 =	simm.s32 $0x1B8B  }
0xa2: {  	_ =	swait.ge [sflag:s23], $0x1  }
0xa3: {  	[sflag:s23] =	ssyncset.done $0x0  }
0xa4: {  	s25 =	simm.s32 $0x1B8E;
	s24 =	sld [smem:$0x3FFE];
	[sflag:s23] =	ssyncadd.s32 $0xFFFFFFFF  }
0xa5: {  	s26 =	simm.s32 $execute0_lowered;
	[smem:$0x3FD2] =	sst s25  }
0xa6: {  	s4 =	sshll.u32 s26, $0x1;
	_ =	strace $0x80000046;
	[dreg:$0x1] =	wrdreg $0xFFFFFFFF  }
0xa7: {  	s28 =	simm.s32 $_size_execute0_lowered;
	s2 =	sadd.s32 s2, s4;
	[dreg:$0x0] =	wrdreg $0x0  }
0xa8: {  	s4 =	sshll.u32 s28, $0x1;
	[dreg:$0x2] =	wrdreg s2  }
0xa9: {  	[dreg:$0x3] =	wrdreg s4  }
0xaa: {  	[dreg:$0x4] =	wrdreg $0xC0  }
0xab: {  	_ =	task [dreg:s6], $0x5FFFF  }
0xac: {  	[dreg:$0x1] =	wrdreg $0xFFFFFFFF  }
0xad: {  	[dreg:$0x0] =	wrdreg $0x60  }
0xae: {  	[dreg:$0x2] =	wrdreg s24  }
0xaf: {  	[dreg:$0x3] =	wrdreg $0x2C000  }
0xb0: {  	[dreg:$0x4] =	wrdreg $0x9  }
0xb1: {  	_ =	task.clear_ibuf [dreg:s6], $0x5FFFF;
	_ =	strace $0x90000046  }
0xb2: {  	s29 =	simm.s32 $0x9;
	_ =	strace $0x80000048  }
0xb3: {  	_ =	swait.ge [sflag:s29], $0x1  }
0xb4: {  	[sflag:s29] =	ssyncadd.s32 $0xFFFFFFFF  }
0xb5: {  	_ =	strace $0x90000048  }
0xb6: {  	_ =	sfence  }
0xb7: {  	s30 =	sld [smem:$0x0];
	_ =	sdelay $0x2  }
0xb8: {  	s31 =	sshll.u32 s1, $0xD;
	s1 =	sshrl.u32 s1, $0x2  }
0xb9: {  	s3 =	sand.u32 $0x4000, s31;
	s1 =	sadd.s32 s1, s30  }
0xba: {  	s0 =	sor.u32 s3, s0;
	s1 =	sshll.u32 s1, $0x11  }
0xbb: {  	s0 =	sor.u32 s1, s0  }
0xbc: {  	s0 =	sadd.s32 $0x8F2B, s0  }
0xbd: {  	[sflag:s0] =	ssyncadd.remote.s32 $0x1  }
0xbe: {  	_ =	sfence.sel $0xFFFF  }
0xbf: {  	[dreg:$0x0] =	wrdreg $0xFFFFFFFF;
	(pc) =	sbr.abs _section_cstart, $3  }
0xc0: {  	[dreg:$0x1] =	wrdreg $0xFFFFFFFF  }
0xc1: {  	_ =	task.clear_ibuf [dreg:s6], $0x2FFFF;
	_ =	strace $0x9FFFFFFF  }
0xc2: {  	(tm) =	ssettm $0x7FFFFFFF  }
0xc3: {  	_ =	shalt  }
tec
execute0_lowered:
.L_overlay_start_1:
0x0: {  	(tag) =	ssettag $0x1  }
0x1: {  	s6 =	rddreg [dreg:$0x0]  }
0x2: {  	s0 =	srdreg.scid;
	s2 =	rddreg [dreg:$0x1];
	s3 =	simm.s32 $0x0  }
0x3: {  	s13 =	simm.s32 $0x40;
	s5 =	sand.u32 $0x1, s0;
	s0 =	stileid.u32  }
0x4: {  	s14 =	simm.s32 $0x0;
	[smem:$0x7FF] =	sst s3;
	s7 =	smul.u32 $0x2800, s0  }
0x5: {  	s1 =	sshll.u32 s5, $0x4;
	s8 =	smul.u32 $0x28000, s5;
	s10 =	ssub.s32 $0x2, s5  }
0x6: {  	s5 =	sadd.s32 $0xD200, s6;
	s11 =	sshll.u32 s0, $0x6;
	s1 =	sor.u32 s0, s1  }
0x7: {  	s31 =	sshrl.u32 s10, $0x1;
	s11 =	sor.u32 $0x1C01, s11;
	s4 =	smul.u32 $0x500, s1  }
0x8: {  	s1 =	rddreg [dreg:$0x2];
	_ =	strace $0x80000047;
	s8 =	sadd.s32 s7, s8  }
0x9: {  	s10 =	ssub.s32 s10, s31;
	s12 =	sadd.s32 s7, s2;
	s8 =	sshrl.u32 s8, $0x3  }
0xa: {  	s12 =	sshrl.u32 s12, $0x3;
	s9 =	sadd.s32 s4, s6;
	s8 =	sadd.s32 s8, s6  }
0xb: {  	s4 =	sadd.s32 $0xD800, s6;
	s6 =	sadd.s32 $0x3200, s9;
	s7 =	sadd.s32 $0xDA00, s8  }
0xc: {  	s8 =	smax.u32 s10, $0x1;
	s9 =	simm.s32 $0x1;
	s10 =	simm.s32 $0x2800  }
.LBB2_1:
0xd: {  	[tilespmem:s3], [sflag:$0x1] =	stream.linear.gather [hbm4b:s6+s3], $0x2800, $0x38;
	[tilespmem:$0x5400] =	vst v63  }
0xe: {  	_ =	swait.ge [sflag:s9], $0x2800  }
0xf: {  	[sflag:s9] =	ssyncset.done $0x0  }
0x10: {  	[sflag:s9] =	ssyncadd.s32 $0xFFFFD800  }
0x11: {  	[tilespmem:s10], [sflag:$0x1] =	stream.linear.gather [hbm4b:s4+s3], $0x400, $0x38;
	[tilespmem:$0x5400] =	vst v63  }
0x12: {  	_ =	swait.ge [sflag:s9], $0x400  }
0x13: {  	[sflag:s9] =	ssyncset.done $0x0  }
0x14: {  	[sflag:s9] =	ssyncadd.s32 $0xFFFFFC00  }
0x15: {  	[spmem:s12], [sflag:s11] =	dma.local [hbm:s5], $0x500  }
0x16: {  	_ =	swait.ge [sflag:s9], $0x500  }
0x17: {  	[sflag:s9] =	ssyncset.done $0x0  }
0x18: {  	[sflag:s9] =	ssyncadd.s32 $0xFFFFFB00  }
0x19: {  	s15 =	simm.s32 $0x0;
	[bflag:$0x0] =	sbarrier.arrive $0xFFFF  }
0x1a: {  	[spmem:s2] =	stream.indirect.scatter.add.f32 [tilespmem:s10], [sflag:$0x1], $0x10, s15, s13, $0xb8;
	[tilespmem:$0x5400] =	vst v63  }
0x1b: {  	_ =	swait.ge [sflag:s9], $0x400  }
0x1c: {  	s15 =	simm.s32 $0x100;
	[sflag:s9] =	ssyncset.done $0x0  }
.LBB2_2:
0x1d: {  	s16 =	sshra.s32 s15, $0x2;
	[sflag:s9] =	ssyncadd.s32 $0xFFFFFC00;
	p0 =	sne.s32 s15, $0x9F00  }
0x1e: {  	[spmem:s2] =	stream.indirect.scatter.add.f32 [tilespmem:s10], [sflag:$0x1], $0x10, s16, s13, $0xb8;
	[tilespmem:$0x5400] =	vst v63  }
.Ltmp0:
0x1f: {  	_ = 	snop;
	(pc) =	sbr.rel @p0 .LBB2_2-.Ltmp0, $4  }
0x20: {  	_ = 	snop  }
0x21: {  	s15 =	sadd.s32 $0x100, s15  }
0x22: {  	_ =	swait.ge [sflag:s9], $0x400  }
0x23: {  	[sflag:s9] =	ssyncset.done $0x0  }
0x24: {  	s14 =	sadd.s32 $0x1, s14  }
0x25: {  	[sflag:s9] =	ssyncadd.s32 $0xFFFFFC00;
	p0 =	sne.s32 s14, s8  }
.Ltmp1:
0x26: {  	[bflag:$0x0] =	sbarrier.arrive $0xFFFF;
	(pc) =	sbr.rel @p0 .LBB2_1-.Ltmp1, $4  }
0x27: {  	[hbm:s7], [sflag:s11] =	dma.local [spmem:s12], $0x500  }
0x28: {  	_ =	swait.ge [sflag:s9], $0x500  }
0x29: {  	[sflag:s9] =	ssyncset.done $0x0  }
0x2a: {  	[sflag:s9] =	ssyncadd.s32 $0xFFFFFB00  }
0x2b: {  	_ =	sfence.sel $0x180000  }
0x2c: {  	[bflag:$0x0] =	sbarrier.arrive $0xFFFF  }
0x2d: {  	p0 =	sne.s32 s0, $0x0;
	_ =	strace $0x90000047  }
0x2e: {  	s0 =	sadd.s32 @!p0 $0x100000, s1;
	[bflag:$0x2] =	sbarrier.arrive $0xFFFF  }
0x2f: {  	[sflag:s0] =	ssyncadd.tile.s32 @!p0 $0x1;
	_ =	shalt  }
.Lfunc_end2:
_tile_overlayer_lowered:
.L_overlay_start_2:
0x30: {  	(tag) =	ssettag $0x2  }
0x31: {  	s0 =	rddreg [dreg:$0x0];
	s2 =	stileid.u32  }
0x32: {  	s1 =	rddreg [dreg:$0x1];
	p0 =	sne.s32 s2, $0x0  }
0x33: {  	s3 =	rddreg [dreg:$0x2];
	[bflag:$0x3] =	sbarrier.arrive $0xFFFF;
	s2 =	simm.s32 @!p0 $0x1C01  }
0x34: {  	[timem:s3], [sflag:s2] =	dma.local @!p0 [hbm:s0], s1  }
0x35: {  	s0 =	simm.s32 @!p0 $0x1  }
0x36: {  	_ =	swait.ge @!p0 [sflag:s0], s1  }
0x37: {  	s1 =	ssub.s32 @!p0 $0x0, s1;
	[sflag:s0] =	ssyncset.done @!p0 $0x0  }
0x38: {  	[sflag:s0] =	ssyncadd.s32 @!p0 s1  }
0x39: {  	[bflag:$0x3] =	sbarrier.arrive $0xFFFF  }
0x3a: {  	_ =	shalt  }

// kernel: kernel.14.cloned.1.call-start
scs
__scs_entry_jumppad:
0x0: {  	(pc) =	sbr.rel $0x88, $3  }
0x1: {  	(tag) =	ssettag $0x0;
	lr =	simm.s32 $0x1  }
0x2: {  	[smem:$0x3F99] =	sst lr;
	_ =	strace $0xD0000000  }
0x3: {  	_ = 	snop  }
0x4: {  	_ = 	snop  }
0x5: {  	_ = 	snop  }
0x6: {  	_ = 	snop  }
0x7: {  	_ = 	snop  }
__scs_overlays_trampoline_lowered:
0x8: {  	[smem:$0x3FA8] =	sst s0  }
0x9: {  	[smem:$0x3FA9] =	sst s1  }
0xa: {  	[smem:$0x3FAA] =	sst s2  }
0xb: {  	[smem:$0x3FAB] =	sst s3  }
0xc: {  	[smem:$0x3FAC] =	sst s4  }
0xd: {  	[smem:$0x3FAD] =	sst s5  }
0xe: {  	[smem:$0x3FAE] =	sst s6  }
0xf: {  	[smem:$0x3FAF] =	sst s7  }
0x10: {  	[smem:$0x3FB0] =	sst s8  }
0x11: {  	[smem:$0x3FB1] =	sst s9;
	s0 =	simm.s32 @!p0 $0x0  }
0x12: {  	s1 =	sld [smem:$0x3F97];
	s0 =	simm.s32 @p0 $0x1  }
0x13: {  	[smem:$0x3FB2] =	sst s0;
	s0 =	simm.s32 @!p1 $0x0  }
0x14: {  	s2 =	sld [smem:$0x3F96];
	s0 =	simm.s32 @p1 $0x1  }
0x15: {  	[smem:$0x3FB3] =	sst s0;
	s0 =	simm.s32 @!p2 $0x0  }
0x16: {  	s3 =	sld [smem:$0x3FDB];
	s0 =	simm.s32 @p2 $0x1  }
0x17: {  	s4 =	simm.s32 $0x1BF5;
	[smem:$0x3FB5] =	sst s0  }
0x18: {  	s0 =	sld [smem:$0x3F98];
	_ =	swait.ge [sflag:s4], $0x0  }
0x19: {  	s7 =	sld [smem:$0x3F99]  }
0x1a: {  	s8 =	sadd.s32 $0xFFFFE003, lr  }
0x1b: {  	s9 =	sadd.s32 $0xFFFFFEF7, lr;
	s5 =	simm.s32 $0xFFFFFFFF;
	p2 =	slt.u32 s8, $0xFFFFF086  }
0x1c: {  	p1 =	slt.u32 s9, $0xF7A;
	s5 =	simm.s32 @!p2 $0x0  }
0x1d: {  	s5 =	simm.s32 @p1 $0x1;
	p0 =	seq.s32 s7, s2  }
0x1e: {  	s7 =	smul.u32 @!p0 $0xF7A, s2;
	p2 =	seq.s32 @!p0 s5, $0x0  }
0x1f: {  	s9 =	smul.u32 $0xF7A, s1;
	s8 =	simm.s32 @!p0 $0x1BF5;
	p2 =	por !p2, p0  }
0x20: {  	[sflag:s8] =	ssyncset.s32 @!p0 $0xFFFFF086;
	s6 =	sadd.s32 @!p0 s3, s7;
	s7 =	simm.s32 @!p0 $0x108  }
0x21: {  	s3 =	sadd.s32 s3, s9;
	s6 =	sadd.s32 @!p0 $0x88, s6;
	s7 =	simm.s32 @p2 $0x1082  }
0x22: {  	[simem:s7], [sflag:s8] =	dma.local @!p0 [hbm:s6], $0xF7A  }
0x23: {  	s9 =	sor.u32 $0xD0000000, s2;
	s6 =	simm.s32 $0x108;
	_ =	swait.ge @!p0 [sflag:s8], $0x0  }
0x24: {  	s3 =	sadd.s32 $0x88, s3;
	s6 =	simm.s32 @!p1 $0x1082;
	[sflag:s4] =	ssyncset.s32 $0xFFFFF086  }
0x25: {  	[simem:s6], [sflag:s4] =	dma.local [hbm:s3], $0xF7A  }
0x26: {  	[smem:$0x3F99] =	sst s1;
	(tag) =	ssettag s2;
	_ =	strace s9  }
0x27: {  	s1 =	sld [smem:$0x3FA9]  }
0x28: {  	s2 =	sld [smem:$0x3FAA]  }
0x29: {  	s4 =	sld [smem:$0x3FAC]  }
0x2a: {  	p0 =	seq.s32 s5, $0x0;
	s5 =	sld [smem:$0x3FAD]  }
0x2b: {  	s6 =	sld [smem:$0x3FAE]  }
0x2c: {  	s7 =	sld [smem:$0x3FAF]  }
0x2d: {  	s3 =	simm.s32 $0x108;
	s8 =	sld [smem:$0x3FB0]  }
0x2e: {  	s3 =	simm.s32 @!p0 $0x1082;
	s9 =	sld [smem:$0x3FB1]  }
0x2f: {  	lr =	sadd.s32 s0, s3;
	s0 =	sld [smem:$0x3FA8]  }
0x30: {  	s3 =	sld [smem:$0x3FAB]  }
0x31: {  	[smem:$0x3FB4] =	sst s10  }
0x32: {  	s10 =	sld [smem:$0x3FB2];
	_ =	sdelay $0x3  }
0x33: {  	p0 =	seq.s32 s10, $0x1;
	s10 =	sld [smem:$0x3FB4];
	_ =	sdelay $0x3  }
0x34: {  	[smem:$0x3FB4] =	sst s10  }
0x35: {  	s10 =	sld [smem:$0x3FB3];
	_ =	sdelay $0x3  }
0x36: {  	p1 =	seq.s32 s10, $0x1;
	s10 =	sld [smem:$0x3FB4];
	_ =	sdelay $0x3  }
0x37: {  	[smem:$0x3FB4] =	sst s10  }
0x38: {  	s10 =	sld [smem:$0x3FB5]  }
0x39: {  	_ = 	snop;
	(pc) =	sbr.ind lr, $3  }
0x3a: {  	_ = 	snop  }
0x3b: {  	_ = 	snop  }
0x3c: {  	p2 =	seq.s32 s10, $0x1;
	s10 =	sld [smem:$0x3FB4]  }
0x3d: {  	_ =	shalt  }
0x3e: {  	_ =	shalt  }
0x3f: {  	_ =	shalt  }
0x40: {  	_ =	shalt  }
0x41: {  	_ =	shalt  }
0x42: {  	_ =	shalt  }
0x43: {  	_ =	shalt  }
0x44: {  	_ =	shalt  }
0x45: {  	_ =	shalt  }
0x46: {  	_ =	shalt  }
0x47: {  	_ =	shalt  }
0x48: {  	_ =	shalt  }
0x49: {  	_ =	shalt  }
0x4a: {  	_ =	shalt  }
0x4b: {  	_ =	shalt  }
0x4c: {  	_ =	shalt  }
0x4d: {  	_ =	shalt  }
0x4e: {  	_ =	shalt  }
0x4f: {  	_ =	shalt  }
0x50: {  	_ =	shalt  }
0x51: {  	_ =	shalt  }
0x52: {  	_ =	shalt  }
0x53: {  	_ =	shalt  }
0x54: {  	_ =	shalt  }
0x55: {  	_ =	shalt  }
0x56: {  	_ =	shalt  }
0x57: {  	_ =	shalt  }
0x58: {  	_ =	shalt  }
0x59: {  	_ =	shalt  }
0x5a: {  	_ =	shalt  }
0x5b: {  	_ =	shalt  }
0x5c: {  	_ =	shalt  }
0x5d: {  	_ =	shalt  }
0x5e: {  	_ =	shalt  }
0x5f: {  	_ =	shalt  }
0x60: {  	_ =	shalt  }
0x61: {  	_ =	shalt  }
0x62: {  	_ =	shalt  }
0x63: {  	_ =	shalt  }
0x64: {  	_ =	shalt  }
0x65: {  	_ =	shalt  }
0x66: {  	_ =	shalt  }
0x67: {  	_ =	shalt  }
0x68: {  	_ =	shalt  }
0x69: {  	_ =	shalt  }
0x6a: {  	_ =	shalt  }
0x6b: {  	_ =	shalt  }
0x6c: {  	_ =	shalt  }
0x6d: {  	_ =	shalt  }
0x6e: {  	_ =	shalt  }
0x6f: {  	_ =	shalt  }
0x70: {  	_ =	shalt  }
0x71: {  	_ =	shalt  }
0x72: {  	_ =	shalt  }
0x73: {  	_ =	shalt  }
0x74: {  	_ =	shalt  }
0x75: {  	_ =	shalt  }
0x76: {  	_ =	shalt  }
0x77: {  	_ =	shalt  }
0x78: {  	_ =	shalt  }
0x79: {  	_ =	shalt  }
0x7a: {  	_ =	shalt  }
0x7b: {  	_ =	shalt  }
0x7c: {  	_ =	shalt  }
0x7d: {  	_ =	shalt  }
0x7e: {  	_ =	shalt  }
0x7f: {  	_ =	shalt  }
0x80: {  	_ =	shalt  }
0x81: {  	_ =	shalt  }
0x82: {  	_ =	shalt  }
0x83: {  	_ =	shalt  }
0x84: {  	_ =	shalt  }
0x85: {  	_ =	shalt  }
0x86: {  	_ =	shalt  }
0x87: {  	_ =	shalt  }
.Lfunc_end0:
.L_simem_size_0:
called_computation.1_lowered:
.L_overlay_start_0:
0x88: {  	s2 =	sld [smem:$0x3FD9]  }
0x89: {  	s3 =	sld [smem:$0x3FFE];
	_ =	sdelay $0x1  }
0x8a: {  	s1 =	srdreg.scid  }
0x8b: {  	s0 =	sand.u32 $0x1, s1  }
0x8c: {  	s17 =	sshll.u32 s0, $0xA;
	s2 =	sadd.s32 s3, s2  }
0x8d: {  	s2 =	sadd.s32 s2, s17  }
0x8e: {  	[smem:$0x3FC0] =	sst s2  }
0x8f: {  	_ = 	snop  }
0x90: {  	s2 =	sld [smem:$0x3FD0];
	(tm) =	ssettm $0x1  }
0x91: {  	s18 =	sld [smem:$0x3FFB];
	_ =	sdelay $0x3  }
0x92: {  	_ =	strace s18  }
0x93: {  	s3 =	sld [smem:$0x3FFC];
	_ =	sdelay $0x3  }
0x94: {  	_ =	strace s3  }
0x95: {  	s3 =	sld [smem:$0x3FFD];
	_ =	sdelay $0x3  }
0x96: {  	_ =	strace s3  }
0x97: {  	_ =	strace $0x8FFFFFFF  }
0x98: {  	s19 =	sld [smem:$0x3FDB];
	_ =	sdelay $0x1  }
0x99: {  	s4 =	simm.s32 $_scs_section_size  }
0x9a: {  	s5 =	simm.s32 $_size__tile_overlayer_lowered;
	s6 =	simm.s32 $_tile_overlayer_lowered  }
0x9b: {  	s22 =	simm.s32 $0x1BFF;
	s21 =	sshll.u32 s6, $0x1;
	s3 =	sadd.s32 s4, s19  }
0x9c: {  	s7 =	simm.s32 $0x0;
	s20 =	sshll.u32 s5, $0x1;
	s5 =	sadd.s32 s21, s3  }
0x9d: {  	[timem:s7], [sflag:s22] =	dma.local [hbm:s5], s20  }
0x9e: {  	_ =	swait.ge [sflag:s22], s20  }
0x9f: {  	s4 =	ssub.s32 $0x0, s20;
	[sflag:s22] =	ssyncset.done $0x0  }
0xa0: {  	[sflag:s22] =	ssyncadd.s32 s4;
	_ =	sdelay $0x1  }
0xa1: {  	s23 =	simm.s32 $0x1B8B  }
0xa2: {  	_ =	swait.ge [sflag:s23], $0x1  }
0xa3: {  	[sflag:s23] =	ssyncset.done $0x0  }
0xa4: {  	s25 =	simm.s32 $0x1B8E;
	s24 =	sld [smem:$0x3FFE];
	[sflag:s23] =	ssyncadd.s32 $0xFFFFFFFF  }
0xa5: {  	s26 =	simm.s32 $execute0_lowered;
	[smem:$0x3FD2] =	sst s25  }
0xa6: {  	s5 =	sshll.u32 s26, $0x1;
	_ =	strace $0x80000049;
	[dreg:$0x1] =	wrdreg $0xFFFFFFFF  }
0xa7: {  	s28 =	simm.s32 $_size_execute0_lowered;
	s3 =	sadd.s32 s3, s5;
	[dreg:$0x0] =	wrdreg $0x0  }
0xa8: {  	s5 =	sshll.u32 s28, $0x1;
	[dreg:$0x2] =	wrdreg s3  }
0xa9: {  	[dreg:$0x3] =	wrdreg s5  }
0xaa: {  	[dreg:$0x4] =	wrdreg $0xC0  }
0xab: {  	_ =	task [dreg:s7], $0x5FFFF  }
0xac: {  	[dreg:$0x1] =	wrdreg $0xFFFFFFFF  }
0xad: {  	[dreg:$0x0] =	wrdreg $0x60  }
0xae: {  	[dreg:$0x2] =	wrdreg s24  }
0xaf: {  	[dreg:$0x3] =	wrdreg s2  }
0xb0: {  	[dreg:$0x4] =	wrdreg $0xA8000  }
0xb1: {  	[dreg:$0x5] =	wrdreg $0x9  }
0xb2: {  	_ =	task.clear_ibuf [dreg:s7], $0x6FFFF;
	_ =	strace $0x90000049  }
0xb3: {  	s29 =	simm.s32 $0x9;
	_ =	strace $0x8000004B  }
0xb4: {  	_ =	swait.ge [sflag:s29], $0x1  }
0xb5: {  	[sflag:s29] =	ssyncadd.s32 $0xFFFFFFFF  }
0xb6: {  	_ =	strace $0x9000004B  }
0xb7: {  	_ =	sfence  }
0xb8: {  	s30 =	sld [smem:$0x0];
	_ =	sdelay $0x2  }
0xb9: {  	s31 =	sshll.u32 s1, $0xD;
	s1 =	sshrl.u32 s1, $0x2  }
0xba: {  	s3 =	sand.u32 $0x4000, s31;
	s1 =	sadd.s32 s1, s30  }
0xbb: {  	s0 =	sor.u32 s3, s0;
	s1 =	sshll.u32 s1, $0x11  }
0xbc: {  	s0 =	sor.u32 s1, s0  }
0xbd: {  	s0 =	sadd.s32 $0x8F2B, s0  }
0xbe: {  	[sflag:s0] =	ssyncadd.remote.s32 $0x1  }
0xbf: {  	_ =	sfence.sel $0xFFFF  }
0xc0: {  	[dreg:$0x0] =	wrdreg $0xFFFFFFFF;
	(pc) =	sbr.abs _section_cstart, $3  }
0xc1: {  	[dreg:$0x1] =	wrdreg $0xFFFFFFFF  }
0xc2: {  	_ =	task.clear_ibuf [dreg:s7], $0x2FFFF;
	_ =	strace $0x9FFFFFFF  }
0xc3: {  	(tm) =	ssettm $0x7FFFFFFF  }
tec
execute0_lowered:
.L_overlay_start_1:
0x0: {  	(tag) =	ssettag $0x1  }
0x1: {  	s0 =	rddreg [dreg:$0x0]  }
0x2: {  	s1 =	rddreg [dreg:$0x1]  }
0x3: {  	s2 =	rddreg [dreg:$0x2];
	s3 =	simm.s32 $0x0;
	s4 =	srdreg.scid  }
0x4: {  	s12 =	stileid.u32;
	s14 =	simm.s32 $0x5;
	s15 =	simm.s32 $0x1400  }
0x5: {  	s16 =	simm.s32 $0x40;
	s17 =	simm.s32 $0x2800;
	s18 =	simm.s32 $0x4800  }
0x6: {  	s19 =	simm.s32 $0x80;
	s20 =	simm.s32 $0x6800;
	s21 =	simm.s32 $0xC0  }
0x7: {  	s22 =	simm.s32 $0x8800;
	s28 =	simm.s32 $0x2700;
	s29 =	simm.s32 $0x2740  }
0x8: {  	s30 =	simm.s32 $0x2780;
	s31 =	simm.s32 $0x27C0;
	[smem:$0x7FF] =	sst s3  }
0x9: {  	s5 =	sand.u32 $0x1, s4;
	s6 =	smul.u32 $0x14000, s12;
	s4 =	sadd.s32 $0xD200, s0  }
0xa: {  	s10 =	sadd.s32 $0x3200, s0;
	s8 =	sadd.s32 $0x5D200, s0;
	s24 =	sshll.u32 s12, $0x6  }
0xb: {  	_ =	strace $0x8000004A;
	s7 =	smul.u32 $0x140000, s5;
	s23 =	sshll.u32 s5, $0x4  }
0xc: {  	[dreg:$0x4] =	wrdreg s8;
	s5 =	ssub.s32 $0x2, s5;
	s8 =	sor.u32 s12, s23  }
0xd: {  	s9 =	sshrl.u32 s5, $0x1;
	s13 =	sadd.s32 s6, s2;
	s23 =	simm.s32 $0x1  }
0xe: {  	s7 =	sadd.s32 s6, s7;
	s11 =	smul.u32 $0x2800, s8;
	s5 =	ssub.s32 s5, s9  }
0xf: {  	s8 =	smul.u32 $0x500, s8;
	s6 =	sor.u32 $0x1C05, s24;
	s13 =	sshrl.u32 s13, $0x3  }
0x10: {  	s24 =	simm.s32 $0x2;
	s7 =	sshrl.u32 s7, $0x3;
	s12 =	smax.u32 s5, $0x1  }
0x11: {  	s0 =	sadd.s32 s7, s0;
	s25 =	sshrl.u32 s11, $0x3;
	s26 =	sadd.s32 s1, s8  }
0x12: {  	s8 =	sadd.s32 s10, s8;
	[dreg:$0x5] =	wrdreg s26;
	s11 =	sadd.s32 $0x280, s25  }
0x13: {  	s25 =	simm.s32 $0x3;
	s26 =	simm.s32 $0x4;
	s9 =	sadd.s32 s1, s11  }
0x14: {  	s10 =	sadd.s32 s10, s11;
	s11 =	sadd.s32 $0x5FA00, s0;
	s0 =	simm.s32 $0x0  }
.LBB2_1:
0x15: {  	s1 =	rddreg [dreg:$0x4]  }
0x16: {  	[spmem:s13], [sflag:s6] =	dma.local [hbm:s1], $0x2800  }
0x17: {  	_ =	swait.ge [sflag:s14], $0x2800  }
0x18: {  	[sflag:s14] =	ssyncset.done $0x0  }
0x19: {  	[sflag:s14] =	ssyncadd.s32 $0xFFFFD800  }
0x1a: {  	[bflag:$0x0] =	sbarrier.arrive $0xFFFF  }
0x1b: {  	s5 =	rddreg [dreg:$0x5]  }
0x1c: {  	[tilespmem:s3], [sflag:$0x5] =	stream.linear.gather [hbm4b:s5+s3], $0x1400, $0x38;
	[tilespmem:$0x1E800] =	vst v63  }
0x1d: {  	_ =	swait.ge [sflag:s14], $0x1400  }
0x1e: {  	[sflag:s14] =	ssyncset.done $0x0  }
0x1f: {  	[sflag:s14] =	ssyncadd.s32 $0xFFFFEC00  }
0x20: {  	[tilespmem:s15], [sflag:$0x5] =	stream.linear.gather [hbm4b:s8+s3], $0x1400, $0x38;
	[tilespmem:$0x1E800] =	vst v63  }
0x21: {  	_ =	swait.ge [sflag:s14], $0x1400  }
0x22: {  	[sflag:s14] =	ssyncset.done $0x0  }
0x23: {  	[sflag:s14] =	ssyncadd.s32 $0xFFFFEC00  }
0x24: {  	[tilespmem:s17], [sflag:$0x1] =	stream.indirect.gather [hbm4b:s4+s16], $0x80, s3, s16, $0xb8;
	[tilespmem:$0x1E800] =	vst v63  }
0x25: {  	_ = 	snop  }
0x26: {  	[tilespmem:s18], [sflag:$0x2] =	stream.indirect.gather [hbm4b:s4+s16], $0x80, s16, s16, $0xb8;
	[tilespmem:$0x1E800] =	vst v63  }
0x27: {  	_ = 	snop  }
0x28: {  	[tilespmem:s20], [sflag:$0x3] =	stream.indirect.gather [hbm4b:s4+s16], $0x80, s19, s16, $0xb8;
	[tilespmem:$0x1E800] =	vst v63  }
0x29: {  	_ = 	snop  }
0x2a: {  	[tilespmem:s22], [sflag:$0x4] =	stream.indirect.gather [hbm4b:s4+s16], $0x80, s21, s16, $0xb8;
	[tilespmem:$0x1E800] =	vst v63  }
0x2b: {  	_ =	swait.ge [sflag:s23], $0x2000  }
0x2c: {  	[sflag:s23] =	ssyncset.done $0x0  }
0x2d: {  	s7 =	simm.s32 $0x1400;
	[sflag:s23] =	ssyncadd.s32 $0xFFFFE000  }
0x2e: {  	[spmem:s2] =	stream.indirect.scatter.add.f32 [tilespmem:s17], [sflag:$0x5], $0x80, s7, s16, $0xb8;
	[tilespmem:$0x1E800] =	vst v63  }
0x2f: {  	_ =	swait.ge [sflag:s14], $0x2000  }
0x30: {  	[sflag:s14] =	ssyncset.done $0x0  }
0x31: {  	s5 =	simm.s32 $0x100;
	[sflag:s14] =	ssyncadd.s32 $0xFFFFE000  }
0x32: {  	[tilespmem:s17], [sflag:$0x1] =	stream.indirect.gather [hbm4b:s4+s16], $0x80, s5, s16, $0xb8;
	[tilespmem:$0x1E800] =	vst v63  }
0x33: {  	_ =	swait.ge [sflag:s24], $0x2000  }
0x34: {  	[sflag:s24] =	ssyncset.done $0x0  }
0x35: {  	s7 =	simm.s32 $0x1440;
	[sflag:s24] =	ssyncadd.s32 $0xFFFFE000  }
0x36: {  	[spmem:s2] =	stream.indirect.scatter.add.f32 [tilespmem:s18], [sflag:$0x5], $0x80, s7, s16, $0xb8;
	[tilespmem:$0x1E800] =	vst v63  }
0x37: {  	_ =	swait.ge [sflag:s14], $0x2000  }
0x38: {  	[sflag:s14] =	ssyncset.done $0x0  }
0x39: {  	s5 =	simm.s32 $0x140;
	[sflag:s14] =	ssyncadd.s32 $0xFFFFE000  }
0x3a: {  	[tilespmem:s18], [sflag:$0x2] =	stream.indirect.gather [hbm4b:s4+s16], $0x80, s5, s16, $0xb8;
	[tilespmem:$0x1E800] =	vst v63  }
0x3b: {  	_ =	swait.ge [sflag:s25], $0x2000  }
0x3c: {  	[sflag:s25] =	ssyncset.done $0x0  }
0x3d: {  	s7 =	simm.s32 $0x1480;
	[sflag:s25] =	ssyncadd.s32 $0xFFFFE000  }
0x3e: {  	[spmem:s2] =	stream.indirect.scatter.add.f32 [tilespmem:s20], [sflag:$0x5], $0x80, s7, s16, $0xb8;
	[tilespmem:$0x1E800] =	vst v63  }
0x3f: {  	_ =	swait.ge [sflag:s14], $0x2000  }
0x40: {  	[sflag:s14] =	ssyncset.done $0x0  }
0x41: {  	s5 =	simm.s32 $0x180;
	[sflag:s14] =	ssyncadd.s32 $0xFFFFE000  }
0x42: {  	[tilespmem:s20], [sflag:$0x3] =	stream.indirect.gather [hbm4b:s4+s16], $0x80, s5, s16, $0xb8;
	[tilespmem:$0x1E800] =	vst v63  }
0x43: {  	_ =	swait.ge [sflag:s26], $0x2000  }
0x44: {  	[sflag:s26] =	ssyncset.done $0x0  }
0x45: {  	s7 =	simm.s32 $0x14C0;
	[sflag:s26] =	ssyncadd.s32 $0xFFFFE000  }
0x46: {  	[spmem:s2] =	stream.indirect.scatter.add.f32 [tilespmem:s22], [sflag:$0x5], $0x80, s7, s16, $0xb8;
	[tilespmem:$0x1E800] =	vst v63  }
0x47: {  	_ =	swait.ge [sflag:s14], $0x2000  }
0x48: {  	[sflag:s14] =	ssyncset.done $0x0  }
0x49: {  	s1 =	simm.s32 $0x400;
	s5 =	simm.s32 $0x1C0;
	[sflag:s14] =	ssyncadd.s32 $0xFFFFE000  }
.LBB2_2:
0x4a: {  	[tilespmem:s22], [sflag:$0x4] =	stream.indirect.gather [hbm4b:s4+s16], $0x80, s5, s16, $0xb8;
	[tilespmem:$0x1E800] =	vst v63  }
0x4b: {  	s5 =	smov.u32 s1  }
0x4c: {  	p0 =	sne.s32 s1, $0x4800;
	s1 =	sadd.s32 $0x400, s1;
	_ =	swait.ge [sflag:s23], $0x2000  }
0x4d: {  	s5 =	sshra.s32 s5, $0x2;
	[sflag:s23] =	ssyncset.done $0x0  }
0x4e: {  	s7 =	sadd.s32 $0x1400, s5;
	[sflag:s23] =	ssyncadd.s32 $0xFFFFE000  }
0x4f: {  	[spmem:s2] =	stream.indirect.scatter.add.f32 [tilespmem:s17], [sflag:$0x5], $0x80, s7, s16, $0xb8;
	[tilespmem:$0x1E800] =	vst v63  }
0x50: {  	_ =	swait.ge [sflag:s14], $0x2000  }
0x51: {  	[sflag:s14] =	ssyncset.done $0x0  }
0x52: {  	s7 =	sadd.s32 $0x100, s5;
	[sflag:s14] =	ssyncadd.s32 $0xFFFFE000  }
0x53: {  	[tilespmem:s17], [sflag:$0x1] =	stream.indirect.gather [hbm4b:s4+s16], $0x80, s7, s16, $0xb8;
	[tilespmem:$0x1E800] =	vst v63  }
0x54: {  	_ =	swait.ge [sflag:s24], $0x2000  }
0x55: {  	[sflag:s24] =	ssyncset.done $0x0  }
0x56: {  	s7 =	sadd.s32 $0x1440, s5;
	[sflag:s24] =	ssyncadd.s32 $0xFFFFE000  }
0x57: {  	[spmem:s2] =	stream.indirect.scatter.add.f32 [tilespmem:s18], [sflag:$0x5], $0x80, s7, s16, $0xb8;
	[tilespmem:$0x1E800] =	vst v63  }
0x58: {  	_ =	swait.ge [sflag:s14], $0x2000  }
0x59: {  	[sflag:s14] =	ssyncset.done $0x0  }
0x5a: {  	s7 =	sadd.s32 $0x140, s5;
	[sflag:s14] =	ssyncadd.s32 $0xFFFFE000  }
0x5b: {  	[tilespmem:s18], [sflag:$0x2] =	stream.indirect.gather [hbm4b:s4+s16], $0x80, s7, s16, $0xb8;
	[tilespmem:$0x1E800] =	vst v63  }
0x5c: {  	_ =	swait.ge [sflag:s25], $0x2000  }
0x5d: {  	[sflag:s25] =	ssyncset.done $0x0  }
0x5e: {  	s7 =	sadd.s32 $0x1480, s5;
	[sflag:s25] =	ssyncadd.s32 $0xFFFFE000  }
0x5f: {  	[spmem:s2] =	stream.indirect.scatter.add.f32 [tilespmem:s20], [sflag:$0x5], $0x80, s7, s16, $0xb8;
	[tilespmem:$0x1E800] =	vst v63  }
0x60: {  	_ =	swait.ge [sflag:s14], $0x2000  }
0x61: {  	[sflag:s14] =	ssyncset.done $0x0  }
0x62: {  	s7 =	sadd.s32 $0x180, s5;
	[sflag:s14] =	ssyncadd.s32 $0xFFFFE000  }
0x63: {  	[tilespmem:s20], [sflag:$0x3] =	stream.indirect.gather [hbm4b:s4+s16], $0x80, s7, s16, $0xb8;
	[tilespmem:$0x1E800] =	vst v63  }
0x64: {  	_ =	swait.ge [sflag:s26], $0x2000  }
0x65: {  	[sflag:s26] =	ssyncset.done $0x0  }
.Ltmp0:
0x66: {  	s7 =	sadd.s32 $0x14C0, s5;
	[sflag:s26] =	ssyncadd.s32 $0xFFFFE000;
	(pc) =	sbr.rel @p0 .LBB2_2-.Ltmp0, $4  }
0x67: {  	[spmem:s2] =	stream.indirect.scatter.add.f32 [tilespmem:s22], [sflag:$0x5], $0x80, s7, s16, $0xb8;
	[tilespmem:$0x1E800] =	vst v63  }
0x68: {  	_ =	swait.ge [sflag:s14], $0x2000  }
0x69: {  	[sflag:s14] =	ssyncset.done $0x0  }
0x6a: {  	s5 =	sadd.s32 $0x1C0, s5;
	[sflag:s14] =	ssyncadd.s32 $0xFFFFE000  }
0x6b: {  	[tilespmem:s22], [sflag:$0x4] =	stream.indirect.gather [hbm4b:s4+s16], $0x80, s5, s16, $0xb8;
	[tilespmem:$0x1E800] =	vst v63  }
0x6c: {  	_ =	swait.ge [sflag:s23], $0x2000  }
0x6d: {  	[sflag:s23] =	ssyncset.done $0x0  }
0x6e: {  	[sflag:s23] =	ssyncadd.s32 $0xFFFFE000  }
0x6f: {  	[spmem:s2] =	stream.indirect.scatter.add.f32 [tilespmem:s17], [sflag:$0x5], $0x80, s28, s16, $0xb8;
	[tilespmem:$0x1E800] =	vst v63  }
0x70: {  	_ =	swait.ge [sflag:s14], $0x2000  }
0x71: {  	[sflag:s14] =	ssyncset.done $0x0  }
0x72: {  	[sflag:s14] =	ssyncadd.s32 $0xFFFFE000  }
0x73: {  	_ =	swait.ge [sflag:s24], $0x2000  }
0x74: {  	[sflag:s24] =	ssyncset.done $0x0  }
0x75: {  	[sflag:s24] =	ssyncadd.s32 $0xFFFFE000  }
0x76: {  	[spmem:s2] =	stream.indirect.scatter.add.f32 [tilespmem:s18], [sflag:$0x5], $0x80, s29, s16, $0xb8;
	[tilespmem:$0x1E800] =	vst v63  }
0x77: {  	_ =	swait.ge [sflag:s14], $0x2000  }
0x78: {  	[sflag:s14] =	ssyncset.done $0x0  }
0x79: {  	[sflag:s14] =	ssyncadd.s32 $0xFFFFE000  }
0x7a: {  	_ =	swait.ge [sflag:s25], $0x2000  }
0x7b: {  	[sflag:s25] =	ssyncset.done $0x0  }
0x7c: {  	[sflag:s25] =	ssyncadd.s32 $0xFFFFE000  }
0x7d: {  	[spmem:s2] =	stream.indirect.scatter.add.f32 [tilespmem:s20], [sflag:$0x5], $0x80, s30, s16, $0xb8;
	[tilespmem:$0x1E800] =	vst v63  }
0x7e: {  	_ =	swait.ge [sflag:s14], $0x2000  }
0x7f: {  	[sflag:s14] =	ssyncset.done $0x0  }
0x80: {  	[sflag:s14] =	ssyncadd.s32 $0xFFFFE000  }
0x81: {  	_ =	swait.ge [sflag:s26], $0x2000  }
0x82: {  	[sflag:s26] =	ssyncset.done $0x0  }
0x83: {  	[sflag:s26] =	ssyncadd.s32 $0xFFFFE000  }
0x84: {  	[spmem:s2] =	stream.indirect.scatter.add.f32 [tilespmem:s22], [sflag:$0x5], $0x80, s31, s16, $0xb8;
	[tilespmem:$0x1E800] =	vst v63  }
0x85: {  	_ =	swait.ge [sflag:s14], $0x2000  }
0x86: {  	[sflag:s14] =	ssyncset.done $0x0  }
0x87: {  	s1 =	simm.s32 $0x0;
	[sflag:s14] =	ssyncadd.s32 $0xFFFFE000  }
0x88: {  	[tilespmem:s1], [sflag:$0x5] =	stream.linear.gather [hbm4b:s9+s1], $0x1400, $0x38;
	[tilespmem:$0x1E800] =	vst v63  }
0x89: {  	_ =	swait.ge [sflag:s14], $0x1400  }
0x8a: {  	[sflag:s14] =	ssyncset.done $0x0  }
0x8b: {  	[sflag:s14] =	ssyncadd.s32 $0xFFFFEC00  }
0x8c: {  	[tilespmem:s15], [sflag:$0x5] =	stream.linear.gather [hbm4b:s10+s1], $0x1400, $0x38;
	[tilespmem:$0x1E800] =	vst v63  }
0x8d: {  	_ =	swait.ge [sflag:s14], $0x1400  }
0x8e: {  	[sflag:s14] =	ssyncset.done $0x0  }
0x8f: {  	[sflag:s14] =	ssyncadd.s32 $0xFFFFEC00  }
0x90: {  	[tilespmem:s17], [sflag:$0x1] =	stream.indirect.gather [hbm4b:s4+s16], $0x80, s1, s16, $0xb8;
	[tilespmem:$0x1E800] =	vst v63  }
0x91: {  	_ = 	snop  }
0x92: {  	[tilespmem:s18], [sflag:$0x2] =	stream.indirect.gather [hbm4b:s4+s16], $0x80, s16, s16, $0xb8;
	[tilespmem:$0x1E800] =	vst v63  }
0x93: {  	_ = 	snop  }
0x94: {  	[tilespmem:s20], [sflag:$0x3] =	stream.indirect.gather [hbm4b:s4+s16], $0x80, s19, s16, $0xb8;
	[tilespmem:$0x1E800] =	vst v63  }
0x95: {  	_ = 	snop  }
0x96: {  	[tilespmem:s22], [sflag:$0x4] =	stream.indirect.gather [hbm4b:s4+s16], $0x80, s21, s16, $0xb8;
	[tilespmem:$0x1E800] =	vst v63  }
0x97: {  	_ =	swait.ge [sflag:s23], $0x2000  }
0x98: {  	[sflag:s23] =	ssyncset.done $0x0  }
0x99: {  	s7 =	simm.s32 $0x1400;
	[sflag:s23] =	ssyncadd.s32 $0xFFFFE000  }
0x9a: {  	[spmem:s2] =	stream.indirect.scatter.add.f32 [tilespmem:s17], [sflag:$0x5], $0x80, s7, s16, $0xb8;
	[tilespmem:$0x1E800] =	vst v63  }
0x9b: {  	_ =	swait.ge [sflag:s14], $0x2000  }
0x9c: {  	[sflag:s14] =	ssyncset.done $0x0  }
0x9d: {  	s5 =	simm.s32 $0x100;
	[sflag:s14] =	ssyncadd.s32 $0xFFFFE000  }
0x9e: {  	[tilespmem:s17], [sflag:$0x1] =	stream.indirect.gather [hbm4b:s4+s16], $0x80, s5, s16, $0xb8;
	[tilespmem:$0x1E800] =	vst v63  }
0x9f: {  	_ =	swait.ge [sflag:s24], $0x2000  }
0xa0: {  	[sflag:s24] =	ssyncset.done $0x0  }
0xa1: {  	s7 =	simm.s32 $0x1440;
	[sflag:s24] =	ssyncadd.s32 $0xFFFFE000  }
0xa2: {  	[spmem:s2] =	stream.indirect.scatter.add.f32 [tilespmem:s18], [sflag:$0x5], $0x80, s7, s16, $0xb8;
	[tilespmem:$0x1E800] =	vst v63  }
0xa3: {  	_ =	swait.ge [sflag:s14], $0x2000  }
0xa4: {  	[sflag:s14] =	ssyncset.done $0x0  }
0xa5: {  	s5 =	simm.s32 $0x140;
	[sflag:s14] =	ssyncadd.s32 $0xFFFFE000  }
0xa6: {  	[tilespmem:s18], [sflag:$0x2] =	stream.indirect.gather [hbm4b:s4+s16], $0x80, s5, s16, $0xb8;
	[tilespmem:$0x1E800] =	vst v63  }
0xa7: {  	_ =	swait.ge [sflag:s25], $0x2000  }
0xa8: {  	[sflag:s25] =	ssyncset.done $0x0  }
0xa9: {  	s7 =	simm.s32 $0x1480;
	[sflag:s25] =	ssyncadd.s32 $0xFFFFE000  }
0xaa: {  	[spmem:s2] =	stream.indirect.scatter.add.f32 [tilespmem:s20], [sflag:$0x5], $0x80, s7, s16, $0xb8;
	[tilespmem:$0x1E800] =	vst v63  }
0xab: {  	_ =	swait.ge [sflag:s14], $0x2000  }
0xac: {  	[sflag:s14] =	ssyncset.done $0x0  }
0xad: {  	s5 =	simm.s32 $0x180;
	[sflag:s14] =	ssyncadd.s32 $0xFFFFE000  }
0xae: {  	[tilespmem:s20], [sflag:$0x3] =	stream.indirect.gather [hbm4b:s4+s16], $0x80, s5, s16, $0xb8;
	[tilespmem:$0x1E800] =	vst v63  }
0xaf: {  	_ =	swait.ge [sflag:s26], $0x2000  }
0xb0: {  	[sflag:s26] =	ssyncset.done $0x0  }
0xb1: {  	s7 =	simm.s32 $0x14C0;
	[sflag:s26] =	ssyncadd.s32 $0xFFFFE000  }
0xb2: {  	[spmem:s2] =	stream.indirect.scatter.add.f32 [tilespmem:s22], [sflag:$0x5], $0x80, s7, s16, $0xb8;
	[tilespmem:$0x1E800] =	vst v63  }
0xb3: {  	_ =	swait.ge [sflag:s14], $0x2000  }
0xb4: {  	[sflag:s14] =	ssyncset.done $0x0  }
0xb5: {  	s1 =	simm.s32 $0x400;
	s5 =	simm.s32 $0x1C0;
	[sflag:s14] =	ssyncadd.s32 $0xFFFFE000  }
.LBB2_4:
0xb6: {  	[tilespmem:s22], [sflag:$0x4] =	stream.indirect.gather [hbm4b:s4+s16], $0x80, s5, s16, $0xb8;
	[tilespmem:$0x1E800] =	vst v63  }
0xb7: {  	s5 =	smov.u32 s1  }
0xb8: {  	p0 =	sne.s32 s1, $0x4800;
	s1 =	sadd.s32 $0x400, s1;
	_ =	swait.ge [sflag:s23], $0x2000  }
0xb9: {  	s5 =	sshra.s32 s5, $0x2;
	[sflag:s23] =	ssyncset.done $0x0  }
0xba: {  	s7 =	sadd.s32 $0x1400, s5;
	[sflag:s23] =	ssyncadd.s32 $0xFFFFE000  }
0xbb: {  	[spmem:s2] =	stream.indirect.scatter.add.f32 [tilespmem:s17], [sflag:$0x5], $0x80, s7, s16, $0xb8;
	[tilespmem:$0x1E800] =	vst v63  }
0xbc: {  	_ =	swait.ge [sflag:s14], $0x2000  }
0xbd: {  	[sflag:s14] =	ssyncset.done $0x0  }
0xbe: {  	s7 =	sadd.s32 $0x100, s5;
	[sflag:s14] =	ssyncadd.s32 $0xFFFFE000  }
0xbf: {  	[tilespmem:s17], [sflag:$0x1] =	stream.indirect.gather [hbm4b:s4+s16], $0x80, s7, s16, $0xb8;
	[tilespmem:$0x1E800] =	vst v63  }
0xc0: {  	_ =	swait.ge [sflag:s24], $0x2000  }
0xc1: {  	[sflag:s24] =	ssyncset.done $0x0  }
0xc2: {  	s7 =	sadd.s32 $0x1440, s5;
	[sflag:s24] =	ssyncadd.s32 $0xFFFFE000  }
0xc3: {  	[spmem:s2] =	stream.indirect.scatter.add.f32 [tilespmem:s18], [sflag:$0x5], $0x80, s7, s16, $0xb8;
	[tilespmem:$0x1E800] =	vst v63  }
0xc4: {  	_ =	swait.ge [sflag:s14], $0x2000  }
0xc5: {  	[sflag:s14] =	ssyncset.done $0x0  }
0xc6: {  	s7 =	sadd.s32 $0x140, s5;
	[sflag:s14] =	ssyncadd.s32 $0xFFFFE000  }
0xc7: {  	[tilespmem:s18], [sflag:$0x2] =	stream.indirect.gather [hbm4b:s4+s16], $0x80, s7, s16, $0xb8;
	[tilespmem:$0x1E800] =	vst v63  }
0xc8: {  	_ =	swait.ge [sflag:s25], $0x2000  }
0xc9: {  	[sflag:s25] =	ssyncset.done $0x0  }
0xca: {  	s7 =	sadd.s32 $0x1480, s5;
	[sflag:s25] =	ssyncadd.s32 $0xFFFFE000  }
0xcb: {  	[spmem:s2] =	stream.indirect.scatter.add.f32 [tilespmem:s20], [sflag:$0x5], $0x80, s7, s16, $0xb8;
	[tilespmem:$0x1E800] =	vst v63  }
0xcc: {  	_ =	swait.ge [sflag:s14], $0x2000  }
0xcd: {  	[sflag:s14] =	ssyncset.done $0x0  }
0xce: {  	s7 =	sadd.s32 $0x180, s5;
	[sflag:s14] =	ssyncadd.s32 $0xFFFFE000  }
0xcf: {  	[tilespmem:s20], [sflag:$0x3] =	stream.indirect.gather [hbm4b:s4+s16], $0x80, s7, s16, $0xb8;
	[tilespmem:$0x1E800] =	vst v63  }
0xd0: {  	_ =	swait.ge [sflag:s26], $0x2000  }
0xd1: {  	[sflag:s26] =	ssyncset.done $0x0  }
.Ltmp1:
0xd2: {  	s7 =	sadd.s32 $0x14C0, s5;
	[sflag:s26] =	ssyncadd.s32 $0xFFFFE000;
	(pc) =	sbr.rel @p0 .LBB2_4-.Ltmp1, $4  }
0xd3: {  	[spmem:s2] =	stream.indirect.scatter.add.f32 [tilespmem:s22], [sflag:$0x5], $0x80, s7, s16, $0xb8;
	[tilespmem:$0x1E800] =	vst v63  }
0xd4: {  	_ =	swait.ge [sflag:s14], $0x2000  }
0xd5: {  	[sflag:s14] =	ssyncset.done $0x0  }
0xd6: {  	s5 =	sadd.s32 $0x1C0, s5;
	[sflag:s14] =	ssyncadd.s32 $0xFFFFE000  }
0xd7: {  	[tilespmem:s22], [sflag:$0x4] =	stream.indirect.gather [hbm4b:s4+s16], $0x80, s5, s16, $0xb8;
	[tilespmem:$0x1E800] =	vst v63  }
0xd8: {  	_ =	swait.ge [sflag:s23], $0x2000  }
0xd9: {  	[sflag:s23] =	ssyncset.done $0x0  }
0xda: {  	[sflag:s23] =	ssyncadd.s32 $0xFFFFE000  }
0xdb: {  	[spmem:s2] =	stream.indirect.scatter.add.f32 [tilespmem:s17], [sflag:$0x5], $0x80, s28, s16, $0xb8;
	[tilespmem:$0x1E800] =	vst v63  }
0xdc: {  	_ =	swait.ge [sflag:s14], $0x2000  }
0xdd: {  	[sflag:s14] =	ssyncset.done $0x0  }
0xde: {  	[sflag:s14] =	ssyncadd.s32 $0xFFFFE000  }
0xdf: {  	_ =	swait.ge [sflag:s24], $0x2000  }
0xe0: {  	[sflag:s24] =	ssyncset.done $0x0  }
0xe1: {  	[sflag:s24] =	ssyncadd.s32 $0xFFFFE000  }
0xe2: {  	[spmem:s2] =	stream.indirect.scatter.add.f32 [tilespmem:s18], [sflag:$0x5], $0x80, s29, s16, $0xb8;
	[tilespmem:$0x1E800] =	vst v63  }
0xe3: {  	_ =	swait.ge [sflag:s14], $0x2000  }
0xe4: {  	[sflag:s14] =	ssyncset.done $0x0  }
0xe5: {  	[sflag:s14] =	ssyncadd.s32 $0xFFFFE000  }
0xe6: {  	_ =	swait.ge [sflag:s25], $0x2000  }
0xe7: {  	[sflag:s25] =	ssyncset.done $0x0  }
0xe8: {  	[sflag:s25] =	ssyncadd.s32 $0xFFFFE000  }
0xe9: {  	[spmem:s2] =	stream.indirect.scatter.add.f32 [tilespmem:s20], [sflag:$0x5], $0x80, s30, s16, $0xb8;
	[tilespmem:$0x1E800] =	vst v63  }
0xea: {  	_ =	swait.ge [sflag:s14], $0x2000  }
0xeb: {  	[sflag:s14] =	ssyncset.done $0x0  }
0xec: {  	[sflag:s14] =	ssyncadd.s32 $0xFFFFE000  }
0xed: {  	_ =	swait.ge [sflag:s26], $0x2000  }
0xee: {  	[sflag:s26] =	ssyncset.done $0x0  }
0xef: {  	[sflag:s26] =	ssyncadd.s32 $0xFFFFE000  }
0xf0: {  	[spmem:s2] =	stream.indirect.scatter.add.f32 [tilespmem:s22], [sflag:$0x5], $0x80, s31, s16, $0xb8;
	[tilespmem:$0x1E800] =	vst v63  }
0xf1: {  	_ =	swait.ge [sflag:s14], $0x2000  }
0xf2: {  	s0 =	sadd.s32 $0x1, s0;
	[sflag:s14] =	ssyncset.done $0x0  }
0xf3: {  	p0 =	sne.s32 s0, s12;
	[sflag:s14] =	ssyncadd.s32 $0xFFFFE000  }
.Ltmp2:
0xf4: {  	[bflag:$0x0] =	sbarrier.arrive $0xFFFF;
	(pc) =	sbr.rel @p0 .LBB2_1-.Ltmp2, $4  }
0xf5: {  	[hbm:s11], [sflag:s6] =	dma.local [spmem:s13], $0x2800  }
0xf6: {  	_ =	swait.ge [sflag:s14], $0x2800  }
0xf7: {  	[sflag:s14] =	ssyncset.done $0x0  }
0xf8: {  	[sflag:s14] =	ssyncadd.s32 $0xFFFFD800  }
0xf9: {  	_ =	sfence.sel $0x180000  }
0xfa: {  	[bflag:$0x0] =	sbarrier.arrive $0xFFFF  }
0xfb: {  	_ =	strace $0x9000004A  }
0xfc: {  	s0 =	stileid.u32;
	[bflag:$0x2] =	sbarrier.arrive $0xFFFF  }
0xfd: {  	p0 =	sne.s32 s0, $0x0;
	s0 =	rddreg [dreg:$0x3]  }
0xfe: {  	s0 =	sadd.s32 @!p0 $0x100000, s0  }
0xff: {  	[sflag:s0] =	ssyncadd.tile.s32 @!p0 $0x1;
	_ =	shalt  }
.Lfunc_end2:
_tile_overlayer_lowered:
.L_overlay_start_2:
0x100: {  	(tag) =	ssettag $0x2  }
0x101: {  	s0 =	rddreg [dreg:$0x0];
	s2 =	stileid.u32  }
0x102: {  	s1 =	rddreg [dreg:$0x1];
	p0 =	sne.s32 s2, $0x0  }
0x103: {  	s3 =	rddreg [dreg:$0x2];
	[bflag:$0x3] =	sbarrier.arrive $0xFFFF;
	s2 =	simm.s32 @!p0 $0x1C05  }
0x104: {  	[timem:s3], [sflag:s2] =	dma.local @!p0 [hbm:s0], s1  }
0x105: {  	s0 =	simm.s32 @!p0 $0x5  }
0x106: {  	_ =	swait.ge @!p0 [sflag:s0], s1  }
0x107: {  	s1 =	ssub.s32 @!p0 $0x0, s1;
	[sflag:s0] =	ssyncset.done @!p0 $0x0  }
0x108: {  	[sflag:s0] =	ssyncadd.s32 @!p0 s1  }
0x109: {  	[bflag:$0x3] =	sbarrier.arrive $0xFFFF  }
0x10a: {  	_ =	shalt  }

// kernel: kernel.17.cloned.1.call-start
scs
__scs_entry_jumppad:
0x0: {  	(pc) =	sbr.rel $0x88, $3  }
0x1: {  	(tag) =	ssettag $0x0;
	lr =	simm.s32 $0x1  }
0x2: {  	[smem:$0x3F99] =	sst lr;
	_ =	strace $0xD0000000  }
0x3: {  	_ = 	snop  }
0x4: {  	_ = 	snop  }
0x5: {  	_ = 	snop  }
0x6: {  	_ = 	snop  }
0x7: {  	_ = 	snop  }
__scs_overlays_trampoline_lowered:
0x8: {  	[smem:$0x3FA8] =	sst s0  }
0x9: {  	[smem:$0x3FA9] =	sst s1  }
0xa: {  	[smem:$0x3FAA] =	sst s2  }
0xb: {  	[smem:$0x3FAB] =	sst s3  }
0xc: {  	[smem:$0x3FAC] =	sst s4  }
0xd: {  	[smem:$0x3FAD] =	sst s5  }
0xe: {  	[smem:$0x3FAE] =	sst s6  }
0xf: {  	[smem:$0x3FAF] =	sst s7  }
0x10: {  	[smem:$0x3FB0] =	sst s8  }
0x11: {  	[smem:$0x3FB1] =	sst s9;
	s0 =	simm.s32 @!p0 $0x0  }
0x12: {  	s1 =	sld [smem:$0x3F97];
	s0 =	simm.s32 @p0 $0x1  }
0x13: {  	[smem:$0x3FB2] =	sst s0;
	s0 =	simm.s32 @!p1 $0x0  }
0x14: {  	s2 =	sld [smem:$0x3F96];
	s0 =	simm.s32 @p1 $0x1  }
0x15: {  	[smem:$0x3FB3] =	sst s0;
	s0 =	simm.s32 @!p2 $0x0  }
0x16: {  	s3 =	sld [smem:$0x3FDB];
	s0 =	simm.s32 @p2 $0x1  }
0x17: {  	s4 =	simm.s32 $0x1BF5;
	[smem:$0x3FB5] =	sst s0  }
0x18: {  	s0 =	sld [smem:$0x3F98];
	_ =	swait.ge [sflag:s4], $0x0  }
0x19: {  	s7 =	sld [smem:$0x3F99]  }
0x1a: {  	s8 =	sadd.s32 $0xFFFFE003, lr  }
0x1b: {  	s9 =	sadd.s32 $0xFFFFFEF7, lr;
	s5 =	simm.s32 $0xFFFFFFFF;
	p2 =	slt.u32 s8, $0xFFFFF086  }
0x1c: {  	p1 =	slt.u32 s9, $0xF7A;
	s5 =	simm.s32 @!p2 $0x0  }
0x1d: {  	s5 =	simm.s32 @p1 $0x1;
	p0 =	seq.s32 s7, s2  }
0x1e: {  	s7 =	smul.u32 @!p0 $0xF7A, s2;
	p2 =	seq.s32 @!p0 s5, $0x0  }
0x1f: {  	s9 =	smul.u32 $0xF7A, s1;
	s8 =	simm.s32 @!p0 $0x1BF5;
	p2 =	por !p2, p0  }
0x20: {  	[sflag:s8] =	ssyncset.s32 @!p0 $0xFFFFF086;
	s6 =	sadd.s32 @!p0 s3, s7;
	s7 =	simm.s32 @!p0 $0x108  }
0x21: {  	s3 =	sadd.s32 s3, s9;
	s6 =	sadd.s32 @!p0 $0x88, s6;
	s7 =	simm.s32 @p2 $0x1082  }
0x22: {  	[simem:s7], [sflag:s8] =	dma.local @!p0 [hbm:s6], $0xF7A  }
0x23: {  	s9 =	sor.u32 $0xD0000000, s2;
	s6 =	simm.s32 $0x108;
	_ =	swait.ge @!p0 [sflag:s8], $0x0  }
0x24: {  	s3 =	sadd.s32 $0x88, s3;
	s6 =	simm.s32 @!p1 $0x1082;
	[sflag:s4] =	ssyncset.s32 $0xFFFFF086  }
0x25: {  	[simem:s6], [sflag:s4] =	dma.local [hbm:s3], $0xF7A  }
0x26: {  	[smem:$0x3F99] =	sst s1;
	(tag) =	ssettag s2;
	_ =	strace s9  }
0x27: {  	s1 =	sld [smem:$0x3FA9]  }
0x28: {  	s2 =	sld [smem:$0x3FAA]  }
0x29: {  	s4 =	sld [smem:$0x3FAC]  }
0x2a: {  	p0 =	seq.s32 s5, $0x0;
	s5 =	sld [smem:$0x3FAD]  }
0x2b: {  	s6 =	sld [smem:$0x3FAE]  }
0x2c: {  	s7 =	sld [smem:$0x3FAF]  }
0x2d: {  	s3 =	simm.s32 $0x108;
	s8 =	sld [smem:$0x3FB0]  }
0x2e: {  	s3 =	simm.s32 @!p0 $0x1082;
	s9 =	sld [smem:$0x3FB1]  }
0x2f: {  	lr =	sadd.s32 s0, s3;
	s0 =	sld [smem:$0x3FA8]  }
0x30: {  	s3 =	sld [smem:$0x3FAB]  }
0x31: {  	[smem:$0x3FB4] =	sst s10  }
0x32: {  	s10 =	sld [smem:$0x3FB2];
	_ =	sdelay $0x3  }
0x33: {  	p0 =	seq.s32 s10, $0x1;
	s10 =	sld [smem:$0x3FB4];
	_ =	sdelay $0x3  }
0x34: {  	[smem:$0x3FB4] =	sst s10  }
0x35: {  	s10 =	sld [smem:$0x3FB3];
	_ =	sdelay $0x3  }
0x36: {  	p1 =	seq.s32 s10, $0x1;
	s10 =	sld [smem:$0x3FB4];
	_ =	sdelay $0x3  }
0x37: {  	[smem:$0x3FB4] =	sst s10  }
0x38: {  	s10 =	sld [smem:$0x3FB5]  }
0x39: {  	_ = 	snop;
	(pc) =	sbr.ind lr, $3  }
0x3a: {  	_ = 	snop  }
0x3b: {  	_ = 	snop  }
0x3c: {  	p2 =	seq.s32 s10, $0x1;
	s10 =	sld [smem:$0x3FB4]  }
0x3d: {  	_ =	shalt  }
0x3e: {  	_ =	shalt  }
0x3f: {  	_ =	shalt  }
0x40: {  	_ =	shalt  }
0x41: {  	_ =	shalt  }
0x42: {  	_ =	shalt  }
0x43: {  	_ =	shalt  }
0x44: {  	_ =	shalt  }
0x45: {  	_ =	shalt  }
0x46: {  	_ =	shalt  }
0x47: {  	_ =	shalt  }
0x48: {  	_ =	shalt  }
0x49: {  	_ =	shalt  }
0x4a: {  	_ =	shalt  }
0x4b: {  	_ =	shalt  }
0x4c: {  	_ =	shalt  }
0x4d: {  	_ =	shalt  }
0x4e: {  	_ =	shalt  }
0x4f: {  	_ =	shalt  }
0x50: {  	_ =	shalt  }
0x51: {  	_ =	shalt  }
0x52: {  	_ =	shalt  }
0x53: {  	_ =	shalt  }
0x54: {  	_ =	shalt  }
0x55: {  	_ =	shalt  }
0x56: {  	_ =	shalt  }
0x57: {  	_ =	shalt  }
0x58: {  	_ =	shalt  }
0x59: {  	_ =	shalt  }
0x5a: {  	_ =	shalt  }
0x5b: {  	_ =	shalt  }
0x5c: {  	_ =	shalt  }
0x5d: {  	_ =	shalt  }
0x5e: {  	_ =	shalt  }
0x5f: {  	_ =	shalt  }
0x60: {  	_ =	shalt  }
0x61: {  	_ =	shalt  }
0x62: {  	_ =	shalt  }
0x63: {  	_ =	shalt  }
0x64: {  	_ =	shalt  }
0x65: {  	_ =	shalt  }
0x66: {  	_ =	shalt  }
0x67: {  	_ =	shalt  }
0x68: {  	_ =	shalt  }
0x69: {  	_ =	shalt  }
0x6a: {  	_ =	shalt  }
0x6b: {  	_ =	shalt  }
0x6c: {  	_ =	shalt  }
0x6d: {  	_ =	shalt  }
0x6e: {  	_ =	shalt  }
0x6f: {  	_ =	shalt  }
0x70: {  	_ =	shalt  }
0x71: {  	_ =	shalt  }
0x72: {  	_ =	shalt  }
0x73: {  	_ =	shalt  }
0x74: {  	_ =	shalt  }
0x75: {  	_ =	shalt  }
0x76: {  	_ =	shalt  }
0x77: {  	_ =	shalt  }
0x78: {  	_ =	shalt  }
0x79: {  	_ =	shalt  }
0x7a: {  	_ =	shalt  }
0x7b: {  	_ =	shalt  }
0x7c: {  	_ =	shalt  }
0x7d: {  	_ =	shalt  }
0x7e: {  	_ =	shalt  }
0x7f: {  	_ =	shalt  }
0x80: {  	_ =	shalt  }
0x81: {  	_ =	shalt  }
0x82: {  	_ =	shalt  }
0x83: {  	_ =	shalt  }
0x84: {  	_ =	shalt  }
0x85: {  	_ =	shalt  }
0x86: {  	_ =	shalt  }
0x87: {  	_ =	shalt  }
.Lfunc_end0:
.L_simem_size_0:
called_computation.2_lowered:
.L_overlay_start_0:
0x88: {  	s2 =	sld [smem:$0x3FD9]  }
0x89: {  	s3 =	sld [smem:$0x3FFE];
	_ =	sdelay $0x1  }
0x8a: {  	s1 =	srdreg.scid  }
0x8b: {  	s0 =	sand.u32 $0x1, s1  }
0x8c: {  	s17 =	sshll.u32 s0, $0xA;
	s2 =	sadd.s32 s3, s2  }
0x8d: {  	s2 =	sadd.s32 s2, s17  }
0x8e: {  	[smem:$0x3FC0] =	sst s2  }
0x8f: {  	_ = 	snop  }
0x90: {  	s2 =	sld [smem:$0x3FD0];
	(tm) =	ssettm $0x1  }
0x91: {  	s18 =	sld [smem:$0x3FFB];
	_ =	sdelay $0x3  }
0x92: {  	_ =	strace s18  }
0x93: {  	s3 =	sld [smem:$0x3FFC];
	_ =	sdelay $0x3  }
0x94: {  	_ =	strace s3  }
0x95: {  	s3 =	sld [smem:$0x3FFD];
	_ =	sdelay $0x3  }
0x96: {  	_ =	strace s3  }
0x97: {  	_ =	strace $0x8FFFFFFF  }
0x98: {  	s19 =	sld [smem:$0x3FDB];
	_ =	sdelay $0x1  }
0x99: {  	s4 =	simm.s32 $_scs_section_size  }
0x9a: {  	s5 =	simm.s32 $_size__tile_overlayer_lowered;
	s6 =	simm.s32 $_tile_overlayer_lowered  }
0x9b: {  	s22 =	simm.s32 $0x1BFF;
	s21 =	sshll.u32 s6, $0x1;
	s3 =	sadd.s32 s4, s19  }
0x9c: {  	s7 =	simm.s32 $0x0;
	s20 =	sshll.u32 s5, $0x1;
	s5 =	sadd.s32 s21, s3  }
0x9d: {  	[timem:s7], [sflag:s22] =	dma.local [hbm:s5], s20  }
0x9e: {  	_ =	swait.ge [sflag:s22], s20  }
0x9f: {  	s4 =	ssub.s32 $0x0, s20;
	[sflag:s22] =	ssyncset.done $0x0  }
0xa0: {  	[sflag:s22] =	ssyncadd.s32 s4;
	_ =	sdelay $0x1  }
0xa1: {  	s23 =	simm.s32 $0x1B8B  }
0xa2: {  	_ =	swait.ge [sflag:s23], $0x1  }
0xa3: {  	[sflag:s23] =	ssyncset.done $0x0  }
0xa4: {  	s25 =	simm.s32 $0x1B8E;
	s24 =	sld [smem:$0x3FFE];
	[sflag:s23] =	ssyncadd.s32 $0xFFFFFFFF  }
0xa5: {  	s26 =	simm.s32 $execute0_lowered;
	[smem:$0x3FD2] =	sst s25  }
0xa6: {  	s5 =	sshll.u32 s26, $0x1;
	_ =	strace $0x8000004C;
	[dreg:$0x1] =	wrdreg $0xFFFFFFFF  }
0xa7: {  	s28 =	simm.s32 $_size_execute0_lowered;
	s3 =	sadd.s32 s3, s5;
	[dreg:$0x0] =	wrdreg $0x0  }
0xa8: {  	s5 =	sshll.u32 s28, $0x1;
	[dreg:$0x2] =	wrdreg s3  }
0xa9: {  	[dreg:$0x3] =	wrdreg s5  }
0xaa: {  	[dreg:$0x4] =	wrdreg $0xC0  }
0xab: {  	_ =	task [dreg:s7], $0x5FFFF  }
0xac: {  	[dreg:$0x1] =	wrdreg $0xFFFFFFFF  }
0xad: {  	[dreg:$0x0] =	wrdreg $0x60  }
0xae: {  	[dreg:$0x2] =	wrdreg s24  }
0xaf: {  	[dreg:$0x3] =	wrdreg s2  }
0xb0: {  	[dreg:$0x4] =	wrdreg $0xA8000  }
0xb1: {  	[dreg:$0x5] =	wrdreg $0x9  }
0xb2: {  	_ =	task.clear_ibuf [dreg:s7], $0x6FFFF;
	_ =	strace $0x9000004C  }
0xb3: {  	s29 =	simm.s32 $0x9;
	_ =	strace $0x8000004E  }
0xb4: {  	_ =	swait.ge [sflag:s29], $0x1  }
0xb5: {  	[sflag:s29] =	ssyncadd.s32 $0xFFFFFFFF  }
0xb6: {  	_ =	strace $0x9000004E  }
0xb7: {  	_ =	sfence  }
0xb8: {  	s30 =	sld [smem:$0x0];
	_ =	sdelay $0x2  }
0xb9: {  	s31 =	sshll.u32 s1, $0xD;
	s1 =	sshrl.u32 s1, $0x2  }
0xba: {  	s3 =	sand.u32 $0x4000, s31;
	s1 =	sadd.s32 s1, s30  }
0xbb: {  	s0 =	sor.u32 s3, s0;
	s1 =	sshll.u32 s1, $0x11  }
0xbc: {  	s0 =	sor.u32 s1, s0  }
0xbd: {  	s0 =	sadd.s32 $0x8F2B, s0  }
0xbe: {  	[sflag:s0] =	ssyncadd.remote.s32 $0x1  }
0xbf: {  	_ =	sfence.sel $0xFFFF  }
0xc0: {  	[dreg:$0x0] =	wrdreg $0xFFFFFFFF;
	(pc) =	sbr.abs _section_cstart, $3  }
0xc1: {  	[dreg:$0x1] =	wrdreg $0xFFFFFFFF  }
0xc2: {  	_ =	task.clear_ibuf [dreg:s7], $0x2FFFF;
	_ =	strace $0x9FFFFFFF  }
0xc3: {  	(tm) =	ssettm $0x7FFFFFFF  }
tec
execute0_lowered:
.L_overlay_start_1:
0x0: {  	(tag) =	ssettag $0x1  }
0x1: {  	s0 =	rddreg [dreg:$0x0]  }
0x2: {  	s1 =	rddreg [dreg:$0x1]  }
0x3: {  	s2 =	rddreg [dreg:$0x2];
	s3 =	simm.s32 $0x0;
	s4 =	srdreg.scid  }
0x4: {  	s12 =	stileid.u32;
	s14 =	simm.s32 $0x5;
	s15 =	simm.s32 $0x1400  }
0x5: {  	s16 =	simm.s32 $0x40;
	s17 =	simm.s32 $0x2800;
	s18 =	simm.s32 $0x4800  }
0x6: {  	s19 =	simm.s32 $0x80;
	s20 =	simm.s32 $0x6800;
	s21 =	simm.s32 $0xC0  }
0x7: {  	s22 =	simm.s32 $0x8800;
	s28 =	simm.s32 $0x2700;
	s29 =	simm.s32 $0x2740  }
0x8: {  	s30 =	simm.s32 $0x2780;
	s31 =	simm.s32 $0x27C0;
	[smem:$0x7FF] =	sst s3  }
0x9: {  	s5 =	sand.u32 $0x1, s4;
	s6 =	smul.u32 $0x14000, s12;
	s4 =	sadd.s32 $0xD200, s0  }
0xa: {  	s10 =	sadd.s32 $0x3200, s0;
	s8 =	sadd.s32 $0x5D200, s0;
	s24 =	sshll.u32 s12, $0x6  }
0xb: {  	_ =	strace $0x8000004D;
	s7 =	smul.u32 $0x140000, s5;
	s23 =	sshll.u32 s5, $0x4  }
0xc: {  	[dreg:$0x4] =	wrdreg s8;
	s5 =	ssub.s32 $0x2, s5;
	s8 =	sor.u32 s12, s23  }
0xd: {  	s9 =	sshrl.u32 s5, $0x1;
	s13 =	sadd.s32 s6, s2;
	s23 =	simm.s32 $0x1  }
0xe: {  	s7 =	sadd.s32 s6, s7;
	s11 =	smul.u32 $0x2800, s8;
	s5 =	ssub.s32 s5, s9  }
0xf: {  	s8 =	smul.u32 $0x500, s8;
	s6 =	sor.u32 $0x1C05, s24;
	s13 =	sshrl.u32 s13, $0x3  }
0x10: {  	s24 =	simm.s32 $0x2;
	s7 =	sshrl.u32 s7, $0x3;
	s12 =	smax.u32 s5, $0x1  }
0x11: {  	s0 =	sadd.s32 s7, s0;
	s25 =	sshrl.u32 s11, $0x3;
	s26 =	sadd.s32 s1, s8  }
0x12: {  	s8 =	sadd.s32 s10, s8;
	[dreg:$0x5] =	wrdreg s26;
	s11 =	sadd.s32 $0x280, s25  }
0x13: {  	s25 =	simm.s32 $0x3;
	s26 =	simm.s32 $0x4;
	s9 =	sadd.s32 s1, s11  }
0x14: {  	s10 =	sadd.s32 s10, s11;
	s11 =	sadd.s32 $0x5FA00, s0;
	s0 =	simm.s32 $0x0  }
.LBB2_1:
0x15: {  	s1 =	rddreg [dreg:$0x4]  }
0x16: {  	[spmem:s13], [sflag:s6] =	dma.local [hbm:s1], $0x2800  }
0x17: {  	_ =	swait.ge [sflag:s14], $0x2800  }
0x18: {  	[sflag:s14] =	ssyncset.done $0x0  }
0x19: {  	[sflag:s14] =	ssyncadd.s32 $0xFFFFD800  }
0x1a: {  	[bflag:$0x0] =	sbarrier.arrive $0xFFFF  }
0x1b: {  	s5 =	rddreg [dreg:$0x5]  }
0x1c: {  	[tilespmem:s3], [sflag:$0x5] =	stream.linear.gather [hbm4b:s5+s3], $0x1400, $0x38;
	[tilespmem:$0x1E800] =	vst v63  }
0x1d: {  	_ =	swait.ge [sflag:s14], $0x1400  }
0x1e: {  	[sflag:s14] =	ssyncset.done $0x0  }
0x1f: {  	[sflag:s14] =	ssyncadd.s32 $0xFFFFEC00  }
0x20: {  	[tilespmem:s15], [sflag:$0x5] =	stream.linear.gather [hbm4b:s8+s3], $0x1400, $0x38;
	[tilespmem:$0x1E800] =	vst v63  }
0x21: {  	_ =	swait.ge [sflag:s14], $0x1400  }
0x22: {  	[sflag:s14] =	ssyncset.done $0x0  }
0x23: {  	[sflag:s14] =	ssyncadd.s32 $0xFFFFEC00  }
0x24: {  	[tilespmem:s17], [sflag:$0x1] =	stream.indirect.gather [hbm4b:s4+s16], $0x80, s3, s16, $0xb8;
	[tilespmem:$0x1E800] =	vst v63  }
0x25: {  	_ = 	snop  }
0x26: {  	[tilespmem:s18], [sflag:$0x2] =	stream.indirect.gather [hbm4b:s4+s16], $0x80, s16, s16, $0xb8;
	[tilespmem:$0x1E800] =	vst v63  }
0x27: {  	_ = 	snop  }
0x28: {  	[tilespmem:s20], [sflag:$0x3] =	stream.indirect.gather [hbm4b:s4+s16], $0x80, s19, s16, $0xb8;
	[tilespmem:$0x1E800] =	vst v63  }
0x29: {  	_ = 	snop  }
0x2a: {  	[tilespmem:s22], [sflag:$0x4] =	stream.indirect.gather [hbm4b:s4+s16], $0x80, s21, s16, $0xb8;
	[tilespmem:$0x1E800] =	vst v63  }
0x2b: {  	_ =	swait.ge [sflag:s23], $0x2000  }
0x2c: {  	[sflag:s23] =	ssyncset.done $0x0  }
0x2d: {  	s7 =	simm.s32 $0x1400;
	[sflag:s23] =	ssyncadd.s32 $0xFFFFE000  }
0x2e: {  	[spmem:s2] =	stream.indirect.scatter.add.f32 [tilespmem:s17], [sflag:$0x5], $0x80, s7, s16, $0xb8;
	[tilespmem:$0x1E800] =	vst v63  }
0x2f: {  	_ =	swait.ge [sflag:s14], $0x2000  }
0x30: {  	[sflag:s14] =	ssyncset.done $0x0  }
0x31: {  	s5 =	simm.s32 $0x100;
	[sflag:s14] =	ssyncadd.s32 $0xFFFFE000  }
0x32: {  	[tilespmem:s17], [sflag:$0x1] =	stream.indirect.gather [hbm4b:s4+s16], $0x80, s5, s16, $0xb8;
	[tilespmem:$0x1E800] =	vst v63  }
0x33: {  	_ =	swait.ge [sflag:s24], $0x2000  }
0x34: {  	[sflag:s24] =	ssyncset.done $0x0  }
0x35: {  	s7 =	simm.s32 $0x1440;
	[sflag:s24] =	ssyncadd.s32 $0xFFFFE000  }
0x36: {  	[spmem:s2] =	stream.indirect.scatter.add.f32 [tilespmem:s18], [sflag:$0x5], $0x80, s7, s16, $0xb8;
	[tilespmem:$0x1E800] =	vst v63  }
0x37: {  	_ =	swait.ge [sflag:s14], $0x2000  }
0x38: {  	[sflag:s14] =	ssyncset.done $0x0  }
0x39: {  	s5 =	simm.s32 $0x140;
	[sflag:s14] =	ssyncadd.s32 $0xFFFFE000  }
0x3a: {  	[tilespmem:s18], [sflag:$0x2] =	stream.indirect.gather [hbm4b:s4+s16], $0x80, s5, s16, $0xb8;
	[tilespmem:$0x1E800] =	vst v63  }
0x3b: {  	_ =	swait.ge [sflag:s25], $0x2000  }
0x3c: {  	[sflag:s25] =	ssyncset.done $0x0  }
0x3d: {  	s7 =	simm.s32 $0x1480;
	[sflag:s25] =	ssyncadd.s32 $0xFFFFE000  }
0x3e: {  	[spmem:s2] =	stream.indirect.scatter.add.f32 [tilespmem:s20], [sflag:$0x5], $0x80, s7, s16, $0xb8;
	[tilespmem:$0x1E800] =	vst v63  }
0x3f: {  	_ =	swait.ge [sflag:s14], $0x2000  }
0x40: {  	[sflag:s14] =	ssyncset.done $0x0  }
0x41: {  	s5 =	simm.s32 $0x180;
	[sflag:s14] =	ssyncadd.s32 $0xFFFFE000  }
0x42: {  	[tilespmem:s20], [sflag:$0x3] =	stream.indirect.gather [hbm4b:s4+s16], $0x80, s5, s16, $0xb8;
	[tilespmem:$0x1E800] =	vst v63  }
0x43: {  	_ =	swait.ge [sflag:s26], $0x2000  }
0x44: {  	[sflag:s26] =	ssyncset.done $0x0  }
0x45: {  	s7 =	simm.s32 $0x14C0;
	[sflag:s26] =	ssyncadd.s32 $0xFFFFE000  }
0x46: {  	[spmem:s2] =	stream.indirect.scatter.add.f32 [tilespmem:s22], [sflag:$0x5], $0x80, s7, s16, $0xb8;
	[tilespmem:$0x1E800] =	vst v63  }
0x47: {  	_ =	swait.ge [sflag:s14], $0x2000  }
0x48: {  	[sflag:s14] =	ssyncset.done $0x0  }
0x49: {  	s1 =	simm.s32 $0x400;
	s5 =	simm.s32 $0x1C0;
	[sflag:s14] =	ssyncadd.s32 $0xFFFFE000  }
.LBB2_2:
0x4a: {  	[tilespmem:s22], [sflag:$0x4] =	stream.indirect.gather [hbm4b:s4+s16], $0x80, s5, s16, $0xb8;
	[tilespmem:$0x1E800] =	vst v63  }
0x4b: {  	s5 =	smov.u32 s1  }
0x4c: {  	p0 =	sne.s32 s1, $0x4800;
	s1 =	sadd.s32 $0x400, s1;
	_ =	swait.ge [sflag:s23], $0x2000  }
0x4d: {  	s5 =	sshra.s32 s5, $0x2;
	[sflag:s23] =	ssyncset.done $0x0  }
0x4e: {  	s7 =	sadd.s32 $0x1400, s5;
	[sflag:s23] =	ssyncadd.s32 $0xFFFFE000  }
0x4f: {  	[spmem:s2] =	stream.indirect.scatter.add.f32 [tilespmem:s17], [sflag:$0x5], $0x80, s7, s16, $0xb8;
	[tilespmem:$0x1E800] =	vst v63  }
0x50: {  	_ =	swait.ge [sflag:s14], $0x2000  }
0x51: {  	[sflag:s14] =	ssyncset.done $0x0  }
0x52: {  	s7 =	sadd.s32 $0x100, s5;
	[sflag:s14] =	ssyncadd.s32 $0xFFFFE000  }
0x53: {  	[tilespmem:s17], [sflag:$0x1] =	stream.indirect.gather [hbm4b:s4+s16], $0x80, s7, s16, $0xb8;
	[tilespmem:$0x1E800] =	vst v63  }
0x54: {  	_ =	swait.ge [sflag:s24], $0x2000  }
0x55: {  	[sflag:s24] =	ssyncset.done $0x0  }
0x56: {  	s7 =	sadd.s32 $0x1440, s5;
	[sflag:s24] =	ssyncadd.s32 $0xFFFFE000  }
0x57: {  	[spmem:s2] =	stream.indirect.scatter.add.f32 [tilespmem:s18], [sflag:$0x5], $0x80, s7, s16, $0xb8;
	[tilespmem:$0x1E800] =	vst v63  }
0x58: {  	_ =	swait.ge [sflag:s14], $0x2000  }
0x59: {  	[sflag:s14] =	ssyncset.done $0x0  }
0x5a: {  	s7 =	sadd.s32 $0x140, s5;
	[sflag:s14] =	ssyncadd.s32 $0xFFFFE000  }
0x5b: {  	[tilespmem:s18], [sflag:$0x2] =	stream.indirect.gather [hbm4b:s4+s16], $0x80, s7, s16, $0xb8;
	[tilespmem:$0x1E800] =	vst v63  }
0x5c: {  	_ =	swait.ge [sflag:s25], $0x2000  }
0x5d: {  	[sflag:s25] =	ssyncset.done $0x0  }
0x5e: {  	s7 =	sadd.s32 $0x1480, s5;
	[sflag:s25] =	ssyncadd.s32 $0xFFFFE000  }
0x5f: {  	[spmem:s2] =	stream.indirect.scatter.add.f32 [tilespmem:s20], [sflag:$0x5], $0x80, s7, s16, $0xb8;
	[tilespmem:$0x1E800] =	vst v63  }
0x60: {  	_ =	swait.ge [sflag:s14], $0x2000  }
0x61: {  	[sflag:s14] =	ssyncset.done $0x0  }
0x62: {  	s7 =	sadd.s32 $0x180, s5;
	[sflag:s14] =	ssyncadd.s32 $0xFFFFE000  }
0x63: {  	[tilespmem:s20], [sflag:$0x3] =	stream.indirect.gather [hbm4b:s4+s16], $0x80, s7, s16, $0xb8;
	[tilespmem:$0x1E800] =	vst v63  }
0x64: {  	_ =	swait.ge [sflag:s26], $0x2000  }
0x65: {  	[sflag:s26] =	ssyncset.done $0x0  }
.Ltmp0:
0x66: {  	s7 =	sadd.s32 $0x14C0, s5;
	[sflag:s26] =	ssyncadd.s32 $0xFFFFE000;
	(pc) =	sbr.rel @p0 .LBB2_2-.Ltmp0, $4  }
0x67: {  	[spmem:s2] =	stream.indirect.scatter.add.f32 [tilespmem:s22], [sflag:$0x5], $0x80, s7, s16, $0xb8;
	[tilespmem:$0x1E800] =	vst v63  }
0x68: {  	_ =	swait.ge [sflag:s14], $0x2000  }
0x69: {  	[sflag:s14] =	ssyncset.done $0x0  }
0x6a: {  	s5 =	sadd.s32 $0x1C0, s5;
	[sflag:s14] =	ssyncadd.s32 $0xFFFFE000  }
0x6b: {  	[tilespmem:s22], [sflag:$0x4] =	stream.indirect.gather [hbm4b:s4+s16], $0x80, s5, s16, $0xb8;
	[tilespmem:$0x1E800] =	vst v63  }
0x6c: {  	_ =	swait.ge [sflag:s23], $0x2000  }
0x6d: {  	[sflag:s23] =	ssyncset.done $0x0  }
0x6e: {  	[sflag:s23] =	ssyncadd.s32 $0xFFFFE000  }
0x6f: {  	[spmem:s2] =	stream.indirect.scatter.add.f32 [tilespmem:s17], [sflag:$0x5], $0x80, s28, s16, $0xb8;
	[tilespmem:$0x1E800] =	vst v63  }
0x70: {  	_ =	swait.ge [sflag:s14], $0x2000  }
0x71: {  	[sflag:s14] =	ssyncset.done $0x0  }
0x72: {  	[sflag:s14] =	ssyncadd.s32 $0xFFFFE000  }
0x73: {  	_ =	swait.ge [sflag:s24], $0x2000  }
0x74: {  	[sflag:s24] =	ssyncset.done $0x0  }
0x75: {  	[sflag:s24] =	ssyncadd.s32 $0xFFFFE000  }
0x76: {  	[spmem:s2] =	stream.indirect.scatter.add.f32 [tilespmem:s18], [sflag:$0x5], $0x80, s29, s16, $0xb8;
	[tilespmem:$0x1E800] =	vst v63  }
0x77: {  	_ =	swait.ge [sflag:s14], $0x2000  }
0x78: {  	[sflag:s14] =	ssyncset.done $0x0  }
0x79: {  	[sflag:s14] =	ssyncadd.s32 $0xFFFFE000  }
0x7a: {  	_ =	swait.ge [sflag:s25], $0x2000  }
0x7b: {  	[sflag:s25] =	ssyncset.done $0x0  }
0x7c: {  	[sflag:s25] =	ssyncadd.s32 $0xFFFFE000  }
0x7d: {  	[spmem:s2] =	stream.indirect.scatter.add.f32 [tilespmem:s20], [sflag:$0x5], $0x80, s30, s16, $0xb8;
	[tilespmem:$0x1E800] =	vst v63  }
0x7e: {  	_ =	swait.ge [sflag:s14], $0x2000  }
0x7f: {  	[sflag:s14] =	ssyncset.done $0x0  }
0x80: {  	[sflag:s14] =	ssyncadd.s32 $0xFFFFE000  }
0x81: {  	_ =	swait.ge [sflag:s26], $0x2000  }
0x82: {  	[sflag:s26] =	ssyncset.done $0x0  }
0x83: {  	[sflag:s26] =	ssyncadd.s32 $0xFFFFE000  }
0x84: {  	[spmem:s2] =	stream.indirect.scatter.add.f32 [tilespmem:s22], [sflag:$0x5], $0x80, s31, s16, $0xb8;
	[tilespmem:$0x1E800] =	vst v63  }
0x85: {  	_ =	swait.ge [sflag:s14], $0x2000  }
0x86: {  	[sflag:s14] =	ssyncset.done $0x0  }
0x87: {  	s1 =	simm.s32 $0x0;
	[sflag:s14] =	ssyncadd.s32 $0xFFFFE000  }
0x88: {  	[tilespmem:s1], [sflag:$0x5] =	stream.linear.gather [hbm4b:s9+s1], $0x1400, $0x38;
	[tilespmem:$0x1E800] =	vst v63  }
0x89: {  	_ =	swait.ge [sflag:s14], $0x1400  }
0x8a: {  	[sflag:s14] =	ssyncset.done $0x0  }
0x8b: {  	[sflag:s14] =	ssyncadd.s32 $0xFFFFEC00  }
0x8c: {  	[tilespmem:s15], [sflag:$0x5] =	stream.linear.gather [hbm4b:s10+s1], $0x1400, $0x38;
	[tilespmem:$0x1E800] =	vst v63  }
0x8d: {  	_ =	swait.ge [sflag:s14], $0x1400  }
0x8e: {  	[sflag:s14] =	ssyncset.done $0x0  }
0x8f: {  	[sflag:s14] =	ssyncadd.s32 $0xFFFFEC00  }
0x90: {  	[tilespmem:s17], [sflag:$0x1] =	stream.indirect.gather [hbm4b:s4+s16], $0x80, s1, s16, $0xb8;
	[tilespmem:$0x1E800] =	vst v63  }
0x91: {  	_ = 	snop  }
0x92: {  	[tilespmem:s18], [sflag:$0x2] =	stream.indirect.gather [hbm4b:s4+s16], $0x80, s16, s16, $0xb8;
	[tilespmem:$0x1E800] =	vst v63  }
0x93: {  	_ = 	snop  }
0x94: {  	[tilespmem:s20], [sflag:$0x3] =	stream.indirect.gather [hbm4b:s4+s16], $0x80, s19, s16, $0xb8;
	[tilespmem:$0x1E800] =	vst v63  }
0x95: {  	_ = 	snop  }
0x96: {  	[tilespmem:s22], [sflag:$0x4] =	stream.indirect.gather [hbm4b:s4+s16], $0x80, s21, s16, $0xb8;
	[tilespmem:$0x1E800] =	vst v63  }
0x97: {  	_ =	swait.ge [sflag:s23], $0x2000  }
0x98: {  	[sflag:s23] =	ssyncset.done $0x0  }
0x99: {  	s7 =	simm.s32 $0x1400;
	[sflag:s23] =	ssyncadd.s32 $0xFFFFE000  }
0x9a: {  	[spmem:s2] =	stream.indirect.scatter.add.f32 [tilespmem:s17], [sflag:$0x5], $0x80, s7, s16, $0xb8;
	[tilespmem:$0x1E800] =	vst v63  }
0x9b: {  	_ =	swait.ge [sflag:s14], $0x2000  }
0x9c: {  	[sflag:s14] =	ssyncset.done $0x0  }
0x9d: {  	s5 =	simm.s32 $0x100;
	[sflag:s14] =	ssyncadd.s32 $0xFFFFE000  }
0x9e: {  	[tilespmem:s17], [sflag:$0x1] =	stream.indirect.gather [hbm4b:s4+s16], $0x80, s5, s16, $0xb8;
	[tilespmem:$0x1E800] =	vst v63  }
0x9f: {  	_ =	swait.ge [sflag:s24], $0x2000  }
0xa0: {  	[sflag:s24] =	ssyncset.done $0x0  }
0xa1: {  	s7 =	simm.s32 $0x1440;
	[sflag:s24] =	ssyncadd.s32 $0xFFFFE000  }
0xa2: {  	[spmem:s2] =	stream.indirect.scatter.add.f32 [tilespmem:s18], [sflag:$0x5], $0x80, s7, s16, $0xb8;
	[tilespmem:$0x1E800] =	vst v63  }
0xa3: {  	_ =	swait.ge [sflag:s14], $0x2000  }
0xa4: {  	[sflag:s14] =	ssyncset.done $0x0  }
0xa5: {  	s5 =	simm.s32 $0x140;
	[sflag:s14] =	ssyncadd.s32 $0xFFFFE000  }
0xa6: {  	[tilespmem:s18], [sflag:$0x2] =	stream.indirect.gather [hbm4b:s4+s16], $0x80, s5, s16, $0xb8;
	[tilespmem:$0x1E800] =	vst v63  }
0xa7: {  	_ =	swait.ge [sflag:s25], $0x2000  }
0xa8: {  	[sflag:s25] =	ssyncset.done $0x0  }
0xa9: {  	s7 =	simm.s32 $0x1480;
	[sflag:s25] =	ssyncadd.s32 $0xFFFFE000  }
0xaa: {  	[spmem:s2] =	stream.indirect.scatter.add.f32 [tilespmem:s20], [sflag:$0x5], $0x80, s7, s16, $0xb8;
	[tilespmem:$0x1E800] =	vst v63  }
0xab: {  	_ =	swait.ge [sflag:s14], $0x2000  }
0xac: {  	[sflag:s14] =	ssyncset.done $0x0  }
0xad: {  	s5 =	simm.s32 $0x180;
	[sflag:s14] =	ssyncadd.s32 $0xFFFFE000  }
0xae: {  	[tilespmem:s20], [sflag:$0x3] =	stream.indirect.gather [hbm4b:s4+s16], $0x80, s5, s16, $0xb8;
	[tilespmem:$0x1E800] =	vst v63  }
0xaf: {  	_ =	swait.ge [sflag:s26], $0x2000  }
0xb0: {  	[sflag:s26] =	ssyncset.done $0x0  }
0xb1: {  	s7 =	simm.s32 $0x14C0;
	[sflag:s26] =	ssyncadd.s32 $0xFFFFE000  }
0xb2: {  	[spmem:s2] =	stream.indirect.scatter.add.f32 [tilespmem:s22], [sflag:$0x5], $0x80, s7, s16, $0xb8;
	[tilespmem:$0x1E800] =	vst v63  }
0xb3: {  	_ =	swait.ge [sflag:s14], $0x2000  }
0xb4: {  	[sflag:s14] =	ssyncset.done $0x0  }
0xb5: {  	s1 =	simm.s32 $0x400;
	s5 =	simm.s32 $0x1C0;
	[sflag:s14] =	ssyncadd.s32 $0xFFFFE000  }
.LBB2_4:
0xb6: {  	[tilespmem:s22], [sflag:$0x4] =	stream.indirect.gather [hbm4b:s4+s16], $0x80, s5, s16, $0xb8;
	[tilespmem:$0x1E800] =	vst v63  }
0xb7: {  	s5 =	smov.u32 s1  }
0xb8: {  	p0 =	sne.s32 s1, $0x4800;
	s1 =	sadd.s32 $0x400, s1;
	_ =	swait.ge [sflag:s23], $0x2000  }
0xb9: {  	s5 =	sshra.s32 s5, $0x2;
	[sflag:s23] =	ssyncset.done $0x0  }
0xba: {  	s7 =	sadd.s32 $0x1400, s5;
	[sflag:s23] =	ssyncadd.s32 $0xFFFFE000  }
0xbb: {  	[spmem:s2] =	stream.indirect.scatter.add.f32 [tilespmem:s17], [sflag:$0x5], $0x80, s7, s16, $0xb8;
	[tilespmem:$0x1E800] =	vst v63  }
0xbc: {  	_ =	swait.ge [sflag:s14], $0x2000  }
0xbd: {  	[sflag:s14] =	ssyncset.done $0x0  }
0xbe: {  	s7 =	sadd.s32 $0x100, s5;
	[sflag:s14] =	ssyncadd.s32 $0xFFFFE000  }
0xbf: {  	[tilespmem:s17], [sflag:$0x1] =	stream.indirect.gather [hbm4b:s4+s16], $0x80, s7, s16, $0xb8;
	[tilespmem:$0x1E800] =	vst v63  }
0xc0: {  	_ =	swait.ge [sflag:s24], $0x2000  }
0xc1: {  	[sflag:s24] =	ssyncset.done $0x0  }
0xc2: {  	s7 =	sadd.s32 $0x1440, s5;
	[sflag:s24] =	ssyncadd.s32 $0xFFFFE000  }
0xc3: {  	[spmem:s2] =	stream.indirect.scatter.add.f32 [tilespmem:s18], [sflag:$0x5], $0x80, s7, s16, $0xb8;
	[tilespmem:$0x1E800] =	vst v63  }
0xc4: {  	_ =	swait.ge [sflag:s14], $0x2000  }
0xc5: {  	[sflag:s14] =	ssyncset.done $0x0  }
0xc6: {  	s7 =	sadd.s32 $0x140, s5;
	[sflag:s14] =	ssyncadd.s32 $0xFFFFE000  }
0xc7: {  	[tilespmem:s18], [sflag:$0x2] =	stream.indirect.gather [hbm4b:s4+s16], $0x80, s7, s16, $0xb8;
	[tilespmem:$0x1E800] =	vst v63  }
0xc8: {  	_ =	swait.ge [sflag:s25], $0x2000  }
0xc9: {  	[sflag:s25] =	ssyncset.done $0x0  }
0xca: {  	s7 =	sadd.s32 $0x1480, s5;
	[sflag:s25] =	ssyncadd.s32 $0xFFFFE000  }
0xcb: {  	[spmem:s2] =	stream.indirect.scatter.add.f32 [tilespmem:s20], [sflag:$0x5], $0x80, s7, s16, $0xb8;
	[tilespmem:$0x1E800] =	vst v63  }
0xcc: {  	_ =	swait.ge [sflag:s14], $0x2000  }
0xcd: {  	[sflag:s14] =	ssyncset.done $0x0  }
0xce: {  	s7 =	sadd.s32 $0x180, s5;
	[sflag:s14] =	ssyncadd.s32 $0xFFFFE000  }
0xcf: {  	[tilespmem:s20], [sflag:$0x3] =	stream.indirect.gather [hbm4b:s4+s16], $0x80, s7, s16, $0xb8;
	[tilespmem:$0x1E800] =	vst v63  }
0xd0: {  	_ =	swait.ge [sflag:s26], $0x2000  }
0xd1: {  	[sflag:s26] =	ssyncset.done $0x0  }
.Ltmp1:
0xd2: {  	s7 =	sadd.s32 $0x14C0, s5;
	[sflag:s26] =	ssyncadd.s32 $0xFFFFE000;
	(pc) =	sbr.rel @p0 .LBB2_4-.Ltmp1, $4  }
0xd3: {  	[spmem:s2] =	stream.indirect.scatter.add.f32 [tilespmem:s22], [sflag:$0x5], $0x80, s7, s16, $0xb8;
	[tilespmem:$0x1E800] =	vst v63  }
0xd4: {  	_ =	swait.ge [sflag:s14], $0x2000  }
0xd5: {  	[sflag:s14] =	ssyncset.done $0x0  }
0xd6: {  	s5 =	sadd.s32 $0x1C0, s5;
	[sflag:s14] =	ssyncadd.s32 $0xFFFFE000  }
0xd7: {  	[tilespmem:s22], [sflag:$0x4] =	stream.indirect.gather [hbm4b:s4+s16], $0x80, s5, s16, $0xb8;
	[tilespmem:$0x1E800] =	vst v63  }
0xd8: {  	_ =	swait.ge [sflag:s23], $0x2000  }
0xd9: {  	[sflag:s23] =	ssyncset.done $0x0  }
0xda: {  	[sflag:s23] =	ssyncadd.s32 $0xFFFFE000  }
0xdb: {  	[spmem:s2] =	stream.indirect.scatter.add.f32 [tilespmem:s17], [sflag:$0x5], $0x80, s28, s16, $0xb8;
	[tilespmem:$0x1E800] =	vst v63  }
0xdc: {  	_ =	swait.ge [sflag:s14], $0x2000  }
0xdd: {  	[sflag:s14] =	ssyncset.done $0x0  }
0xde: {  	[sflag:s14] =	ssyncadd.s32 $0xFFFFE000  }
0xdf: {  	_ =	swait.ge [sflag:s24], $0x2000  }
0xe0: {  	[sflag:s24] =	ssyncset.done $0x0  }
0xe1: {  	[sflag:s24] =	ssyncadd.s32 $0xFFFFE000  }
0xe2: {  	[spmem:s2] =	stream.indirect.scatter.add.f32 [tilespmem:s18], [sflag:$0x5], $0x80, s29, s16, $0xb8;
	[tilespmem:$0x1E800] =	vst v63  }
0xe3: {  	_ =	swait.ge [sflag:s14], $0x2000  }
0xe4: {  	[sflag:s14] =	ssyncset.done $0x0  }
0xe5: {  	[sflag:s14] =	ssyncadd.s32 $0xFFFFE000  }
0xe6: {  	_ =	swait.ge [sflag:s25], $0x2000  }
0xe7: {  	[sflag:s25] =	ssyncset.done $0x0  }
0xe8: {  	[sflag:s25] =	ssyncadd.s32 $0xFFFFE000  }
0xe9: {  	[spmem:s2] =	stream.indirect.scatter.add.f32 [tilespmem:s20], [sflag:$0x5], $0x80, s30, s16, $0xb8;
	[tilespmem:$0x1E800] =	vst v63  }
0xea: {  	_ =	swait.ge [sflag:s14], $0x2000  }
0xeb: {  	[sflag:s14] =	ssyncset.done $0x0  }
0xec: {  	[sflag:s14] =	ssyncadd.s32 $0xFFFFE000  }
0xed: {  	_ =	swait.ge [sflag:s26], $0x2000  }
0xee: {  	[sflag:s26] =	ssyncset.done $0x0  }
0xef: {  	[sflag:s26] =	ssyncadd.s32 $0xFFFFE000  }
0xf0: {  	[spmem:s2] =	stream.indirect.scatter.add.f32 [tilespmem:s22], [sflag:$0x5], $0x80, s31, s16, $0xb8;
	[tilespmem:$0x1E800] =	vst v63  }
0xf1: {  	_ =	swait.ge [sflag:s14], $0x2000  }
0xf2: {  	s0 =	sadd.s32 $0x1, s0;
	[sflag:s14] =	ssyncset.done $0x0  }
0xf3: {  	p0 =	sne.s32 s0, s12;
	[sflag:s14] =	ssyncadd.s32 $0xFFFFE000  }
.Ltmp2:
0xf4: {  	[bflag:$0x0] =	sbarrier.arrive $0xFFFF;
	(pc) =	sbr.rel @p0 .LBB2_1-.Ltmp2, $4  }
0xf5: {  	[hbm:s11], [sflag:s6] =	dma.local [spmem:s13], $0x2800  }
0xf6: {  	_ =	swait.ge [sflag:s14], $0x2800  }
0xf7: {  	[sflag:s14] =	ssyncset.done $0x0  }
0xf8: {  	[sflag:s14] =	ssyncadd.s32 $0xFFFFD800  }
0xf9: {  	_ =	sfence.sel $0x180000  }
0xfa: {  	[bflag:$0x0] =	sbarrier.arrive $0xFFFF  }
0xfb: {  	_ =	strace $0x9000004D  }
0xfc: {  	s0 =	stileid.u32;
	[bflag:$0x2] =	sbarrier.arrive $0xFFFF  }
0xfd: {  	p0 =	sne.s32 s0, $0x0;
	s0 =	rddreg [dreg:$0x3]  }
0xfe: {  	s0 =	sadd.s32 @!p0 $0x100000, s0  }
0xff: {  	[sflag:s0] =	ssyncadd.tile.s32 @!p0 $0x1;
	_ =	shalt  }
.Lfunc_end2:
_tile_overlayer_lowered:
.L_overlay_start_2:
0x100: {  	(tag) =	ssettag $0x2  }
0x101: {  	s0 =	rddreg [dreg:$0x0];
	s2 =	stileid.u32  }
0x102: {  	s1 =	rddreg [dreg:$0x1];
	p0 =	sne.s32 s2, $0x0  }
0x103: {  	s3 =	rddreg [dreg:$0x2];
	[bflag:$0x3] =	sbarrier.arrive $0xFFFF;
	s2 =	simm.s32 @!p0 $0x1C05  }
0x104: {  	[timem:s3], [sflag:s2] =	dma.local @!p0 [hbm:s0], s1  }
0x105: {  	s0 =	simm.s32 @!p0 $0x5  }
0x106: {  	_ =	swait.ge @!p0 [sflag:s0], s1  }
0x107: {  	s1 =	ssub.s32 @!p0 $0x0, s1;
	[sflag:s0] =	ssyncset.done @!p0 $0x0  }
0x108: {  	[sflag:s0] =	ssyncadd.s32 @!p0 s1  }
0x109: {  	[bflag:$0x3] =	sbarrier.arrive $0xFFFF  }
0x10a: {  	_ =	shalt  }

// kernel: kernel.20.cloned.1.call-start
scs
__scs_entry_jumppad:
0x0: {  	(pc) =	sbr.rel $0x88, $3  }
0x1: {  	(tag) =	ssettag $0x0;
	lr =	simm.s32 $0x1  }
0x2: {  	[smem:$0x3F99] =	sst lr;
	_ =	strace $0xD0000000  }
0x3: {  	_ = 	snop  }
0x4: {  	_ = 	snop  }
0x5: {  	_ = 	snop  }
0x6: {  	_ = 	snop  }
0x7: {  	_ = 	snop  }
__scs_overlays_trampoline_lowered:
0x8: {  	[smem:$0x3FA8] =	sst s0  }
0x9: {  	[smem:$0x3FA9] =	sst s1  }
0xa: {  	[smem:$0x3FAA] =	sst s2  }
0xb: {  	[smem:$0x3FAB] =	sst s3  }
0xc: {  	[smem:$0x3FAC] =	sst s4  }
0xd: {  	[smem:$0x3FAD] =	sst s5  }
0xe: {  	[smem:$0x3FAE] =	sst s6  }
0xf: {  	[smem:$0x3FAF] =	sst s7  }
0x10: {  	[smem:$0x3FB0] =	sst s8  }
0x11: {  	[smem:$0x3FB1] =	sst s9;
	s0 =	simm.s32 @!p0 $0x0  }
0x12: {  	s1 =	sld [smem:$0x3F97];
	s0 =	simm.s32 @p0 $0x1  }
0x13: {  	[smem:$0x3FB2] =	sst s0;
	s0 =	simm.s32 @!p1 $0x0  }
0x14: {  	s2 =	sld [smem:$0x3F96];
	s0 =	simm.s32 @p1 $0x1  }
0x15: {  	[smem:$0x3FB3] =	sst s0;
	s0 =	simm.s32 @!p2 $0x0  }
0x16: {  	s3 =	sld [smem:$0x3FDB];
	s0 =	simm.s32 @p2 $0x1  }
0x17: {  	s4 =	simm.s32 $0x1BF5;
	[smem:$0x3FB5] =	sst s0  }
0x18: {  	s0 =	sld [smem:$0x3F98];
	_ =	swait.ge [sflag:s4], $0x0  }
0x19: {  	s7 =	sld [smem:$0x3F99]  }
0x1a: {  	s8 =	sadd.s32 $0xFFFFE003, lr  }
0x1b: {  	s9 =	sadd.s32 $0xFFFFFEF7, lr;
	s5 =	simm.s32 $0xFFFFFFFF;
	p2 =	slt.u32 s8, $0xFFFFF086  }
0x1c: {  	p1 =	slt.u32 s9, $0xF7A;
	s5 =	simm.s32 @!p2 $0x0  }
0x1d: {  	s5 =	simm.s32 @p1 $0x1;
	p0 =	seq.s32 s7, s2  }
0x1e: {  	s7 =	smul.u32 @!p0 $0xF7A, s2;
	p2 =	seq.s32 @!p0 s5, $0x0  }
0x1f: {  	s9 =	smul.u32 $0xF7A, s1;
	s8 =	simm.s32 @!p0 $0x1BF5;
	p2 =	por !p2, p0  }
0x20: {  	[sflag:s8] =	ssyncset.s32 @!p0 $0xFFFFF086;
	s6 =	sadd.s32 @!p0 s3, s7;
	s7 =	simm.s32 @!p0 $0x108  }
0x21: {  	s3 =	sadd.s32 s3, s9;
	s6 =	sadd.s32 @!p0 $0x88, s6;
	s7 =	simm.s32 @p2 $0x1082  }
0x22: {  	[simem:s7], [sflag:s8] =	dma.local @!p0 [hbm:s6], $0xF7A  }
0x23: {  	s9 =	sor.u32 $0xD0000000, s2;
	s6 =	simm.s32 $0x108;
	_ =	swait.ge @!p0 [sflag:s8], $0x0  }
0x24: {  	s3 =	sadd.s32 $0x88, s3;
	s6 =	simm.s32 @!p1 $0x1082;
	[sflag:s4] =	ssyncset.s32 $0xFFFFF086  }
0x25: {  	[simem:s6], [sflag:s4] =	dma.local [hbm:s3], $0xF7A  }
0x26: {  	[smem:$0x3F99] =	sst s1;
	(tag) =	ssettag s2;
	_ =	strace s9  }
0x27: {  	s1 =	sld [smem:$0x3FA9]  }
0x28: {  	s2 =	sld [smem:$0x3FAA]  }
0x29: {  	s4 =	sld [smem:$0x3FAC]  }
0x2a: {  	p0 =	seq.s32 s5, $0x0;
	s5 =	sld [smem:$0x3FAD]  }
0x2b: {  	s6 =	sld [smem:$0x3FAE]  }
0x2c: {  	s7 =	sld [smem:$0x3FAF]  }
0x2d: {  	s3 =	simm.s32 $0x108;
	s8 =	sld [smem:$0x3FB0]  }
0x2e: {  	s3 =	simm.s32 @!p0 $0x1082;
	s9 =	sld [smem:$0x3FB1]  }
0x2f: {  	lr =	sadd.s32 s0, s3;
	s0 =	sld [smem:$0x3FA8]  }
0x30: {  	s3 =	sld [smem:$0x3FAB]  }
0x31: {  	[smem:$0x3FB4] =	sst s10  }
0x32: {  	s10 =	sld [smem:$0x3FB2];
	_ =	sdelay $0x3  }
0x33: {  	p0 =	seq.s32 s10, $0x1;
	s10 =	sld [smem:$0x3FB4];
	_ =	sdelay $0x3  }
0x34: {  	[smem:$0x3FB4] =	sst s10  }
0x35: {  	s10 =	sld [smem:$0x3FB3];
	_ =	sdelay $0x3  }
0x36: {  	p1 =	seq.s32 s10, $0x1;
	s10 =	sld [smem:$0x3FB4];
	_ =	sdelay $0x3  }
0x37: {  	[smem:$0x3FB4] =	sst s10  }
0x38: {  	s10 =	sld [smem:$0x3FB5]  }
0x39: {  	_ = 	snop;
	(pc) =	sbr.ind lr, $3  }
0x3a: {  	_ = 	snop  }
0x3b: {  	_ = 	snop  }
0x3c: {  	p2 =	seq.s32 s10, $0x1;
	s10 =	sld [smem:$0x3FB4]  }
0x3d: {  	_ =	shalt  }
0x3e: {  	_ =	shalt  }
0x3f: {  	_ =	shalt  }
0x40: {  	_ =	shalt  }
0x41: {  	_ =	shalt  }
0x42: {  	_ =	shalt  }
0x43: {  	_ =	shalt  }
0x44: {  	_ =	shalt  }
0x45: {  	_ =	shalt  }
0x46: {  	_ =	shalt  }
0x47: {  	_ =	shalt  }
0x48: {  	_ =	shalt  }
0x49: {  	_ =	shalt  }
0x4a: {  	_ =	shalt  }
0x4b: {  	_ =	shalt  }
0x4c: {  	_ =	shalt  }
0x4d: {  	_ =	shalt  }
0x4e: {  	_ =	shalt  }
0x4f: {  	_ =	shalt  }
0x50: {  	_ =	shalt  }
0x51: {  	_ =	shalt  }
0x52: {  	_ =	shalt  }
0x53: {  	_ =	shalt  }
0x54: {  	_ =	shalt  }
0x55: {  	_ =	shalt  }
0x56: {  	_ =	shalt  }
0x57: {  	_ =	shalt  }
0x58: {  	_ =	shalt  }
0x59: {  	_ =	shalt  }
0x5a: {  	_ =	shalt  }
0x5b: {  	_ =	shalt  }
0x5c: {  	_ =	shalt  }
0x5d: {  	_ =	shalt  }
0x5e: {  	_ =	shalt  }
0x5f: {  	_ =	shalt  }
0x60: {  	_ =	shalt  }
0x61: {  	_ =	shalt  }
0x62: {  	_ =	shalt  }
0x63: {  	_ =	shalt  }
0x64: {  	_ =	shalt  }
0x65: {  	_ =	shalt  }
0x66: {  	_ =	shalt  }
0x67: {  	_ =	shalt  }
0x68: {  	_ =	shalt  }
0x69: {  	_ =	shalt  }
0x6a: {  	_ =	shalt  }
0x6b: {  	_ =	shalt  }
0x6c: {  	_ =	shalt  }
0x6d: {  	_ =	shalt  }
0x6e: {  	_ =	shalt  }
0x6f: {  	_ =	shalt  }
0x70: {  	_ =	shalt  }
0x71: {  	_ =	shalt  }
0x72: {  	_ =	shalt  }
0x73: {  	_ =	shalt  }
0x74: {  	_ =	shalt  }
0x75: {  	_ =	shalt  }
0x76: {  	_ =	shalt  }
0x77: {  	_ =	shalt  }
0x78: {  	_ =	shalt  }
0x79: {  	_ =	shalt  }
0x7a: {  	_ =	shalt  }
0x7b: {  	_ =	shalt  }
0x7c: {  	_ =	shalt  }
0x7d: {  	_ =	shalt  }
0x7e: {  	_ =	shalt  }
0x7f: {  	_ =	shalt  }
0x80: {  	_ =	shalt  }
0x81: {  	_ =	shalt  }
0x82: {  	_ =	shalt  }
0x83: {  	_ =	shalt  }
0x84: {  	_ =	shalt  }
0x85: {  	_ =	shalt  }
0x86: {  	_ =	shalt  }
0x87: {  	_ =	shalt  }
.Lfunc_end0:
.L_simem_size_0:
called_computation.3_lowered:
.L_overlay_start_0:
0x88: {  	s2 =	sld [smem:$0x3FD9]  }
0x89: {  	s3 =	sld [smem:$0x3FFE];
	_ =	sdelay $0x1  }
0x8a: {  	s1 =	srdreg.scid  }
0x8b: {  	s0 =	sand.u32 $0x1, s1  }
0x8c: {  	s17 =	sshll.u32 s0, $0xA;
	s2 =	sadd.s32 s3, s2  }
0x8d: {  	s2 =	sadd.s32 s2, s17  }
0x8e: {  	[smem:$0x3FC0] =	sst s2  }
0x8f: {  	_ = 	snop  }
0x90: {  	s2 =	sld [smem:$0x3FD0];
	(tm) =	ssettm $0x1  }
0x91: {  	s18 =	sld [smem:$0x3FFB];
	_ =	sdelay $0x3  }
0x92: {  	_ =	strace s18  }
0x93: {  	s3 =	sld [smem:$0x3FFC];
	_ =	sdelay $0x3  }
0x94: {  	_ =	strace s3  }
0x95: {  	s3 =	sld [smem:$0x3FFD];
	_ =	sdelay $0x3  }
0x96: {  	_ =	strace s3  }
0x97: {  	_ =	strace $0x8FFFFFFF  }
0x98: {  	s19 =	sld [smem:$0x3FDB];
	_ =	sdelay $0x1  }
0x99: {  	s4 =	simm.s32 $_scs_section_size  }
0x9a: {  	s5 =	simm.s32 $_size__tile_overlayer_lowered;
	s6 =	simm.s32 $_tile_overlayer_lowered  }
0x9b: {  	s22 =	simm.s32 $0x1BFF;
	s21 =	sshll.u32 s6, $0x1;
	s3 =	sadd.s32 s4, s19  }
0x9c: {  	s7 =	simm.s32 $0x0;
	s20 =	sshll.u32 s5, $0x1;
	s5 =	sadd.s32 s21, s3  }
0x9d: {  	[timem:s7], [sflag:s22] =	dma.local [hbm:s5], s20  }
0x9e: {  	_ =	swait.ge [sflag:s22], s20  }
0x9f: {  	s4 =	ssub.s32 $0x0, s20;
	[sflag:s22] =	ssyncset.done $0x0  }
0xa0: {  	[sflag:s22] =	ssyncadd.s32 s4;
	_ =	sdelay $0x1  }
0xa1: {  	s23 =	simm.s32 $0x1B8B  }
0xa2: {  	_ =	swait.ge [sflag:s23], $0x1  }
0xa3: {  	[sflag:s23] =	ssyncset.done $0x0  }
0xa4: {  	s25 =	simm.s32 $0x1B8E;
	s24 =	sld [smem:$0x3FFE];
	[sflag:s23] =	ssyncadd.s32 $0xFFFFFFFF  }
0xa5: {  	s26 =	simm.s32 $execute0_lowered;
	[smem:$0x3FD2] =	sst s25  }
0xa6: {  	s5 =	sshll.u32 s26, $0x1;
	_ =	strace $0x8000004F;
	[dreg:$0x1] =	wrdreg $0xFFFFFFFF  }
0xa7: {  	s28 =	simm.s32 $_size_execute0_lowered;
	s3 =	sadd.s32 s3, s5;
	[dreg:$0x0] =	wrdreg $0x0  }
0xa8: {  	s5 =	sshll.u32 s28, $0x1;
	[dreg:$0x2] =	wrdreg s3  }
0xa9: {  	[dreg:$0x3] =	wrdreg s5  }
0xaa: {  	[dreg:$0x4] =	wrdreg $0xC0  }
0xab: {  	_ =	task [dreg:s7], $0x5FFFF  }
0xac: {  	[dreg:$0x1] =	wrdreg $0xFFFFFFFF  }
0xad: {  	[dreg:$0x0] =	wrdreg $0x60  }
0xae: {  	[dreg:$0x2] =	wrdreg s24  }
0xaf: {  	[dreg:$0x3] =	wrdreg s2  }
0xb0: {  	[dreg:$0x4] =	wrdreg $0xD0000  }
0xb1: {  	[dreg:$0x5] =	wrdreg $0x9  }
0xb2: {  	_ =	task.clear_ibuf [dreg:s7], $0x6FFFF;
	_ =	strace $0x9000004F  }
0xb3: {  	s29 =	simm.s32 $0x9;
	_ =	strace $0x80000051  }
0xb4: {  	_ =	swait.ge [sflag:s29], $0x1  }
0xb5: {  	[sflag:s29] =	ssyncadd.s32 $0xFFFFFFFF  }
0xb6: {  	_ =	strace $0x90000051  }
0xb7: {  	_ =	sfence  }
0xb8: {  	s30 =	sld [smem:$0x0];
	_ =	sdelay $0x2  }
0xb9: {  	s31 =	sshll.u32 s1, $0xD;
	s1 =	sshrl.u32 s1, $0x2  }
0xba: {  	s3 =	sand.u32 $0x4000, s31;
	s1 =	sadd.s32 s1, s30  }
0xbb: {  	s0 =	sor.u32 s3, s0;
	s1 =	sshll.u32 s1, $0x11  }
0xbc: {  	s0 =	sor.u32 s1, s0  }
0xbd: {  	s0 =	sadd.s32 $0x8F2B, s0  }
0xbe: {  	[sflag:s0] =	ssyncadd.remote.s32 $0x1  }
0xbf: {  	_ =	sfence.sel $0xFFFF  }
0xc0: {  	[dreg:$0x0] =	wrdreg $0xFFFFFFFF;
	(pc) =	sbr.abs _section_cstart, $3  }
0xc1: {  	[dreg:$0x1] =	wrdreg $0xFFFFFFFF  }
0xc2: {  	_ =	task.clear_ibuf [dreg:s7], $0x2FFFF;
	_ =	strace $0x9FFFFFFF  }
0xc3: {  	(tm) =	ssettm $0x7FFFFFFF  }
tec
execute0_lowered:
.L_overlay_start_1:
0x0: {  	(tag) =	ssettag $0x1  }
0x1: {  	s0 =	rddreg [dreg:$0x0]  }
0x2: {  	s7 =	rddreg [dreg:$0x1]  }
0x3: {  	s3 =	srdreg.scid;
	s2 =	rddreg [dreg:$0x2]  }
0x4: {  	s1 =	stileid.u32;
	s13 =	simm.s32 $0x2800;
	s14 =	simm.s32 $0x80  }
0x5: {  	s15 =	simm.s32 $0x5000;
	s16 =	simm.s32 $0x7000;
	s17 =	simm.s32 $0x100  }
0x6: {  	s18 =	simm.s32 $0x9000;
	s19 =	simm.s32 $0x180;
	s20 =	simm.s32 $0xB000  }
0x7: {  	s21 =	simm.s32 $0x1;
	s22 =	simm.s32 $0x2;
	s23 =	simm.s32 $0x3  }
0x8: {  	s24 =	simm.s32 $0x4;
	s25 =	simm.s32 $0x4E00;
	s28 =	simm.s32 $0x4F00  }
0x9: {  	s29 =	simm.s32 $0x4F80;
	s30 =	simm.s32 $0x0;
	s5 =	sand.u32 $0x1, s3  }
0xa: {  	s6 =	smul.u32 $0xA000, s1;
	s3 =	simm.s32 $0x0;
	s31 =	sshll.u32 s1, $0x6  }
0xb: {  	s4 =	sshll.u32 s5, $0x4;
	s8 =	smul.u32 $0xA0000, s5;
	[smem:$0x7FF] =	sst s3  }
0xc: {  	s11 =	ssub.s32 $0x2, s5;
	s5 =	sadd.s32 $0x21200, s0;
	s4 =	sor.u32 s1, s4  }
0xd: {  	_ =	strace $0x80000050;
	s26 =	sshrl.u32 s11, $0x1;
	s12 =	sadd.s32 s6, s2  }
0xe: {  	s9 =	smul.u32 $0x500, s4;
	s4 =	sadd.s32 $0xD200, s0;
	s8 =	sadd.s32 s6, s8  }
0xf: {  	s11 =	ssub.s32 s11, s26;
	s6 =	sor.u32 $0x1C05, s31;
	s8 =	sshrl.u32 s8, $0x3  }
0x10: {  	s26 =	simm.s32 $0x4E80;
	s10 =	sadd.s32 s9, s0;
	s0 =	sadd.s32 s8, s0  }
0x11: {  	s7 =	sadd.s32 s7, s9;
	s8 =	sadd.s32 $0x3200, s10;
	s9 =	sadd.s32 $0x5D200, s0  }
0x12: {  	s10 =	smax.u32 s11, $0x1;
	s11 =	sshrl.u32 s12, $0x3;
	s12 =	simm.s32 $0x5  }
.LBB2_1:
0x13: {  	[spmem:s11], [sflag:s6] =	dma.local [hbm:s5], $0x1400  }
0x14: {  	_ =	swait.ge [sflag:s12], $0x1400  }
0x15: {  	[sflag:s12] =	ssyncset.done $0x0  }
0x16: {  	[sflag:s12] =	ssyncadd.s32 $0xFFFFEC00  }
0x17: {  	[bflag:$0x0] =	sbarrier.arrive $0xFFFF  }
0x18: {  	[tilespmem:s3], [sflag:$0x5] =	stream.linear.gather [hbm4b:s7+s3], $0x2800, $0x38;
	[tilespmem:$0x17000] =	vst v63  }
0x19: {  	_ =	swait.ge [sflag:s12], $0x2800  }
0x1a: {  	[sflag:s12] =	ssyncset.done $0x0  }
0x1b: {  	[sflag:s12] =	ssyncadd.s32 $0xFFFFD800  }
0x1c: {  	[tilespmem:s13], [sflag:$0x5] =	stream.linear.gather [hbm4b:s8+s3], $0x2800, $0x38;
	[tilespmem:$0x17000] =	vst v63  }
0x1d: {  	_ =	swait.ge [sflag:s12], $0x2800  }
0x1e: {  	[sflag:s12] =	ssyncset.done $0x0  }
0x1f: {  	[sflag:s12] =	ssyncadd.s32 $0xFFFFD800  }
0x20: {  	[tilespmem:s15], [sflag:$0x1] =	stream.indirect.gather [hbm4b:s4+s14], $0x40, s3, s14, $0xb8;
	[tilespmem:$0x17000] =	vst v63  }
0x21: {  	_ = 	snop  }
0x22: {  	[tilespmem:s16], [sflag:$0x2] =	stream.indirect.gather [hbm4b:s4+s14], $0x40, s14, s14, $0xb8;
	[tilespmem:$0x17000] =	vst v63  }
0x23: {  	_ = 	snop  }
0x24: {  	[tilespmem:s18], [sflag:$0x3] =	stream.indirect.gather [hbm4b:s4+s14], $0x40, s17, s14, $0xb8;
	[tilespmem:$0x17000] =	vst v63  }
0x25: {  	_ = 	snop  }
0x26: {  	[tilespmem:s20], [sflag:$0x4] =	stream.indirect.gather [hbm4b:s4+s14], $0x40, s19, s14, $0xb8;
	[tilespmem:$0x17000] =	vst v63  }
0x27: {  	_ =	swait.ge [sflag:s21], $0x2000  }
0x28: {  	[sflag:s21] =	ssyncset.done $0x0  }
0x29: {  	s0 =	simm.s32 $0x2800;
	[sflag:s21] =	ssyncadd.s32 $0xFFFFE000  }
0x2a: {  	[spmem:s2] =	stream.indirect.scatter.add.f32 [tilespmem:s15], [sflag:$0x5], $0x40, s0, s14, $0xb8;
	[tilespmem:$0x17000] =	vst v63  }
0x2b: {  	_ =	swait.ge [sflag:s12], $0x2000  }
0x2c: {  	[sflag:s12] =	ssyncset.done $0x0  }
0x2d: {  	s1 =	simm.s32 $0x200;
	[sflag:s12] =	ssyncadd.s32 $0xFFFFE000  }
0x2e: {  	[tilespmem:s15], [sflag:$0x1] =	stream.indirect.gather [hbm4b:s4+s14], $0x40, s1, s14, $0xb8;
	[tilespmem:$0x17000] =	vst v63  }
0x2f: {  	_ =	swait.ge [sflag:s22], $0x2000  }
0x30: {  	[sflag:s22] =	ssyncset.done $0x0  }
0x31: {  	s1 =	simm.s32 $0x2880;
	[sflag:s22] =	ssyncadd.s32 $0xFFFFE000  }
0x32: {  	[spmem:s2] =	stream.indirect.scatter.add.f32 [tilespmem:s16], [sflag:$0x5], $0x40, s1, s14, $0xb8;
	[tilespmem:$0x17000] =	vst v63  }
0x33: {  	_ =	swait.ge [sflag:s12], $0x2000  }
0x34: {  	[sflag:s12] =	ssyncset.done $0x0  }
0x35: {  	s1 =	simm.s32 $0x280;
	[sflag:s12] =	ssyncadd.s32 $0xFFFFE000  }
0x36: {  	[tilespmem:s16], [sflag:$0x2] =	stream.indirect.gather [hbm4b:s4+s14], $0x40, s1, s14, $0xb8;
	[tilespmem:$0x17000] =	vst v63  }
0x37: {  	_ =	swait.ge [sflag:s23], $0x2000  }
0x38: {  	[sflag:s23] =	ssyncset.done $0x0  }
0x39: {  	s1 =	simm.s32 $0x2900;
	[sflag:s23] =	ssyncadd.s32 $0xFFFFE000  }
0x3a: {  	[spmem:s2] =	stream.indirect.scatter.add.f32 [tilespmem:s18], [sflag:$0x5], $0x40, s1, s14, $0xb8;
	[tilespmem:$0x17000] =	vst v63  }
0x3b: {  	_ =	swait.ge [sflag:s12], $0x2000  }
0x3c: {  	[sflag:s12] =	ssyncset.done $0x0  }
0x3d: {  	s1 =	simm.s32 $0x300;
	[sflag:s12] =	ssyncadd.s32 $0xFFFFE000  }
0x3e: {  	[tilespmem:s18], [sflag:$0x3] =	stream.indirect.gather [hbm4b:s4+s14], $0x40, s1, s14, $0xb8;
	[tilespmem:$0x17000] =	vst v63  }
0x3f: {  	_ =	swait.ge [sflag:s24], $0x2000  }
0x40: {  	[sflag:s24] =	ssyncset.done $0x0  }
0x41: {  	s1 =	simm.s32 $0x2980;
	[sflag:s24] =	ssyncadd.s32 $0xFFFFE000  }
0x42: {  	[spmem:s2] =	stream.indirect.scatter.add.f32 [tilespmem:s20], [sflag:$0x5], $0x40, s1, s14, $0xb8;
	[tilespmem:$0x17000] =	vst v63  }
0x43: {  	_ =	swait.ge [sflag:s12], $0x2000  }
0x44: {  	[sflag:s12] =	ssyncset.done $0x0  }
0x45: {  	s31 =	simm.s32 $0x800;
	s0 =	simm.s32 $0x380;
	[sflag:s12] =	ssyncadd.s32 $0xFFFFE000  }
.LBB2_2:
0x46: {  	[tilespmem:s20], [sflag:$0x4] =	stream.indirect.gather [hbm4b:s4+s14], $0x40, s0, s14, $0xb8;
	[tilespmem:$0x17000] =	vst v63  }
0x47: {  	s0 =	smov.u32 s31  }
0x48: {  	p0 =	sne.s32 s31, $0x9000;
	s31 =	sadd.s32 $0x800, s31;
	_ =	swait.ge [sflag:s21], $0x2000  }
0x49: {  	s0 =	sshra.s32 s0, $0x2;
	[sflag:s21] =	ssyncset.done $0x0  }
0x4a: {  	s1 =	sadd.s32 $0x2800, s0;
	[sflag:s21] =	ssyncadd.s32 $0xFFFFE000  }
0x4b: {  	[spmem:s2] =	stream.indirect.scatter.add.f32 [tilespmem:s15], [sflag:$0x5], $0x40, s1, s14, $0xb8;
	[tilespmem:$0x17000] =	vst v63  }
0x4c: {  	_ =	swait.ge [sflag:s12], $0x2000  }
0x4d: {  	[sflag:s12] =	ssyncset.done $0x0  }
0x4e: {  	s1 =	sadd.s32 $0x200, s0;
	[sflag:s12] =	ssyncadd.s32 $0xFFFFE000  }
0x4f: {  	[tilespmem:s15], [sflag:$0x1] =	stream.indirect.gather [hbm4b:s4+s14], $0x40, s1, s14, $0xb8;
	[tilespmem:$0x17000] =	vst v63  }
0x50: {  	_ =	swait.ge [sflag:s22], $0x2000  }
0x51: {  	[sflag:s22] =	ssyncset.done $0x0  }
0x52: {  	s1 =	sadd.s32 $0x2880, s0;
	[sflag:s22] =	ssyncadd.s32 $0xFFFFE000  }
0x53: {  	[spmem:s2] =	stream.indirect.scatter.add.f32 [tilespmem:s16], [sflag:$0x5], $0x40, s1, s14, $0xb8;
	[tilespmem:$0x17000] =	vst v63  }
0x54: {  	_ =	swait.ge [sflag:s12], $0x2000  }
0x55: {  	[sflag:s12] =	ssyncset.done $0x0  }
0x56: {  	s1 =	sadd.s32 $0x280, s0;
	[sflag:s12] =	ssyncadd.s32 $0xFFFFE000  }
0x57: {  	[tilespmem:s16], [sflag:$0x2] =	stream.indirect.gather [hbm4b:s4+s14], $0x40, s1, s14, $0xb8;
	[tilespmem:$0x17000] =	vst v63  }
0x58: {  	_ =	swait.ge [sflag:s23], $0x2000  }
0x59: {  	[sflag:s23] =	ssyncset.done $0x0  }
0x5a: {  	s1 =	sadd.s32 $0x2900, s0;
	[sflag:s23] =	ssyncadd.s32 $0xFFFFE000  }
0x5b: {  	[spmem:s2] =	stream.indirect.scatter.add.f32 [tilespmem:s18], [sflag:$0x5], $0x40, s1, s14, $0xb8;
	[tilespmem:$0x17000] =	vst v63  }
0x5c: {  	_ =	swait.ge [sflag:s12], $0x2000  }
0x5d: {  	[sflag:s12] =	ssyncset.done $0x0  }
0x5e: {  	s1 =	sadd.s32 $0x300, s0;
	[sflag:s12] =	ssyncadd.s32 $0xFFFFE000  }
0x5f: {  	[tilespmem:s18], [sflag:$0x3] =	stream.indirect.gather [hbm4b:s4+s14], $0x40, s1, s14, $0xb8;
	[tilespmem:$0x17000] =	vst v63  }
0x60: {  	_ =	swait.ge [sflag:s24], $0x2000  }
0x61: {  	[sflag:s24] =	ssyncset.done $0x0  }
.Ltmp0:
0x62: {  	s1 =	sadd.s32 $0x2980, s0;
	[sflag:s24] =	ssyncadd.s32 $0xFFFFE000;
	(pc) =	sbr.rel @p0 .LBB2_2-.Ltmp0, $4  }
0x63: {  	[spmem:s2] =	stream.indirect.scatter.add.f32 [tilespmem:s20], [sflag:$0x5], $0x40, s1, s14, $0xb8;
	[tilespmem:$0x17000] =	vst v63  }
0x64: {  	_ =	swait.ge [sflag:s12], $0x2000  }
0x65: {  	[sflag:s12] =	ssyncset.done $0x0  }
0x66: {  	s0 =	sadd.s32 $0x380, s0;
	[sflag:s12] =	ssyncadd.s32 $0xFFFFE000  }
0x67: {  	[tilespmem:s20], [sflag:$0x4] =	stream.indirect.gather [hbm4b:s4+s14], $0x40, s0, s14, $0xb8;
	[tilespmem:$0x17000] =	vst v63  }
0x68: {  	_ =	swait.ge [sflag:s21], $0x2000  }
0x69: {  	[sflag:s21] =	ssyncset.done $0x0  }
0x6a: {  	[sflag:s21] =	ssyncadd.s32 $0xFFFFE000  }
0x6b: {  	[spmem:s2] =	stream.indirect.scatter.add.f32 [tilespmem:s15], [sflag:$0x5], $0x40, s25, s14, $0xb8;
	[tilespmem:$0x17000] =	vst v63  }
0x6c: {  	_ =	swait.ge [sflag:s12], $0x2000  }
0x6d: {  	[sflag:s12] =	ssyncset.done $0x0  }
0x6e: {  	[sflag:s12] =	ssyncadd.s32 $0xFFFFE000  }
0x6f: {  	_ =	swait.ge [sflag:s22], $0x2000  }
0x70: {  	[sflag:s22] =	ssyncset.done $0x0  }
0x71: {  	[sflag:s22] =	ssyncadd.s32 $0xFFFFE000  }
0x72: {  	[spmem:s2] =	stream.indirect.scatter.add.f32 [tilespmem:s16], [sflag:$0x5], $0x40, s26, s14, $0xb8;
	[tilespmem:$0x17000] =	vst v63  }
0x73: {  	_ =	swait.ge [sflag:s12], $0x2000  }
0x74: {  	[sflag:s12] =	ssyncset.done $0x0  }
0x75: {  	[sflag:s12] =	ssyncadd.s32 $0xFFFFE000  }
0x76: {  	_ =	swait.ge [sflag:s23], $0x2000  }
0x77: {  	[sflag:s23] =	ssyncset.done $0x0  }
0x78: {  	[sflag:s23] =	ssyncadd.s32 $0xFFFFE000  }
0x79: {  	[spmem:s2] =	stream.indirect.scatter.add.f32 [tilespmem:s18], [sflag:$0x5], $0x40, s28, s14, $0xb8;
	[tilespmem:$0x17000] =	vst v63  }
0x7a: {  	_ =	swait.ge [sflag:s12], $0x2000  }
0x7b: {  	[sflag:s12] =	ssyncset.done $0x0  }
0x7c: {  	[sflag:s12] =	ssyncadd.s32 $0xFFFFE000  }
0x7d: {  	_ =	swait.ge [sflag:s24], $0x2000  }
0x7e: {  	[sflag:s24] =	ssyncset.done $0x0  }
0x7f: {  	[sflag:s24] =	ssyncadd.s32 $0xFFFFE000  }
0x80: {  	[spmem:s2] =	stream.indirect.scatter.add.f32 [tilespmem:s20], [sflag:$0x5], $0x40, s29, s14, $0xb8;
	[tilespmem:$0x17000] =	vst v63  }
0x81: {  	_ =	swait.ge [sflag:s12], $0x2000  }
0x82: {  	s30 =	sadd.s32 $0x1, s30;
	[sflag:s12] =	ssyncset.done $0x0  }
0x83: {  	p0 =	sne.s32 s30, s10;
	[sflag:s12] =	ssyncadd.s32 $0xFFFFE000  }
.Ltmp1:
0x84: {  	[bflag:$0x0] =	sbarrier.arrive $0xFFFF;
	(pc) =	sbr.rel @p0 .LBB2_1-.Ltmp1, $4  }
0x85: {  	[hbm:s9], [sflag:s6] =	dma.local [spmem:s11], $0x1400  }
0x86: {  	_ =	swait.ge [sflag:s12], $0x1400  }
0x87: {  	[sflag:s12] =	ssyncset.done $0x0  }
0x88: {  	[sflag:s12] =	ssyncadd.s32 $0xFFFFEC00  }
0x89: {  	_ =	sfence.sel $0x180000  }
0x8a: {  	[bflag:$0x0] =	sbarrier.arrive $0xFFFF  }
0x8b: {  	_ =	strace $0x90000050  }
0x8c: {  	s0 =	stileid.u32;
	[bflag:$0x2] =	sbarrier.arrive $0xFFFF  }
0x8d: {  	p0 =	sne.s32 s0, $0x0;
	s0 =	rddreg [dreg:$0x3]  }
0x8e: {  	s0 =	sadd.s32 @!p0 $0x100000, s0  }
0x8f: {  	[sflag:s0] =	ssyncadd.tile.s32 @!p0 $0x1;
	_ =	shalt  }
.Lfunc_end2:
_tile_overlayer_lowered:
.L_overlay_start_2:
0x90: {  	(tag) =	ssettag $0x2  }
0x91: {  	s0 =	rddreg [dreg:$0x0];
	s2 =	stileid.u32  }
0x92: {  	s1 =	rddreg [dreg:$0x1];
	p0 =	sne.s32 s2, $0x0  }
0x93: {  	s3 =	rddreg [dreg:$0x2];
	[bflag:$0x3] =	sbarrier.arrive $0xFFFF;
	s2 =	simm.s32 @!p0 $0x1C05  }
0x94: {  	[timem:s3], [sflag:s2] =	dma.local @!p0 [hbm:s0], s1  }
0x95: {  	s0 =	simm.s32 @!p0 $0x5  }
0x96: {  	_ =	swait.ge @!p0 [sflag:s0], s1  }
0x97: {  	s1 =	ssub.s32 @!p0 $0x0, s1;
	[sflag:s0] =	ssyncset.done @!p0 $0x0  }
0x98: {  	[sflag:s0] =	ssyncadd.s32 @!p0 s1  }
0x99: {  	[bflag:$0x3] =	sbarrier.arrive $0xFFFF  }
0x9a: {  	_ =	shalt  }

</sc_bundles>
